<compile_context>
chip_gen: v7x
topology: tpu7x:2x2x1
jax: 0.10.2.dev20260603
libtpu: 0.0.44.dev20260713+nightly
codegen_flags: <defaults>
</compile_context>

<pallas_src>
import functools

import jax
import jax.numpy as jnp
from jax import lax
from jax.experimental import pallas as pl
from jax.experimental.pallas import tpu as pltpu
from jax.experimental.pallas import tpu_sc as plsc

N_NODES = 10000
T_STEPS = 4
D_FEAT = 128
L_LAYERS = 2

NPAD = 10240
DUMMY_ROW = NPAD - 8
NC, NS = 2, 16
NW = NC * NS
CHUNK = 128
ROW_BLK = 256
GRID_ROWS = NPAD // ROW_BLK
TILE_ROWS = NPAD // NS

_PNAMES = ('W0', 'Wz', 'Wr', 'Wh', 'Uz', 'Ur', 'Uh', 'Bz', 'Br', 'Bh')


def _prep_edges(edge_index):
  src, dst = edge_index[0], edge_index[1]
  e = src.shape[0]
  per = -(-e // NW)
  nchunks = -(-per // CHUNK)
  perp = nchunks * CHUNK
  tot = NW * perp
  pad_dst = N_NODES + (jnp.arange(tot - e, dtype=jnp.int32) % 192)
  src = jnp.pad(src, (0, tot - e))
  dst = jnp.concatenate([dst, pad_dst])
  src = src.reshape(perp, NW).T
  dst = dst.reshape(perp, NW).T
  return (src.reshape(NC, NS, nchunks, CHUNK),
          dst.reshape(NC, NS, nchunks, CHUNK), nchunks)



def _deg_call(dstw, ones, zeros, nchunks):
  mesh = plsc.VectorSubcoreMesh(core_axis_name="c", subcore_axis_name="s")

  @functools.partial(
      pl.kernel, mesh=mesh,
      out_type=jax.ShapeDtypeStruct((NC, NPAD, D_FEAT), jnp.float32),
      scratch_types=[
          pltpu.VMEM((nchunks, CHUNK), jnp.int32),
          pltpu.VMEM((CHUNK, D_FEAT), jnp.float32),
          pltpu.VMEM_SHARED((NPAD, D_FEAT), jnp.float32),
      ],
  )
  def deg_kernel(dst_hbm, ones_hbm, zeros_hbm, out_hbm, dst_v, ones_v, acc):
    c = lax.axis_index("c")
    s = lax.axis_index("s")
    pltpu.sync_copy(dst_hbm.at[c, s], dst_v)
    pltpu.sync_copy(ones_hbm, ones_v)
    rows = pl.ds(s * TILE_ROWS, TILE_ROWS)
    pltpu.sync_copy(zeros_hbm.at[rows], acc.at[rows])
    plsc.subcore_barrier()

    def body(j, carry):
      pltpu.sync_copy(ones_v, acc.at[dst_v.at[j]], add=True)
      return carry

    lax.fori_loop(0, nchunks, body, 0)
    plsc.subcore_barrier()
    pltpu.sync_copy(acc.at[rows], out_hbm.at[c, rows])

  return deg_kernel(dstw, ones, zeros)


def _mp_call(hp, srcw, dstw, zeros, nchunks):
  mesh = plsc.VectorSubcoreMesh(core_axis_name="c", subcore_axis_name="s")

  @functools.partial(
      pl.kernel, mesh=mesh,
      out_type=jax.ShapeDtypeStruct((NC, T_STEPS, NPAD, D_FEAT), jnp.float32),
      scratch_types=[
          pltpu.VMEM((nchunks, CHUNK), jnp.int32),
          pltpu.VMEM((nchunks, CHUNK), jnp.int32),
          pltpu.VMEM((CHUNK, D_FEAT), jnp.float32),
          pltpu.VMEM_SHARED((NPAD, D_FEAT), jnp.float32),
          pltpu.SemaphoreType.DMA,
      ],
  )
  def mp_kernel(h0, h1, h2, h3, src_hbm, dst_hbm, zeros_hbm, out_hbm,
                src_v, dst_v, rows_v, acc, sem):
    c = lax.axis_index("c")
    s = lax.axis_index("s")
    pltpu.sync_copy(src_hbm.at[c, s], src_v)
    pltpu.sync_copy(dst_hbm.at[c, s], dst_v)
    rows = pl.ds(s * TILE_ROWS, TILE_ROWS)
    for t, h_hbm in enumerate((h0, h1, h2, h3)):
      pltpu.sync_copy(zeros_hbm.at[rows], acc.at[rows])
      plsc.subcore_barrier()

      def body(j, carry):
        pltpu.async_copy(h_hbm.at[src_v.at[j]], rows_v, sem).wait()
        pltpu.sync_copy(rows_v, acc.at[dst_v.at[j]], add=True)
        return carry

      lax.fori_loop(0, nchunks, body, 0)
      plsc.subcore_barrier()
      pltpu.sync_copy(acc.at[rows], out_hbm.at[c, t, rows])

  return mp_kernel(hp[0], hp[1], hp[2], hp[3], srcw, dstw, zeros)



def _evolve_kernel(deg_ref, *refs):
  prefs = refs[:len(_PNAMES)]
  wout, dinv_out = refs[len(_PNAMES):]
  p = dict(zip(_PNAMES, prefs))
  deg = deg_ref[0][:, 0:1] + deg_ref[1][:, 0:1] + 1.0
  dinv_out[...] = lax.rsqrt(deg)
  for l in range(L_LAYERS):
    h = p['W0'][l]
    for t in range(T_STEPS):
      wz = jnp.dot(p['Wz'][l], h, preferred_element_type=jnp.float32)
      uz = jnp.dot(p['Uz'][l], h, preferred_element_type=jnp.float32)
      z = jax.nn.sigmoid(wz + uz + p['Bz'][l])
      wr = jnp.dot(p['Wr'][l], h, preferred_element_type=jnp.float32)
      ur = jnp.dot(p['Ur'][l], h, preferred_element_type=jnp.float32)
      r = jax.nn.sigmoid(wr + ur + p['Br'][l])
      wh = jnp.dot(p['Wh'][l], h, preferred_element_type=jnp.float32)
      uh = jnp.dot(p['Uh'][l], r * h, preferred_element_type=jnp.float32)
      ht = jnp.tanh(wh + uh + p['Bh'][l])
      h = (1.0 - z) * h + z * ht
      wout[l, t] = h


def _evolve_call(degp, stacked):
  return pl.pallas_call(
      _evolve_kernel,
      out_shape=[
          jax.ShapeDtypeStruct((L_LAYERS, T_STEPS, D_FEAT, D_FEAT), jnp.float32),
          jax.ShapeDtypeStruct((NPAD, 1), jnp.float32),
      ],
  )(degp, *[stacked[n] for n in _PNAMES])


_DINV_SPEC = pl.BlockSpec((ROW_BLK, 1), lambda t, i: (i, 0))


def _mm0_kernel(x_ref, w_ref, dinv_ref, out_ref):
  h = jnp.dot(x_ref[0], w_ref[0], preferred_element_type=jnp.float32)
  out_ref[0] = dinv_ref[...] * h


def _mm0_call(xt, w, dinv):
  return pl.pallas_call(
      _mm0_kernel,
      grid=(T_STEPS, GRID_ROWS),
      in_specs=[
          pl.BlockSpec((1, ROW_BLK, D_FEAT), lambda t, i: (t, i, 0)),
          pl.BlockSpec((1, D_FEAT, D_FEAT), lambda t, i: (t, 0, 0)),
          _DINV_SPEC,
      ],
      out_specs=pl.BlockSpec((1, ROW_BLK, D_FEAT), lambda t, i: (t, i, 0)),
      out_shape=jax.ShapeDtypeStruct((T_STEPS, NPAD, D_FEAT), jnp.float32),
  )(xt, w, dinv)


def _mm1_kernel(p_ref, h_ref, w_ref, dinv_ref, out_ref):
  dinv = dinv_ref[...]
  u = jnp.maximum(dinv * (p_ref[0, 0] + p_ref[1, 0] + h_ref[0]), 0.0)
  out_ref[0] = dinv * jnp.dot(u, w_ref[0], preferred_element_type=jnp.float32)


def _mm1_call(partials, hp, w, dinv):
  return pl.pallas_call(
      _mm1_kernel,
      grid=(T_STEPS, GRID_ROWS),
      in_specs=[
          pl.BlockSpec((NC, 1, ROW_BLK, D_FEAT), lambda t, i: (0, t, i, 0)),
          pl.BlockSpec((1, ROW_BLK, D_FEAT), lambda t, i: (t, i, 0)),
          pl.BlockSpec((1, D_FEAT, D_FEAT), lambda t, i: (t, 0, 0)),
          _DINV_SPEC,
      ],
      out_specs=pl.BlockSpec((1, ROW_BLK, D_FEAT), lambda t, i: (t, i, 0)),
      out_shape=jax.ShapeDtypeStruct((T_STEPS, NPAD, D_FEAT), jnp.float32),
  )(partials, hp, w, dinv)


def _final_kernel(p_ref, h_ref, dinv_ref, out_ref):
  dinv = dinv_ref[...]
  out_ref[0] = jnp.maximum(dinv * (p_ref[0, 0] + p_ref[1, 0] + h_ref[0]), 0.0)


def _final_call(partials, hp, dinv):
  return pl.pallas_call(
      _final_kernel,
      grid=(T_STEPS, GRID_ROWS),
      in_specs=[
          pl.BlockSpec((NC, 1, ROW_BLK, D_FEAT), lambda t, i: (0, t, i, 0)),
          pl.BlockSpec((1, ROW_BLK, D_FEAT), lambda t, i: (t, i, 0)),
          _DINV_SPEC,
      ],
      out_specs=pl.BlockSpec((1, ROW_BLK, D_FEAT), lambda t, i: (t, i, 0)),
      out_shape=jax.ShapeDtypeStruct((T_STEPS, NPAD, D_FEAT), jnp.float32),
  )(partials, hp, dinv)



@jax.jit
def kernel(x, edge_index, params):
  n = x.shape[0]
  srcw, dstw, nchunks = _prep_edges(edge_index)
  xt = jnp.transpose(x, (1, 0, 2))
  xt = jnp.pad(xt, ((0, 0), (0, NPAD - n), (0, 0)))
  zeros = jnp.zeros((NPAD, D_FEAT), jnp.float32)
  ones = jnp.ones((CHUNK, D_FEAT), jnp.float32)
  stacked = {nm: jnp.stack([p[nm] for p in params]) for nm in _PNAMES}

  degp = _deg_call(dstw, ones, zeros, nchunks)
  w_all, dinv = _evolve_call(degp, stacked)

  h1 = _mm0_call(xt, w_all[0], dinv)
  p1 = _mp_call(h1, srcw, dstw, zeros, nchunks)
  h2 = _mm1_call(p1, h1, w_all[1], dinv)
  p2 = _mp_call(h2, srcw, dstw, zeros, nchunks)
  y = _final_call(p2, h2, dinv)
  return jnp.transpose(y[:, :n], (1, 0, 2))

# --- scband reference (transcript-rebuilt; emitter-appended) ---
"""Pipeline reference for scband-evolve-gcnmod-43258910605896 (READ-ONLY COPY).

The authoritative reference and input builder live on the scoring server;
editing this copy changes nothing except your own understanding.
"""

import jax, jax.numpy as jnp
import numpy as np

N = 10000
T = 4
D = 128
H = 128
L = 2
E = 320000


def setup_inputs(seed: int = 0) -> dict:
    key = jax.random.key(seed)
    ks = jax.random.split(key, 2 + L * 7)
    x = jax.random.normal(ks[0], (N, T, D), dtype=jnp.float32)
    edge_index = jax.random.randint(ks[1], (2, E), 0, N, dtype=jnp.int32)
    params = []
    i = 2
    for l in range(L):
        din = D if l == 0 else H
        scale = 1.0 / np.sqrt(din)
        p = {}
        names = ['W0', 'Wz', 'Wr', 'Wh', 'Uz', 'Ur', 'Uh']
        shapes = [(din, H), (din, din), (din, din), (din, din), (din, din), (din, din), (din, din)]
        for n, s in zip(names, shapes):
            p[n] = jax.random.normal(ks[i], s, dtype=jnp.float32) * scale
            i += 1
        for n in ['Bz', 'Br', 'Bh']:
            p[n] = jnp.zeros((din, H), dtype=jnp.float32)
        params.append(p)
    return {"x": x, "edge_index": edge_index, "params": params}


def gcn_norm(edge_index, num_nodes):
    # symmetric GCN normalization with added self-loops
    src, dst = edge_index[0], edge_index[1]
    loop = jnp.arange(num_nodes, dtype=src.dtype)
    src = jnp.concatenate([src, loop])
    dst = jnp.concatenate([dst, loop])
    ones = jnp.ones(src.shape[0], dtype=jnp.float32)
    deg = jax.ops.segment_sum(ones, dst, num_segments=num_nodes)
    dinv = jnp.where(deg > 0, 1.0 / jnp.sqrt(deg), 0.0)
    w = dinv[src] * dinv[dst]
    return src, dst, w


def mat_gru(p, X, Hs):
    # matrix GRU from the EvolveGCN paper: evolves the GCN weight matrix
    Z = jax.nn.sigmoid(p['Wz'] @ X + p['Uz'] @ Hs + p['Bz'])
    R = jax.nn.sigmoid(p['Wr'] @ X + p['Ur'] @ Hs + p['Br'])
    Ht = jnp.tanh(p['Wh'] @ X + p['Uh'] @ (R * Hs) + p['Bh'])
    return (1.0 - Z) * Hs + Z * Ht


def reference(x, edge_index, params):
    num_nodes = x.shape[0]
    src, dst, w = gcn_norm(edge_index, num_nodes)
    steps = x.shape[1]
    hstate = [p['W0'] for p in params]
    outs = []
    for t in range(steps):
        out = x[:, t]
        for c, p in enumerate(params):
            # variant 'O': GRU input is the previous weight itself
            Wt = mat_gru(p, hstate[c], hstate[c])
            hstate[c] = Wt
            h = out @ Wt
            msg = h[src] * w[:, None]
            out = jax.ops.segment_sum(msg, dst, num_segments=num_nodes)
            out = jax.nn.relu(out)
        outs.append(out)
    return jnp.stack(outs, axis=1)

if __name__ == "__main__":
    import jax
    _d = setup_inputs()
    print(jax.jit(kernel)(*tuple(_d.values())))

</pallas_src>

<mosaic_0001>
#map = affine_map<(d0, d1) -> (0, 0)>
#map1 = affine_map<(d0, d1) -> (0, 0, 0, 0)>
module attributes {stable_mosaic.version = 14 : i64} {
  func.func @mp_kernel(%arg0: i32, %arg1: i32, %arg2: memref<10240x128xf32, #tpu.memory_space<hbm>>, %arg3: memref<10240x128xf32, #tpu.memory_space<hbm>>, %arg4: memref<10240x128xf32, #tpu.memory_space<hbm>>, %arg5: memref<10240x128xf32, #tpu.memory_space<hbm>>, %arg6: memref<2x16x79x128xi32, #tpu.memory_space<hbm>>, %arg7: memref<2x16x79x128xi32, #tpu.memory_space<hbm>>, %arg8: memref<10240x128xf32, #tpu.memory_space<hbm>>, %arg9: memref<2x4x10240x128xf32, #tpu.memory_space<hbm>>, %arg10: memref<79x128xi32, #tpu.memory_space<vmem>>, %arg11: memref<79x128xi32, #tpu.memory_space<vmem>>, %arg12: memref<128x128xf32, #tpu.memory_space<vmem>>, %arg13: memref<10240x128xf32, #tpu.memory_space<vmem_shared>>, %arg14: memref<!tpu.dma_semaphore, #tpu.memory_space<semaphore_mem>>) attributes {dimension_semantics = [#tpu.dimension_semantics<core_parallel>, #tpu.dimension_semantics<subcore_parallel>], iteration_bounds = array<i64: 2, 16>, scalar_prefetch = 0 : i64, scratch_operands = 5 : i64, tpu.core_type = #tpu.core_type<sc_vector_subcore>, window_params = [{transform_indices = #map}, {transform_indices = #map}, {transform_indices = #map}, {transform_indices = #map}, {transform_indices = #map1}, {transform_indices = #map1}, {transform_indices = #map}, {transform_indices = #map1}]} {
    "tpu.region"() ({
      %run_scoped3A_34 = tpu.sem_alloc : memref<!tpu.dma_semaphore, #tpu.memory_space<semaphore_mem>>
      %dma_start3A = arith.constant 0 : i32
      %dma_start3A_35 = arith.constant 0 : i32
      %dma_start3A_36 = tpu.memref_slice %arg6[%arg0, %arg1, %dma_start3A, %dma_start3A_35] : memref<2x16x79x128xi32, #tpu.memory_space<hbm>> -> memref<1x1x79x128xi32, #tpu.memory_space<hbm>>
      %dma_start3A_37 = tpu.memref_squeeze %dma_start3A_36 : memref<1x1x79x128xi32, #tpu.memory_space<hbm>> -> memref<79x128xi32, #tpu.memory_space<hbm>>
      %dma_start3A_38 = arith.constant 0 : i32
      %dma_start3A_39 = arith.constant 0 : i32
      %dma_start3A_40 = tpu.memref_slice %arg6[%arg0, %arg1, %dma_start3A_38, %dma_start3A_39] : memref<2x16x79x128xi32, #tpu.memory_space<hbm>> -> memref<1x1x79x128xi32, #tpu.memory_space<hbm>>
      %dma_start3A_41 = tpu.memref_squeeze %dma_start3A_40 : memref<1x1x79x128xi32, #tpu.memory_space<hbm>> -> memref<79x128xi32, #tpu.memory_space<hbm>>
      tpu.enqueue_dma source(%dma_start3A_41 : memref<79x128xi32, #tpu.memory_space<hbm>>) target(%arg10 : memref<79x128xi32, #tpu.memory_space<vmem>>) target_semaphore(%run_scoped3A_34 : memref<!tpu.dma_semaphore, #tpu.memory_space<semaphore_mem>>)
      %dma_wait3A = arith.constant 0 : i32
      %dma_wait3A_42 = arith.constant 0 : i32
      %dma_wait3A_43 = tpu.memref_slice %arg6[%arg0, %arg1, %dma_wait3A, %dma_wait3A_42] : memref<2x16x79x128xi32, #tpu.memory_space<hbm>> -> memref<1x1x79x128xi32, #tpu.memory_space<hbm>>
      %dma_wait3A_44 = tpu.memref_squeeze %dma_wait3A_43 : memref<1x1x79x128xi32, #tpu.memory_space<hbm>> -> memref<79x128xi32, #tpu.memory_space<hbm>>
      %dma_wait3A_45 = arith.constant 0 : i32
      %dma_wait3A_46 = arith.constant 0 : i32
      %dma_wait3A_47 = tpu.memref_slice %arg6[%arg0, %arg1, %dma_wait3A_45, %dma_wait3A_46] : memref<2x16x79x128xi32, #tpu.memory_space<hbm>> -> memref<1x1x79x128xi32, #tpu.memory_space<hbm>>
      %dma_wait3A_48 = tpu.memref_squeeze %dma_wait3A_47 : memref<1x1x79x128xi32, #tpu.memory_space<hbm>> -> memref<79x128xi32, #tpu.memory_space<hbm>>
      tpu.wait_dma2 semaphore(%run_scoped3A_34 : memref<!tpu.dma_semaphore, #tpu.memory_space<semaphore_mem>>) src(%dma_wait3A_48 : memref<79x128xi32, #tpu.memory_space<hbm>>) dst(%arg10 : memref<79x128xi32, #tpu.memory_space<vmem>>)
      tpu.yield
    }) : () -> ()
    "tpu.region"() ({
      %run_scoped3A_34 = tpu.sem_alloc : memref<!tpu.dma_semaphore, #tpu.memory_space<semaphore_mem>>
      %dma_start3A = arith.constant 0 : i32
      %dma_start3A_35 = arith.constant 0 : i32
      %dma_start3A_36 = tpu.memref_slice %arg7[%arg0, %arg1, %dma_start3A, %dma_start3A_35] : memref<2x16x79x128xi32, #tpu.memory_space<hbm>> -> memref<1x1x79x128xi32, #tpu.memory_space<hbm>>
      %dma_start3A_37 = tpu.memref_squeeze %dma_start3A_36 : memref<1x1x79x128xi32, #tpu.memory_space<hbm>> -> memref<79x128xi32, #tpu.memory_space<hbm>>
      %dma_start3A_38 = arith.constant 0 : i32
      %dma_start3A_39 = arith.constant 0 : i32
      %dma_start3A_40 = tpu.memref_slice %arg7[%arg0, %arg1, %dma_start3A_38, %dma_start3A_39] : memref<2x16x79x128xi32, #tpu.memory_space<hbm>> -> memref<1x1x79x128xi32, #tpu.memory_space<hbm>>
      %dma_start3A_41 = tpu.memref_squeeze %dma_start3A_40 : memref<1x1x79x128xi32, #tpu.memory_space<hbm>> -> memref<79x128xi32, #tpu.memory_space<hbm>>
      tpu.enqueue_dma source(%dma_start3A_41 : memref<79x128xi32, #tpu.memory_space<hbm>>) target(%arg11 : memref<79x128xi32, #tpu.memory_space<vmem>>) target_semaphore(%run_scoped3A_34 : memref<!tpu.dma_semaphore, #tpu.memory_space<semaphore_mem>>)
      %dma_wait3A = arith.constant 0 : i32
      %dma_wait3A_42 = arith.constant 0 : i32
      %dma_wait3A_43 = tpu.memref_slice %arg7[%arg0, %arg1, %dma_wait3A, %dma_wait3A_42] : memref<2x16x79x128xi32, #tpu.memory_space<hbm>> -> memref<1x1x79x128xi32, #tpu.memory_space<hbm>>
      %dma_wait3A_44 = tpu.memref_squeeze %dma_wait3A_43 : memref<1x1x79x128xi32, #tpu.memory_space<hbm>> -> memref<79x128xi32, #tpu.memory_space<hbm>>
      %dma_wait3A_45 = arith.constant 0 : i32
      %dma_wait3A_46 = arith.constant 0 : i32
      %dma_wait3A_47 = tpu.memref_slice %arg7[%arg0, %arg1, %dma_wait3A_45, %dma_wait3A_46] : memref<2x16x79x128xi32, #tpu.memory_space<hbm>> -> memref<1x1x79x128xi32, #tpu.memory_space<hbm>>
      %dma_wait3A_48 = tpu.memref_squeeze %dma_wait3A_47 : memref<1x1x79x128xi32, #tpu.memory_space<hbm>> -> memref<79x128xi32, #tpu.memory_space<hbm>>
      tpu.wait_dma2 semaphore(%run_scoped3A_34 : memref<!tpu.dma_semaphore, #tpu.memory_space<semaphore_mem>>) src(%dma_wait3A_48 : memref<79x128xi32, #tpu.memory_space<hbm>>) dst(%arg11 : memref<79x128xi32, #tpu.memory_space<vmem>>)
      tpu.yield
    }) : () -> ()
    %mul3A = arith.constant 640 : i32
    %mul3A_0 = arith.muli %arg1, %mul3A : i32
    "tpu.region"() ({
      %run_scoped3A_34 = tpu.sem_alloc : memref<!tpu.dma_semaphore, #tpu.memory_space<semaphore_mem>>
      %dma_start3A = arith.constant 0 : i32
      %dma_start3A_35 = tpu.memref_slice %arg13[%mul3A_0, %dma_start3A] : memref<10240x128xf32, #tpu.memory_space<vmem_shared>> -> memref<640x128xf32, #tpu.memory_space<vmem_shared>>
      %dma_start3A_36 = arith.constant 0 : i32
      %dma_start3A_37 = tpu.memref_slice %arg8[%mul3A_0, %dma_start3A_36] : memref<10240x128xf32, #tpu.memory_space<hbm>> -> memref<640x128xf32, #tpu.memory_space<hbm>>
      tpu.enqueue_dma source(%dma_start3A_37 : memref<640x128xf32, #tpu.memory_space<hbm>>) target(%dma_start3A_35 : memref<640x128xf32, #tpu.memory_space<vmem_shared>>) target_semaphore(%run_scoped3A_34 : memref<!tpu.dma_semaphore, #tpu.memory_space<semaphore_mem>>)
      %dma_wait3A = arith.constant 0 : i32
      %dma_wait3A_38 = tpu.memref_slice %arg13[%mul3A_0, %dma_wait3A] : memref<10240x128xf32, #tpu.memory_space<vmem_shared>> -> memref<640x128xf32, #tpu.memory_space<vmem_shared>>
      %dma_wait3A_39 = arith.constant 0 : i32
      %dma_wait3A_40 = tpu.memref_slice %arg8[%mul3A_0, %dma_wait3A_39] : memref<10240x128xf32, #tpu.memory_space<hbm>> -> memref<640x128xf32, #tpu.memory_space<hbm>>
      tpu.wait_dma2 semaphore(%run_scoped3A_34 : memref<!tpu.dma_semaphore, #tpu.memory_space<semaphore_mem>>) src(%dma_wait3A_40 : memref<640x128xf32, #tpu.memory_space<hbm>>) dst(%dma_wait3A_38 : memref<640x128xf32, #tpu.memory_space<vmem_shared>>)
      tpu.yield
    }) : () -> ()
    %barrier3A = arith.constant 0 : index
    tpu.barrier barrier_id(%barrier3A)
    %scan3A = arith.constant 0 : i32
    %scan3A_1 = arith.constant 0 : i32
    %scan3A_2 = arith.constant 79 : i32
    %scan3A_3 = arith.addi %scan3A_1, %scan3A_2 : i32
    %scan3A_4 = arith.constant 1 : i32
    scf.for %scan3A_34 = %scan3A_1 to %scan3A_3 step %scan3A_4  : i32 {
      %dma_start3A = arith.constant 0 : i32
      %dma_start3A_35 = tpu.memref_slice %arg10[%scan3A_34, %dma_start3A] : memref<79x128xi32, #tpu.memory_space<vmem>> -> memref<1x128xi32, #tpu.memory_space<vmem>>
      %dma_start3A_36 = tpu.memref_squeeze %dma_start3A_35 : memref<1x128xi32, #tpu.memory_space<vmem>> -> memref<128xi32, #tpu.memory_space<vmem>>
      %dma_start3A_37 = arith.constant 0 : i32
      %dma_start3A_38 = arith.constant 0 : i32
      %dma_start3A_39 = tpu.memref_slice %arg2[%dma_start3A_37, %dma_start3A_38] : memref<10240x128xf32, #tpu.memory_space<hbm>> -> memref<10240x128xf32, #tpu.memory_space<hbm>>
      tpu.enqueue_indirect_dma source(%dma_start3A_39 : memref<10240x128xf32, #tpu.memory_space<hbm>>) target(%arg12 : memref<128x128xf32, #tpu.memory_space<vmem>>) offsets(%dma_start3A_36 : memref<128xi32, #tpu.memory_space<vmem>>) semaphore(%arg14 : memref<!tpu.dma_semaphore, #tpu.memory_space<semaphore_mem>>)
      %dma_wait3A = arith.constant 0 : i32
      %dma_wait3A_40 = tpu.memref_slice %arg10[%scan3A_34, %dma_wait3A] : memref<79x128xi32, #tpu.memory_space<vmem>> -> memref<1x128xi32, #tpu.memory_space<vmem>>
      %dma_wait3A_41 = tpu.memref_squeeze %dma_wait3A_40 : memref<1x128xi32, #tpu.memory_space<vmem>> -> memref<128xi32, #tpu.memory_space<vmem>>
      %dma_wait3A_42 = arith.constant 0 : i32
      %dma_wait3A_43 = arith.constant 0 : i32
      %dma_wait3A_44 = tpu.memref_slice %arg2[%dma_wait3A_42, %dma_wait3A_43] : memref<10240x128xf32, #tpu.memory_space<hbm>> -> memref<10240x128xf32, #tpu.memory_space<hbm>>
      tpu.wait_indirect_dma semaphore(%arg14 : memref<!tpu.dma_semaphore, #tpu.memory_space<semaphore_mem>>) src(%dma_wait3A_44 : memref<10240x128xf32, #tpu.memory_space<hbm>>) dst(%arg12 : memref<128x128xf32, #tpu.memory_space<vmem>>)
      "tpu.region"() ({
        %run_scoped3A_45 = tpu.sem_alloc : memref<!tpu.dma_semaphore, #tpu.memory_space<semaphore_mem>>
        %dma_start3A_46 = arith.constant 0 : i32
        %dma_start3A_47 = tpu.memref_slice %arg11[%scan3A_34, %dma_start3A_46] : memref<79x128xi32, #tpu.memory_space<vmem>> -> memref<1x128xi32, #tpu.memory_space<vmem>>
        %dma_start3A_48 = tpu.memref_squeeze %dma_start3A_47 : memref<1x128xi32, #tpu.memory_space<vmem>> -> memref<128xi32, #tpu.memory_space<vmem>>
        %dma_start3A_49 = arith.constant 0 : i32
        %dma_start3A_50 = arith.constant 0 : i32
        %dma_start3A_51 = tpu.memref_slice %arg13[%dma_start3A_49, %dma_start3A_50] : memref<10240x128xf32, #tpu.memory_space<vmem_shared>> -> memref<10240x128xf32, #tpu.memory_space<vmem_shared>>
        tpu.enqueue_indirect_dma source(%arg12 : memref<128x128xf32, #tpu.memory_space<vmem>>) target(%dma_start3A_51 : memref<10240x128xf32, #tpu.memory_space<vmem_shared>>) offsets(%dma_start3A_48 : memref<128xi32, #tpu.memory_space<vmem>>) semaphore(%run_scoped3A_45 : memref<!tpu.dma_semaphore, #tpu.memory_space<semaphore_mem>>) {add = true}
        %dma_wait3A_52 = arith.constant 0 : i32
        %dma_wait3A_53 = tpu.memref_slice %arg11[%scan3A_34, %dma_wait3A_52] : memref<79x128xi32, #tpu.memory_space<vmem>> -> memref<1x128xi32, #tpu.memory_space<vmem>>
        %dma_wait3A_54 = tpu.memref_squeeze %dma_wait3A_53 : memref<1x128xi32, #tpu.memory_space<vmem>> -> memref<128xi32, #tpu.memory_space<vmem>>
        %dma_wait3A_55 = arith.constant 0 : i32
        %dma_wait3A_56 = arith.constant 0 : i32
        %dma_wait3A_57 = tpu.memref_slice %arg13[%dma_wait3A_55, %dma_wait3A_56] : memref<10240x128xf32, #tpu.memory_space<vmem_shared>> -> memref<10240x128xf32, #tpu.memory_space<vmem_shared>>
        tpu.wait_indirect_dma semaphore(%run_scoped3A_45 : memref<!tpu.dma_semaphore, #tpu.memory_space<semaphore_mem>>) src(%arg12 : memref<128x128xf32, #tpu.memory_space<vmem>>) dst(%dma_wait3A_57 : memref<10240x128xf32, #tpu.memory_space<vmem_shared>>)
        tpu.yield
      }) : () -> ()
    }
    %scan3A_5 = arith.constant 79 : i32
    %barrier3A_6 = arith.constant 0 : index
    tpu.barrier barrier_id(%barrier3A_6)
    %run_scoped3A = arith.constant 0 : i32
    "tpu.region"() ({
      %run_scoped3A_34 = tpu.sem_alloc : memref<!tpu.dma_semaphore, #tpu.memory_space<semaphore_mem>>
      %dma_start3A = arith.constant 0 : i32
      %dma_start3A_35 = tpu.memref_slice %arg9[%arg0, %run_scoped3A, %mul3A_0, %dma_start3A] : memref<2x4x10240x128xf32, #tpu.memory_space<hbm>> -> memref<1x1x640x128xf32, #tpu.memory_space<hbm>>
      %dma_start3A_36 = tpu.memref_squeeze %dma_start3A_35 : memref<1x1x640x128xf32, #tpu.memory_space<hbm>> -> memref<640x128xf32, #tpu.memory_space<hbm>>
      %dma_start3A_37 = arith.constant 0 : i32
      %dma_start3A_38 = tpu.memref_slice %arg13[%mul3A_0, %dma_start3A_37] : memref<10240x128xf32, #tpu.memory_space<vmem_shared>> -> memref<640x128xf32, #tpu.memory_space<vmem_shared>>
      tpu.enqueue_dma source(%dma_start3A_38 : memref<640x128xf32, #tpu.memory_space<vmem_shared>>) target(%dma_start3A_36 : memref<640x128xf32, #tpu.memory_space<hbm>>) target_semaphore(%run_scoped3A_34 : memref<!tpu.dma_semaphore, #tpu.memory_space<semaphore_mem>>)
      %dma_wait3A = arith.constant 0 : i32
      %dma_wait3A_39 = tpu.memref_slice %arg9[%arg0, %run_scoped3A, %mul3A_0, %dma_wait3A] : memref<2x4x10240x128xf32, #tpu.memory_space<hbm>> -> memref<1x1x640x128xf32, #tpu.memory_space<hbm>>
      %dma_wait3A_40 = tpu.memref_squeeze %dma_wait3A_39 : memref<1x1x640x128xf32, #tpu.memory_space<hbm>> -> memref<640x128xf32, #tpu.memory_space<hbm>>
      %dma_wait3A_41 = arith.constant 0 : i32
      %dma_wait3A_42 = tpu.memref_slice %arg13[%mul3A_0, %dma_wait3A_41] : memref<10240x128xf32, #tpu.memory_space<vmem_shared>> -> memref<640x128xf32, #tpu.memory_space<vmem_shared>>
      tpu.wait_dma2 semaphore(%run_scoped3A_34 : memref<!tpu.dma_semaphore, #tpu.memory_space<semaphore_mem>>) src(%dma_wait3A_42 : memref<640x128xf32, #tpu.memory_space<vmem_shared>>) dst(%dma_wait3A_40 : memref<640x128xf32, #tpu.memory_space<hbm>>)
      tpu.yield
    }) : () -> ()
    "tpu.region"() ({
      %run_scoped3A_34 = tpu.sem_alloc : memref<!tpu.dma_semaphore, #tpu.memory_space<semaphore_mem>>
      %dma_start3A = arith.constant 0 : i32
      %dma_start3A_35 = tpu.memref_slice %arg13[%mul3A_0, %dma_start3A] : memref<10240x128xf32, #tpu.memory_space<vmem_shared>> -> memref<640x128xf32, #tpu.memory_space<vmem_shared>>
      %dma_start3A_36 = arith.constant 0 : i32
      %dma_start3A_37 = tpu.memref_slice %arg8[%mul3A_0, %dma_start3A_36] : memref<10240x128xf32, #tpu.memory_space<hbm>> -> memref<640x128xf32, #tpu.memory_space<hbm>>
      tpu.enqueue_dma source(%dma_start3A_37 : memref<640x128xf32, #tpu.memory_space<hbm>>) target(%dma_start3A_35 : memref<640x128xf32, #tpu.memory_space<vmem_shared>>) target_semaphore(%run_scoped3A_34 : memref<!tpu.dma_semaphore, #tpu.memory_space<semaphore_mem>>)
      %dma_wait3A = arith.constant 0 : i32
      %dma_wait3A_38 = tpu.memref_slice %arg13[%mul3A_0, %dma_wait3A] : memref<10240x128xf32, #tpu.memory_space<vmem_shared>> -> memref<640x128xf32, #tpu.memory_space<vmem_shared>>
      %dma_wait3A_39 = arith.constant 0 : i32
      %dma_wait3A_40 = tpu.memref_slice %arg8[%mul3A_0, %dma_wait3A_39] : memref<10240x128xf32, #tpu.memory_space<hbm>> -> memref<640x128xf32, #tpu.memory_space<hbm>>
      tpu.wait_dma2 semaphore(%run_scoped3A_34 : memref<!tpu.dma_semaphore, #tpu.memory_space<semaphore_mem>>) src(%dma_wait3A_40 : memref<640x128xf32, #tpu.memory_space<hbm>>) dst(%dma_wait3A_38 : memref<640x128xf32, #tpu.memory_space<vmem_shared>>)
      tpu.yield
    }) : () -> ()
    %barrier3A_7 = arith.constant 0 : index
    tpu.barrier barrier_id(%barrier3A_7)
    %scan3A_8 = arith.constant 0 : i32
    %scan3A_9 = arith.constant 0 : i32
    %scan3A_10 = arith.constant 79 : i32
    %scan3A_11 = arith.addi %scan3A_9, %scan3A_10 : i32
    %scan3A_12 = arith.constant 1 : i32
    scf.for %scan3A_34 = %scan3A_9 to %scan3A_11 step %scan3A_12  : i32 {
      %dma_start3A = arith.constant 0 : i32
      %dma_start3A_35 = tpu.memref_slice %arg10[%scan3A_34, %dma_start3A] : memref<79x128xi32, #tpu.memory_space<vmem>> -> memref<1x128xi32, #tpu.memory_space<vmem>>
      %dma_start3A_36 = tpu.memref_squeeze %dma_start3A_35 : memref<1x128xi32, #tpu.memory_space<vmem>> -> memref<128xi32, #tpu.memory_space<vmem>>
      %dma_start3A_37 = arith.constant 0 : i32
      %dma_start3A_38 = arith.constant 0 : i32
      %dma_start3A_39 = tpu.memref_slice %arg3[%dma_start3A_37, %dma_start3A_38] : memref<10240x128xf32, #tpu.memory_space<hbm>> -> memref<10240x128xf32, #tpu.memory_space<hbm>>
      tpu.enqueue_indirect_dma source(%dma_start3A_39 : memref<10240x128xf32, #tpu.memory_space<hbm>>) target(%arg12 : memref<128x128xf32, #tpu.memory_space<vmem>>) offsets(%dma_start3A_36 : memref<128xi32, #tpu.memory_space<vmem>>) semaphore(%arg14 : memref<!tpu.dma_semaphore, #tpu.memory_space<semaphore_mem>>)
      %dma_wait3A = arith.constant 0 : i32
      %dma_wait3A_40 = tpu.memref_slice %arg10[%scan3A_34, %dma_wait3A] : memref<79x128xi32, #tpu.memory_space<vmem>> -> memref<1x128xi32, #tpu.memory_space<vmem>>
      %dma_wait3A_41 = tpu.memref_squeeze %dma_wait3A_40 : memref<1x128xi32, #tpu.memory_space<vmem>> -> memref<128xi32, #tpu.memory_space<vmem>>
      %dma_wait3A_42 = arith.constant 0 : i32
      %dma_wait3A_43 = arith.constant 0 : i32
      %dma_wait3A_44 = tpu.memref_slice %arg3[%dma_wait3A_42, %dma_wait3A_43] : memref<10240x128xf32, #tpu.memory_space<hbm>> -> memref<10240x128xf32, #tpu.memory_space<hbm>>
      tpu.wait_indirect_dma semaphore(%arg14 : memref<!tpu.dma_semaphore, #tpu.memory_space<semaphore_mem>>) src(%dma_wait3A_44 : memref<10240x128xf32, #tpu.memory_space<hbm>>) dst(%arg12 : memref<128x128xf32, #tpu.memory_space<vmem>>)
      "tpu.region"() ({
        %run_scoped3A_45 = tpu.sem_alloc : memref<!tpu.dma_semaphore, #tpu.memory_space<semaphore_mem>>
        %dma_start3A_46 = arith.constant 0 : i32
        %dma_start3A_47 = tpu.memref_slice %arg11[%scan3A_34, %dma_start3A_46] : memref<79x128xi32, #tpu.memory_space<vmem>> -> memref<1x128xi32, #tpu.memory_space<vmem>>
        %dma_start3A_48 = tpu.memref_squeeze %dma_start3A_47 : memref<1x128xi32, #tpu.memory_space<vmem>> -> memref<128xi32, #tpu.memory_space<vmem>>
        %dma_start3A_49 = arith.constant 0 : i32
        %dma_start3A_50 = arith.constant 0 : i32
        %dma_start3A_51 = tpu.memref_slice %arg13[%dma_start3A_49, %dma_start3A_50] : memref<10240x128xf32, #tpu.memory_space<vmem_shared>> -> memref<10240x128xf32, #tpu.memory_space<vmem_shared>>
        tpu.enqueue_indirect_dma source(%arg12 : memref<128x128xf32, #tpu.memory_space<vmem>>) target(%dma_start3A_51 : memref<10240x128xf32, #tpu.memory_space<vmem_shared>>) offsets(%dma_start3A_48 : memref<128xi32, #tpu.memory_space<vmem>>) semaphore(%run_scoped3A_45 : memref<!tpu.dma_semaphore, #tpu.memory_space<semaphore_mem>>) {add = true}
        %dma_wait3A_52 = arith.constant 0 : i32
        %dma_wait3A_53 = tpu.memref_slice %arg11[%scan3A_34, %dma_wait3A_52] : memref<79x128xi32, #tpu.memory_space<vmem>> -> memref<1x128xi32, #tpu.memory_space<vmem>>
        %dma_wait3A_54 = tpu.memref_squeeze %dma_wait3A_53 : memref<1x128xi32, #tpu.memory_space<vmem>> -> memref<128xi32, #tpu.memory_space<vmem>>
        %dma_wait3A_55 = arith.constant 0 : i32
        %dma_wait3A_56 = arith.constant 0 : i32
        %dma_wait3A_57 = tpu.memref_slice %arg13[%dma_wait3A_55, %dma_wait3A_56] : memref<10240x128xf32, #tpu.memory_space<vmem_shared>> -> memref<10240x128xf32, #tpu.memory_space<vmem_shared>>
        tpu.wait_indirect_dma semaphore(%run_scoped3A_45 : memref<!tpu.dma_semaphore, #tpu.memory_space<semaphore_mem>>) src(%arg12 : memref<128x128xf32, #tpu.memory_space<vmem>>) dst(%dma_wait3A_57 : memref<10240x128xf32, #tpu.memory_space<vmem_shared>>)
        tpu.yield
      }) : () -> ()
    }
    %scan3A_13 = arith.constant 79 : i32
    %barrier3A_14 = arith.constant 0 : index
    tpu.barrier barrier_id(%barrier3A_14)
    %run_scoped3A_15 = arith.constant 1 : i32
    "tpu.region"() ({
      %run_scoped3A_34 = tpu.sem_alloc : memref<!tpu.dma_semaphore, #tpu.memory_space<semaphore_mem>>
      %dma_start3A = arith.constant 0 : i32
      %dma_start3A_35 = tpu.memref_slice %arg9[%arg0, %run_scoped3A_15, %mul3A_0, %dma_start3A] : memref<2x4x10240x128xf32, #tpu.memory_space<hbm>> -> memref<1x1x640x128xf32, #tpu.memory_space<hbm>>
      %dma_start3A_36 = tpu.memref_squeeze %dma_start3A_35 : memref<1x1x640x128xf32, #tpu.memory_space<hbm>> -> memref<640x128xf32, #tpu.memory_space<hbm>>
      %dma_start3A_37 = arith.constant 0 : i32
      %dma_start3A_38 = tpu.memref_slice %arg13[%mul3A_0, %dma_start3A_37] : memref<10240x128xf32, #tpu.memory_space<vmem_shared>> -> memref<640x128xf32, #tpu.memory_space<vmem_shared>>
      tpu.enqueue_dma source(%dma_start3A_38 : memref<640x128xf32, #tpu.memory_space<vmem_shared>>) target(%dma_start3A_36 : memref<640x128xf32, #tpu.memory_space<hbm>>) target_semaphore(%run_scoped3A_34 : memref<!tpu.dma_semaphore, #tpu.memory_space<semaphore_mem>>)
      %dma_wait3A = arith.constant 0 : i32
      %dma_wait3A_39 = tpu.memref_slice %arg9[%arg0, %run_scoped3A_15, %mul3A_0, %dma_wait3A] : memref<2x4x10240x128xf32, #tpu.memory_space<hbm>> -> memref<1x1x640x128xf32, #tpu.memory_space<hbm>>
      %dma_wait3A_40 = tpu.memref_squeeze %dma_wait3A_39 : memref<1x1x640x128xf32, #tpu.memory_space<hbm>> -> memref<640x128xf32, #tpu.memory_space<hbm>>
      %dma_wait3A_41 = arith.constant 0 : i32
      %dma_wait3A_42 = tpu.memref_slice %arg13[%mul3A_0, %dma_wait3A_41] : memref<10240x128xf32, #tpu.memory_space<vmem_shared>> -> memref<640x128xf32, #tpu.memory_space<vmem_shared>>
      tpu.wait_dma2 semaphore(%run_scoped3A_34 : memref<!tpu.dma_semaphore, #tpu.memory_space<semaphore_mem>>) src(%dma_wait3A_42 : memref<640x128xf32, #tpu.memory_space<vmem_shared>>) dst(%dma_wait3A_40 : memref<640x128xf32, #tpu.memory_space<hbm>>)
      tpu.yield
    }) : () -> ()
    "tpu.region"() ({
      %run_scoped3A_34 = tpu.sem_alloc : memref<!tpu.dma_semaphore, #tpu.memory_space<semaphore_mem>>
      %dma_start3A = arith.constant 0 : i32
      %dma_start3A_35 = tpu.memref_slice %arg13[%mul3A_0, %dma_start3A] : memref<10240x128xf32, #tpu.memory_space<vmem_shared>> -> memref<640x128xf32, #tpu.memory_space<vmem_shared>>
      %dma_start3A_36 = arith.constant 0 : i32
      %dma_start3A_37 = tpu.memref_slice %arg8[%mul3A_0, %dma_start3A_36] : memref<10240x128xf32, #tpu.memory_space<hbm>> -> memref<640x128xf32, #tpu.memory_space<hbm>>
      tpu.enqueue_dma source(%dma_start3A_37 : memref<640x128xf32, #tpu.memory_space<hbm>>) target(%dma_start3A_35 : memref<640x128xf32, #tpu.memory_space<vmem_shared>>) target_semaphore(%run_scoped3A_34 : memref<!tpu.dma_semaphore, #tpu.memory_space<semaphore_mem>>)
      %dma_wait3A = arith.constant 0 : i32
      %dma_wait3A_38 = tpu.memref_slice %arg13[%mul3A_0, %dma_wait3A] : memref<10240x128xf32, #tpu.memory_space<vmem_shared>> -> memref<640x128xf32, #tpu.memory_space<vmem_shared>>
      %dma_wait3A_39 = arith.constant 0 : i32
      %dma_wait3A_40 = tpu.memref_slice %arg8[%mul3A_0, %dma_wait3A_39] : memref<10240x128xf32, #tpu.memory_space<hbm>> -> memref<640x128xf32, #tpu.memory_space<hbm>>
      tpu.wait_dma2 semaphore(%run_scoped3A_34 : memref<!tpu.dma_semaphore, #tpu.memory_space<semaphore_mem>>) src(%dma_wait3A_40 : memref<640x128xf32, #tpu.memory_space<hbm>>) dst(%dma_wait3A_38 : memref<640x128xf32, #tpu.memory_space<vmem_shared>>)
      tpu.yield
    }) : () -> ()
    %barrier3A_16 = arith.constant 0 : index
    tpu.barrier barrier_id(%barrier3A_16)
    %scan3A_17 = arith.constant 0 : i32
    %scan3A_18 = arith.constant 0 : i32
    %scan3A_19 = arith.constant 79 : i32
    %scan3A_20 = arith.addi %scan3A_18, %scan3A_19 : i32
    %scan3A_21 = arith.constant 1 : i32
    scf.for %scan3A_34 = %scan3A_18 to %scan3A_20 step %scan3A_21  : i32 {
      %dma_start3A = arith.constant 0 : i32
      %dma_start3A_35 = tpu.memref_slice %arg10[%scan3A_34, %dma_start3A] : memref<79x128xi32, #tpu.memory_space<vmem>> -> memref<1x128xi32, #tpu.memory_space<vmem>>
      %dma_start3A_36 = tpu.memref_squeeze %dma_start3A_35 : memref<1x128xi32, #tpu.memory_space<vmem>> -> memref<128xi32, #tpu.memory_space<vmem>>
      %dma_start3A_37 = arith.constant 0 : i32
      %dma_start3A_38 = arith.constant 0 : i32
      %dma_start3A_39 = tpu.memref_slice %arg4[%dma_start3A_37, %dma_start3A_38] : memref<10240x128xf32, #tpu.memory_space<hbm>> -> memref<10240x128xf32, #tpu.memory_space<hbm>>
      tpu.enqueue_indirect_dma source(%dma_start3A_39 : memref<10240x128xf32, #tpu.memory_space<hbm>>) target(%arg12 : memref<128x128xf32, #tpu.memory_space<vmem>>) offsets(%dma_start3A_36 : memref<128xi32, #tpu.memory_space<vmem>>) semaphore(%arg14 : memref<!tpu.dma_semaphore, #tpu.memory_space<semaphore_mem>>)
      %dma_wait3A = arith.constant 0 : i32
      %dma_wait3A_40 = tpu.memref_slice %arg10[%scan3A_34, %dma_wait3A] : memref<79x128xi32, #tpu.memory_space<vmem>> -> memref<1x128xi32, #tpu.memory_space<vmem>>
      %dma_wait3A_41 = tpu.memref_squeeze %dma_wait3A_40 : memref<1x128xi32, #tpu.memory_space<vmem>> -> memref<128xi32, #tpu.memory_space<vmem>>
      %dma_wait3A_42 = arith.constant 0 : i32
      %dma_wait3A_43 = arith.constant 0 : i32
      %dma_wait3A_44 = tpu.memref_slice %arg4[%dma_wait3A_42, %dma_wait3A_43] : memref<10240x128xf32, #tpu.memory_space<hbm>> -> memref<10240x128xf32, #tpu.memory_space<hbm>>
      tpu.wait_indirect_dma semaphore(%arg14 : memref<!tpu.dma_semaphore, #tpu.memory_space<semaphore_mem>>) src(%dma_wait3A_44 : memref<10240x128xf32, #tpu.memory_space<hbm>>) dst(%arg12 : memref<128x128xf32, #tpu.memory_space<vmem>>)
      "tpu.region"() ({
        %run_scoped3A_45 = tpu.sem_alloc : memref<!tpu.dma_semaphore, #tpu.memory_space<semaphore_mem>>
        %dma_start3A_46 = arith.constant 0 : i32
        %dma_start3A_47 = tpu.memref_slice %arg11[%scan3A_34, %dma_start3A_46] : memref<79x128xi32, #tpu.memory_space<vmem>> -> memref<1x128xi32, #tpu.memory_space<vmem>>
        %dma_start3A_48 = tpu.memref_squeeze %dma_start3A_47 : memref<1x128xi32, #tpu.memory_space<vmem>> -> memref<128xi32, #tpu.memory_space<vmem>>
        %dma_start3A_49 = arith.constant 0 : i32
        %dma_start3A_50 = arith.constant 0 : i32
        %dma_start3A_51 = tpu.memref_slice %arg13[%dma_start3A_49, %dma_start3A_50] : memref<10240x128xf32, #tpu.memory_space<vmem_shared>> -> memref<10240x128xf32, #tpu.memory_space<vmem_shared>>
        tpu.enqueue_indirect_dma source(%arg12 : memref<128x128xf32, #tpu.memory_space<vmem>>) target(%dma_start3A_51 : memref<10240x128xf32, #tpu.memory_space<vmem_shared>>) offsets(%dma_start3A_48 : memref<128xi32, #tpu.memory_space<vmem>>) semaphore(%run_scoped3A_45 : memref<!tpu.dma_semaphore, #tpu.memory_space<semaphore_mem>>) {add = true}
        %dma_wait3A_52 = arith.constant 0 : i32
        %dma_wait3A_53 = tpu.memref_slice %arg11[%scan3A_34, %dma_wait3A_52] : memref<79x128xi32, #tpu.memory_space<vmem>> -> memref<1x128xi32, #tpu.memory_space<vmem>>
        %dma_wait3A_54 = tpu.memref_squeeze %dma_wait3A_53 : memref<1x128xi32, #tpu.memory_space<vmem>> -> memref<128xi32, #tpu.memory_space<vmem>>
        %dma_wait3A_55 = arith.constant 0 : i32
        %dma_wait3A_56 = arith.constant 0 : i32
        %dma_wait3A_57 = tpu.memref_slice %arg13[%dma_wait3A_55, %dma_wait3A_56] : memref<10240x128xf32, #tpu.memory_space<vmem_shared>> -> memref<10240x128xf32, #tpu.memory_space<vmem_shared>>
        tpu.wait_indirect_dma semaphore(%run_scoped3A_45 : memref<!tpu.dma_semaphore, #tpu.memory_space<semaphore_mem>>) src(%arg12 : memref<128x128xf32, #tpu.memory_space<vmem>>) dst(%dma_wait3A_57 : memref<10240x128xf32, #tpu.memory_space<vmem_shared>>)
        tpu.yield
      }) : () -> ()
    }
    %scan3A_22 = arith.constant 79 : i32
    %barrier3A_23 = arith.constant 0 : index
    tpu.barrier barrier_id(%barrier3A_23)
    %run_scoped3A_24 = arith.constant 2 : i32
    "tpu.region"() ({
      %run_scoped3A_34 = tpu.sem_alloc : memref<!tpu.dma_semaphore, #tpu.memory_space<semaphore_mem>>
      %dma_start3A = arith.constant 0 : i32
      %dma_start3A_35 = tpu.memref_slice %arg9[%arg0, %run_scoped3A_24, %mul3A_0, %dma_start3A] : memref<2x4x10240x128xf32, #tpu.memory_space<hbm>> -> memref<1x1x640x128xf32, #tpu.memory_space<hbm>>
      %dma_start3A_36 = tpu.memref_squeeze %dma_start3A_35 : memref<1x1x640x128xf32, #tpu.memory_space<hbm>> -> memref<640x128xf32, #tpu.memory_space<hbm>>
      %dma_start3A_37 = arith.constant 0 : i32
      %dma_start3A_38 = tpu.memref_slice %arg13[%mul3A_0, %dma_start3A_37] : memref<10240x128xf32, #tpu.memory_space<vmem_shared>> -> memref<640x128xf32, #tpu.memory_space<vmem_shared>>
      tpu.enqueue_dma source(%dma_start3A_38 : memref<640x128xf32, #tpu.memory_space<vmem_shared>>) target(%dma_start3A_36 : memref<640x128xf32, #tpu.memory_space<hbm>>) target_semaphore(%run_scoped3A_34 : memref<!tpu.dma_semaphore, #tpu.memory_space<semaphore_mem>>)
      %dma_wait3A = arith.constant 0 : i32
      %dma_wait3A_39 = tpu.memref_slice %arg9[%arg0, %run_scoped3A_24, %mul3A_0, %dma_wait3A] : memref<2x4x10240x128xf32, #tpu.memory_space<hbm>> -> memref<1x1x640x128xf32, #tpu.memory_space<hbm>>
      %dma_wait3A_40 = tpu.memref_squeeze %dma_wait3A_39 : memref<1x1x640x128xf32, #tpu.memory_space<hbm>> -> memref<640x128xf32, #tpu.memory_space<hbm>>
      %dma_wait3A_41 = arith.constant 0 : i32
      %dma_wait3A_42 = tpu.memref_slice %arg13[%mul3A_0, %dma_wait3A_41] : memref<10240x128xf32, #tpu.memory_space<vmem_shared>> -> memref<640x128xf32, #tpu.memory_space<vmem_shared>>
      tpu.wait_dma2 semaphore(%run_scoped3A_34 : memref<!tpu.dma_semaphore, #tpu.memory_space<semaphore_mem>>) src(%dma_wait3A_42 : memref<640x128xf32, #tpu.memory_space<vmem_shared>>) dst(%dma_wait3A_40 : memref<640x128xf32, #tpu.memory_space<hbm>>)
      tpu.yield
    }) : () -> ()
    "tpu.region"() ({
      %run_scoped3A_34 = tpu.sem_alloc : memref<!tpu.dma_semaphore, #tpu.memory_space<semaphore_mem>>
      %dma_start3A = arith.constant 0 : i32
      %dma_start3A_35 = tpu.memref_slice %arg13[%mul3A_0, %dma_start3A] : memref<10240x128xf32, #tpu.memory_space<vmem_shared>> -> memref<640x128xf32, #tpu.memory_space<vmem_shared>>
      %dma_start3A_36 = arith.constant 0 : i32
      %dma_start3A_37 = tpu.memref_slice %arg8[%mul3A_0, %dma_start3A_36] : memref<10240x128xf32, #tpu.memory_space<hbm>> -> memref<640x128xf32, #tpu.memory_space<hbm>>
      tpu.enqueue_dma source(%dma_start3A_37 : memref<640x128xf32, #tpu.memory_space<hbm>>) target(%dma_start3A_35 : memref<640x128xf32, #tpu.memory_space<vmem_shared>>) target_semaphore(%run_scoped3A_34 : memref<!tpu.dma_semaphore, #tpu.memory_space<semaphore_mem>>)
      %dma_wait3A = arith.constant 0 : i32
      %dma_wait3A_38 = tpu.memref_slice %arg13[%mul3A_0, %dma_wait3A] : memref<10240x128xf32, #tpu.memory_space<vmem_shared>> -> memref<640x128xf32, #tpu.memory_space<vmem_shared>>
      %dma_wait3A_39 = arith.constant 0 : i32
      %dma_wait3A_40 = tpu.memref_slice %arg8[%mul3A_0, %dma_wait3A_39] : memref<10240x128xf32, #tpu.memory_space<hbm>> -> memref<640x128xf32, #tpu.memory_space<hbm>>
      tpu.wait_dma2 semaphore(%run_scoped3A_34 : memref<!tpu.dma_semaphore, #tpu.memory_space<semaphore_mem>>) src(%dma_wait3A_40 : memref<640x128xf32, #tpu.memory_space<hbm>>) dst(%dma_wait3A_38 : memref<640x128xf32, #tpu.memory_space<vmem_shared>>)
      tpu.yield
    }) : () -> ()
    %barrier3A_25 = arith.constant 0 : index
    tpu.barrier barrier_id(%barrier3A_25)
    %scan3A_26 = arith.constant 0 : i32
    %scan3A_27 = arith.constant 0 : i32
    %scan3A_28 = arith.constant 79 : i32
    %scan3A_29 = arith.addi %scan3A_27, %scan3A_28 : i32
    %scan3A_30 = arith.constant 1 : i32
    scf.for %scan3A_34 = %scan3A_27 to %scan3A_29 step %scan3A_30  : i32 {
      %dma_start3A = arith.constant 0 : i32
      %dma_start3A_35 = tpu.memref_slice %arg10[%scan3A_34, %dma_start3A] : memref<79x128xi32, #tpu.memory_space<vmem>> -> memref<1x128xi32, #tpu.memory_space<vmem>>
      %dma_start3A_36 = tpu.memref_squeeze %dma_start3A_35 : memref<1x128xi32, #tpu.memory_space<vmem>> -> memref<128xi32, #tpu.memory_space<vmem>>
      %dma_start3A_37 = arith.constant 0 : i32
      %dma_start3A_38 = arith.constant 0 : i32
      %dma_start3A_39 = tpu.memref_slice %arg5[%dma_start3A_37, %dma_start3A_38] : memref<10240x128xf32, #tpu.memory_space<hbm>> -> memref<10240x128xf32, #tpu.memory_space<hbm>>
      tpu.enqueue_indirect_dma source(%dma_start3A_39 : memref<10240x128xf32, #tpu.memory_space<hbm>>) target(%arg12 : memref<128x128xf32, #tpu.memory_space<vmem>>) offsets(%dma_start3A_36 : memref<128xi32, #tpu.memory_space<vmem>>) semaphore(%arg14 : memref<!tpu.dma_semaphore, #tpu.memory_space<semaphore_mem>>)
      %dma_wait3A = arith.constant 0 : i32
      %dma_wait3A_40 = tpu.memref_slice %arg10[%scan3A_34, %dma_wait3A] : memref<79x128xi32, #tpu.memory_space<vmem>> -> memref<1x128xi32, #tpu.memory_space<vmem>>
      %dma_wait3A_41 = tpu.memref_squeeze %dma_wait3A_40 : memref<1x128xi32, #tpu.memory_space<vmem>> -> memref<128xi32, #tpu.memory_space<vmem>>
      %dma_wait3A_42 = arith.constant 0 : i32
      %dma_wait3A_43 = arith.constant 0 : i32
      %dma_wait3A_44 = tpu.memref_slice %arg5[%dma_wait3A_42, %dma_wait3A_43] : memref<10240x128xf32, #tpu.memory_space<hbm>> -> memref<10240x128xf32, #tpu.memory_space<hbm>>
      tpu.wait_indirect_dma semaphore(%arg14 : memref<!tpu.dma_semaphore, #tpu.memory_space<semaphore_mem>>) src(%dma_wait3A_44 : memref<10240x128xf32, #tpu.memory_space<hbm>>) dst(%arg12 : memref<128x128xf32, #tpu.memory_space<vmem>>)
      "tpu.region"() ({
        %run_scoped3A_45 = tpu.sem_alloc : memref<!tpu.dma_semaphore, #tpu.memory_space<semaphore_mem>>
        %dma_start3A_46 = arith.constant 0 : i32
        %dma_start3A_47 = tpu.memref_slice %arg11[%scan3A_34, %dma_start3A_46] : memref<79x128xi32, #tpu.memory_space<vmem>> -> memref<1x128xi32, #tpu.memory_space<vmem>>
        %dma_start3A_48 = tpu.memref_squeeze %dma_start3A_47 : memref<1x128xi32, #tpu.memory_space<vmem>> -> memref<128xi32, #tpu.memory_space<vmem>>
        %dma_start3A_49 = arith.constant 0 : i32
        %dma_start3A_50 = arith.constant 0 : i32
        %dma_start3A_51 = tpu.memref_slice %arg13[%dma_start3A_49, %dma_start3A_50] : memref<10240x128xf32, #tpu.memory_space<vmem_shared>> -> memref<10240x128xf32, #tpu.memory_space<vmem_shared>>
        tpu.enqueue_indirect_dma source(%arg12 : memref<128x128xf32, #tpu.memory_space<vmem>>) target(%dma_start3A_51 : memref<10240x128xf32, #tpu.memory_space<vmem_shared>>) offsets(%dma_start3A_48 : memref<128xi32, #tpu.memory_space<vmem>>) semaphore(%run_scoped3A_45 : memref<!tpu.dma_semaphore, #tpu.memory_space<semaphore_mem>>) {add = true}
        %dma_wait3A_52 = arith.constant 0 : i32
        %dma_wait3A_53 = tpu.memref_slice %arg11[%scan3A_34, %dma_wait3A_52] : memref<79x128xi32, #tpu.memory_space<vmem>> -> memref<1x128xi32, #tpu.memory_space<vmem>>
        %dma_wait3A_54 = tpu.memref_squeeze %dma_wait3A_53 : memref<1x128xi32, #tpu.memory_space<vmem>> -> memref<128xi32, #tpu.memory_space<vmem>>
        %dma_wait3A_55 = arith.constant 0 : i32
        %dma_wait3A_56 = arith.constant 0 : i32
        %dma_wait3A_57 = tpu.memref_slice %arg13[%dma_wait3A_55, %dma_wait3A_56] : memref<10240x128xf32, #tpu.memory_space<vmem_shared>> -> memref<10240x128xf32, #tpu.memory_space<vmem_shared>>
        tpu.wait_indirect_dma semaphore(%run_scoped3A_45 : memref<!tpu.dma_semaphore, #tpu.memory_space<semaphore_mem>>) src(%arg12 : memref<128x128xf32, #tpu.memory_space<vmem>>) dst(%dma_wait3A_57 : memref<10240x128xf32, #tpu.memory_space<vmem_shared>>)
        tpu.yield
      }) : () -> ()
    }
    %scan3A_31 = arith.constant 79 : i32
    %barrier3A_32 = arith.constant 0 : index
    tpu.barrier barrier_id(%barrier3A_32)
    %run_scoped3A_33 = arith.constant 3 : i32
    "tpu.region"() ({
      %run_scoped3A_34 = tpu.sem_alloc : memref<!tpu.dma_semaphore, #tpu.memory_space<semaphore_mem>>
      %dma_start3A = arith.constant 0 : i32
      %dma_start3A_35 = tpu.memref_slice %arg9[%arg0, %run_scoped3A_33, %mul3A_0, %dma_start3A] : memref<2x4x10240x128xf32, #tpu.memory_space<hbm>> -> memref<1x1x640x128xf32, #tpu.memory_space<hbm>>
      %dma_start3A_36 = tpu.memref_squeeze %dma_start3A_35 : memref<1x1x640x128xf32, #tpu.memory_space<hbm>> -> memref<640x128xf32, #tpu.memory_space<hbm>>
      %dma_start3A_37 = arith.constant 0 : i32
      %dma_start3A_38 = tpu.memref_slice %arg13[%mul3A_0, %dma_start3A_37] : memref<10240x128xf32, #tpu.memory_space<vmem_shared>> -> memref<640x128xf32, #tpu.memory_space<vmem_shared>>
      tpu.enqueue_dma source(%dma_start3A_38 : memref<640x128xf32, #tpu.memory_space<vmem_shared>>) target(%dma_start3A_36 : memref<640x128xf32, #tpu.memory_space<hbm>>) target_semaphore(%run_scoped3A_34 : memref<!tpu.dma_semaphore, #tpu.memory_space<semaphore_mem>>)
      %dma_wait3A = arith.constant 0 : i32
      %dma_wait3A_39 = tpu.memref_slice %arg9[%arg0, %run_scoped3A_33, %mul3A_0, %dma_wait3A] : memref<2x4x10240x128xf32, #tpu.memory_space<hbm>> -> memref<1x1x640x128xf32, #tpu.memory_space<hbm>>
      %dma_wait3A_40 = tpu.memref_squeeze %dma_wait3A_39 : memref<1x1x640x128xf32, #tpu.memory_space<hbm>> -> memref<640x128xf32, #tpu.memory_space<hbm>>
      %dma_wait3A_41 = arith.constant 0 : i32
      %dma_wait3A_42 = tpu.memref_slice %arg13[%mul3A_0, %dma_wait3A_41] : memref<10240x128xf32, #tpu.memory_space<vmem_shared>> -> memref<640x128xf32, #tpu.memory_space<vmem_shared>>
      tpu.wait_dma2 semaphore(%run_scoped3A_34 : memref<!tpu.dma_semaphore, #tpu.memory_space<semaphore_mem>>) src(%dma_wait3A_42 : memref<640x128xf32, #tpu.memory_space<vmem_shared>>) dst(%dma_wait3A_40 : memref<640x128xf32, #tpu.memory_space<hbm>>)
      tpu.yield
    }) : () -> ()
    return
  }
}

#map = affine_map<(d0, d1) -> (0, 0)>
#map1 = affine_map<(d0, d1) -> (0, 0, 0, 0)>
module attributes {stable_mosaic.version = 14 : i64} {
  func.func @mp_kernel(%arg0: i32, %arg1: i32, %arg2: memref<10240x128xf32, #tpu.memory_space<hbm>>, %arg3: memref<10240x128xf32, #tpu.memory_space<hbm>>, %arg4: memref<10240x128xf32, #tpu.memory_space<hbm>>, %arg5: memref<10240x128xf32, #tpu.memory_space<hbm>>, %arg6: memref<2x16x79x128xi32, #tpu.memory_space<hbm>>, %arg7: memref<2x16x79x128xi32, #tpu.memory_space<hbm>>, %arg8: memref<10240x128xf32, #tpu.memory_space<hbm>>, %arg9: memref<2x4x10240x128xf32, #tpu.memory_space<hbm>>, %arg10: memref<79x128xi32, #tpu.memory_space<vmem>>, %arg11: memref<79x128xi32, #tpu.memory_space<vmem>>, %arg12: memref<128x128xf32, #tpu.memory_space<vmem>>, %arg13: memref<10240x128xf32, #tpu.memory_space<vmem_shared>>, %arg14: memref<!tpu.dma_semaphore, #tpu.memory_space<semaphore_mem>>) attributes {dimension_semantics = [#tpu.dimension_semantics<core_parallel>, #tpu.dimension_semantics<subcore_parallel>], iteration_bounds = array<i64: 2, 16>, scalar_prefetch = 0 : i64, scratch_operands = 5 : i64, tpu.core_type = #tpu.core_type<sc_vector_subcore>, window_params = [{transform_indices = #map}, {transform_indices = #map}, {transform_indices = #map}, {transform_indices = #map}, {transform_indices = #map1}, {transform_indices = #map1}, {transform_indices = #map}, {transform_indices = #map1}]} {
    "tpu.region"() ({
      %run_scoped3A_34 = tpu.sem_alloc : memref<!tpu.dma_semaphore, #tpu.memory_space<semaphore_mem>>
      %dma_start3A = arith.constant 0 : i32
      %dma_start3A_35 = arith.constant 0 : i32
      %dma_start3A_36 = tpu.memref_slice %arg6[%arg0, %arg1, %dma_start3A, %dma_start3A_35] : memref<2x16x79x128xi32, #tpu.memory_space<hbm>> -> memref<1x1x79x128xi32, #tpu.memory_space<hbm>>
      %dma_start3A_37 = tpu.memref_squeeze %dma_start3A_36 : memref<1x1x79x128xi32, #tpu.memory_space<hbm>> -> memref<79x128xi32, #tpu.memory_space<hbm>>
      %dma_start3A_38 = arith.constant 0 : i32
      %dma_start3A_39 = arith.constant 0 : i32
      %dma_start3A_40 = tpu.memref_slice %arg6[%arg0, %arg1, %dma_start3A_38, %dma_start3A_39] : memref<2x16x79x128xi32, #tpu.memory_space<hbm>> -> memref<1x1x79x128xi32, #tpu.memory_space<hbm>>
      %dma_start3A_41 = tpu.memref_squeeze %dma_start3A_40 : memref<1x1x79x128xi32, #tpu.memory_space<hbm>> -> memref<79x128xi32, #tpu.memory_space<hbm>>
      tpu.enqueue_dma source(%dma_start3A_41 : memref<79x128xi32, #tpu.memory_space<hbm>>) target(%arg10 : memref<79x128xi32, #tpu.memory_space<vmem>>) target_semaphore(%run_scoped3A_34 : memref<!tpu.dma_semaphore, #tpu.memory_space<semaphore_mem>>)
      %dma_wait3A = arith.constant 0 : i32
      %dma_wait3A_42 = arith.constant 0 : i32
      %dma_wait3A_43 = tpu.memref_slice %arg6[%arg0, %arg1, %dma_wait3A, %dma_wait3A_42] : memref<2x16x79x128xi32, #tpu.memory_space<hbm>> -> memref<1x1x79x128xi32, #tpu.memory_space<hbm>>
      %dma_wait3A_44 = tpu.memref_squeeze %dma_wait3A_43 : memref<1x1x79x128xi32, #tpu.memory_space<hbm>> -> memref<79x128xi32, #tpu.memory_space<hbm>>
      %dma_wait3A_45 = arith.constant 0 : i32
      %dma_wait3A_46 = arith.constant 0 : i32
      %dma_wait3A_47 = tpu.memref_slice %arg6[%arg0, %arg1, %dma_wait3A_45, %dma_wait3A_46] : memref<2x16x79x128xi32, #tpu.memory_space<hbm>> -> memref<1x1x79x128xi32, #tpu.memory_space<hbm>>
      %dma_wait3A_48 = tpu.memref_squeeze %dma_wait3A_47 : memref<1x1x79x128xi32, #tpu.memory_space<hbm>> -> memref<79x128xi32, #tpu.memory_space<hbm>>
      tpu.wait_dma2 semaphore(%run_scoped3A_34 : memref<!tpu.dma_semaphore, #tpu.memory_space<semaphore_mem>>) src(%dma_wait3A_48 : memref<79x128xi32, #tpu.memory_space<hbm>>) dst(%arg10 : memref<79x128xi32, #tpu.memory_space<vmem>>)
      tpu.yield
    }) : () -> ()
    "tpu.region"() ({
      %run_scoped3A_34 = tpu.sem_alloc : memref<!tpu.dma_semaphore, #tpu.memory_space<semaphore_mem>>
      %dma_start3A = arith.constant 0 : i32
      %dma_start3A_35 = arith.constant 0 : i32
      %dma_start3A_36 = tpu.memref_slice %arg7[%arg0, %arg1, %dma_start3A, %dma_start3A_35] : memref<2x16x79x128xi32, #tpu.memory_space<hbm>> -> memref<1x1x79x128xi32, #tpu.memory_space<hbm>>
      %dma_start3A_37 = tpu.memref_squeeze %dma_start3A_36 : memref<1x1x79x128xi32, #tpu.memory_space<hbm>> -> memref<79x128xi32, #tpu.memory_space<hbm>>
      %dma_start3A_38 = arith.constant 0 : i32
      %dma_start3A_39 = arith.constant 0 : i32
      %dma_start3A_40 = tpu.memref_slice %arg7[%arg0, %arg1, %dma_start3A_38, %dma_start3A_39] : memref<2x16x79x128xi32, #tpu.memory_space<hbm>> -> memref<1x1x79x128xi32, #tpu.memory_space<hbm>>
      %dma_start3A_41 = tpu.memref_squeeze %dma_start3A_40 : memref<1x1x79x128xi32, #tpu.memory_space<hbm>> -> memref<79x128xi32, #tpu.memory_space<hbm>>
      tpu.enqueue_dma source(%dma_start3A_41 : memref<79x128xi32, #tpu.memory_space<hbm>>) target(%arg11 : memref<79x128xi32, #tpu.memory_space<vmem>>) target_semaphore(%run_scoped3A_34 : memref<!tpu.dma_semaphore, #tpu.memory_space<semaphore_mem>>)
      %dma_wait3A = arith.constant 0 : i32
      %dma_wait3A_42 = arith.constant 0 : i32
      %dma_wait3A_43 = tpu.memref_slice %arg7[%arg0, %arg1, %dma_wait3A, %dma_wait3A_42] : memref<2x16x79x128xi32, #tpu.memory_space<hbm>> -> memref<1x1x79x128xi32, #tpu.memory_space<hbm>>
      %dma_wait3A_44 = tpu.memref_squeeze %dma_wait3A_43 : memref<1x1x79x128xi32, #tpu.memory_space<hbm>> -> memref<79x128xi32, #tpu.memory_space<hbm>>
      %dma_wait3A_45 = arith.constant 0 : i32
      %dma_wait3A_46 = arith.constant 0 : i32
      %dma_wait3A_47 = tpu.memref_slice %arg7[%arg0, %arg1, %dma_wait3A_45, %dma_wait3A_46] : memref<2x16x79x128xi32, #tpu.memory_space<hbm>> -> memref<1x1x79x128xi32, #tpu.memory_space<hbm>>
      %dma_wait3A_48 = tpu.memref_squeeze %dma_wait3A_47 : memref<1x1x79x128xi32, #tpu.memory_space<hbm>> -> memref<79x128xi32, #tpu.memory_space<hbm>>
      tpu.wait_dma2 semaphore(%run_scoped3A_34 : memref<!tpu.dma_semaphore, #tpu.memory_space<semaphore_mem>>) src(%dma_wait3A_48 : memref<79x128xi32, #tpu.memory_space<hbm>>) dst(%arg11 : memref<79x128xi32, #tpu.memory_space<vmem>>)
      tpu.yield
    }) : () -> ()
    %mul3A = arith.constant 640 : i32
    %mul3A_0 = arith.muli %arg1, %mul3A : i32
    "tpu.region"() ({
      %run_scoped3A_34 = tpu.sem_alloc : memref<!tpu.dma_semaphore, #tpu.memory_space<semaphore_mem>>
      %dma_start3A = arith.constant 0 : i32
      %dma_start3A_35 = tpu.memref_slice %arg13[%mul3A_0, %dma_start3A] : memref<10240x128xf32, #tpu.memory_space<vmem_shared>> -> memref<640x128xf32, #tpu.memory_space<vmem_shared>>
      %dma_start3A_36 = arith.constant 0 : i32
      %dma_start3A_37 = tpu.memref_slice %arg8[%mul3A_0, %dma_start3A_36] : memref<10240x128xf32, #tpu.memory_space<hbm>> -> memref<640x128xf32, #tpu.memory_space<hbm>>
      tpu.enqueue_dma source(%dma_start3A_37 : memref<640x128xf32, #tpu.memory_space<hbm>>) target(%dma_start3A_35 : memref<640x128xf32, #tpu.memory_space<vmem_shared>>) target_semaphore(%run_scoped3A_34 : memref<!tpu.dma_semaphore, #tpu.memory_space<semaphore_mem>>)
      %dma_wait3A = arith.constant 0 : i32
      %dma_wait3A_38 = tpu.memref_slice %arg13[%mul3A_0, %dma_wait3A] : memref<10240x128xf32, #tpu.memory_space<vmem_shared>> -> memref<640x128xf32, #tpu.memory_space<vmem_shared>>
      %dma_wait3A_39 = arith.constant 0 : i32
      %dma_wait3A_40 = tpu.memref_slice %arg8[%mul3A_0, %dma_wait3A_39] : memref<10240x128xf32, #tpu.memory_space<hbm>> -> memref<640x128xf32, #tpu.memory_space<hbm>>
      tpu.wait_dma2 semaphore(%run_scoped3A_34 : memref<!tpu.dma_semaphore, #tpu.memory_space<semaphore_mem>>) src(%dma_wait3A_40 : memref<640x128xf32, #tpu.memory_space<hbm>>) dst(%dma_wait3A_38 : memref<640x128xf32, #tpu.memory_space<vmem_shared>>)
      tpu.yield
    }) : () -> ()
    %barrier3A = arith.constant 0 : index
    tpu.barrier barrier_id(%barrier3A)
    %scan3A = arith.constant 0 : i32
    %scan3A_1 = arith.constant 0 : i32
    %scan3A_2 = arith.constant 79 : i32
    %scan3A_3 = arith.addi %scan3A_1, %scan3A_2 : i32
    %scan3A_4 = arith.constant 1 : i32
    scf.for %scan3A_34 = %scan3A_1 to %scan3A_3 step %scan3A_4  : i32 {
      %dma_start3A = arith.constant 0 : i32
      %dma_start3A_35 = tpu.memref_slice %arg10[%scan3A_34, %dma_start3A] : memref<79x128xi32, #tpu.memory_space<vmem>> -> memref<1x128xi32, #tpu.memory_space<vmem>>
      %dma_start3A_36 = tpu.memref_squeeze %dma_start3A_35 : memref<1x128xi32, #tpu.memory_space<vmem>> -> memref<128xi32, #tpu.memory_space<vmem>>
      %dma_start3A_37 = arith.constant 0 : i32
      %dma_start3A_38 = arith.constant 0 : i32
      %dma_start3A_39 = tpu.memref_slice %arg2[%dma_start3A_37, %dma_start3A_38] : memref<10240x128xf32, #tpu.memory_space<hbm>> -> memref<10240x128xf32, #tpu.memory_space<hbm>>
      tpu.enqueue_indirect_dma source(%dma_start3A_39 : memref<10240x128xf32, #tpu.memory_space<hbm>>) target(%arg12 : memref<128x128xf32, #tpu.memory_space<vmem>>) offsets(%dma_start3A_36 : memref<128xi32, #tpu.memory_space<vmem>>) semaphore(%arg14 : memref<!tpu.dma_semaphore, #tpu.memory_space<semaphore_mem>>)
      %dma_wait3A = arith.constant 0 : i32
      %dma_wait3A_40 = tpu.memref_slice %arg10[%scan3A_34, %dma_wait3A] : memref<79x128xi32, #tpu.memory_space<vmem>> -> memref<1x128xi32, #tpu.memory_space<vmem>>
      %dma_wait3A_41 = tpu.memref_squeeze %dma_wait3A_40 : memref<1x128xi32, #tpu.memory_space<vmem>> -> memref<128xi32, #tpu.memory_space<vmem>>
      %dma_wait3A_42 = arith.constant 0 : i32
      %dma_wait3A_43 = arith.constant 0 : i32
      %dma_wait3A_44 = tpu.memref_slice %arg2[%dma_wait3A_42, %dma_wait3A_43] : memref<10240x128xf32, #tpu.memory_space<hbm>> -> memref<10240x128xf32, #tpu.memory_space<hbm>>
      tpu.wait_indirect_dma semaphore(%arg14 : memref<!tpu.dma_semaphore, #tpu.memory_space<semaphore_mem>>) src(%dma_wait3A_44 : memref<10240x128xf32, #tpu.memory_space<hbm>>) dst(%arg12 : memref<128x128xf32, #tpu.memory_space<vmem>>)
      "tpu.region"() ({
        %run_scoped3A_45 = tpu.sem_alloc : memref<!tpu.dma_semaphore, #tpu.memory_space<semaphore_mem>>
        %dma_start3A_46 = arith.constant 0 : i32
        %dma_start3A_47 = tpu.memref_slice %arg11[%scan3A_34, %dma_start3A_46] : memref<79x128xi32, #tpu.memory_space<vmem>> -> memref<1x128xi32, #tpu.memory_space<vmem>>
        %dma_start3A_48 = tpu.memref_squeeze %dma_start3A_47 : memref<1x128xi32, #tpu.memory_space<vmem>> -> memref<128xi32, #tpu.memory_space<vmem>>
        %dma_start3A_49 = arith.constant 0 : i32
        %dma_start3A_50 = arith.constant 0 : i32
        %dma_start3A_51 = tpu.memref_slice %arg13[%dma_start3A_49, %dma_start3A_50] : memref<10240x128xf32, #tpu.memory_space<vmem_shared>> -> memref<10240x128xf32, #tpu.memory_space<vmem_shared>>
        tpu.enqueue_indirect_dma source(%arg12 : memref<128x128xf32, #tpu.memory_space<vmem>>) target(%dma_start3A_51 : memref<10240x128xf32, #tpu.memory_space<vmem_shared>>) offsets(%dma_start3A_48 : memref<128xi32, #tpu.memory_space<vmem>>) semaphore(%run_scoped3A_45 : memref<!tpu.dma_semaphore, #tpu.memory_space<semaphore_mem>>) {add = true}
        %dma_wait3A_52 = arith.constant 0 : i32
        %dma_wait3A_53 = tpu.memref_slice %arg11[%scan3A_34, %dma_wait3A_52] : memref<79x128xi32, #tpu.memory_space<vmem>> -> memref<1x128xi32, #tpu.memory_space<vmem>>
        %dma_wait3A_54 = tpu.memref_squeeze %dma_wait3A_53 : memref<1x128xi32, #tpu.memory_space<vmem>> -> memref<128xi32, #tpu.memory_space<vmem>>
        %dma_wait3A_55 = arith.constant 0 : i32
        %dma_wait3A_56 = arith.constant 0 : i32
        %dma_wait3A_57 = tpu.memref_slice %arg13[%dma_wait3A_55, %dma_wait3A_56] : memref<10240x128xf32, #tpu.memory_space<vmem_shared>> -> memref<10240x128xf32, #tpu.memory_space<vmem_shared>>
        tpu.wait_indirect_dma semaphore(%run_scoped3A_45 : memref<!tpu.dma_semaphore, #tpu.memory_space<semaphore_mem>>) src(%arg12 : memref<128x128xf32, #tpu.memory_space<vmem>>) dst(%dma_wait3A_57 : memref<10240x128xf32, #tpu.memory_space<vmem_shared>>)
        tpu.yield
      }) : () -> ()
    }
    %scan3A_5 = arith.constant 79 : i32
    %barrier3A_6 = arith.constant 0 : index
    tpu.barrier barrier_id(%barrier3A_6)
    %run_scoped3A = arith.constant 0 : i32
    "tpu.region"() ({
      %run_scoped3A_34 = tpu.sem_alloc : memref<!tpu.dma_semaphore, #tpu.memory_space<semaphore_mem>>
      %dma_start3A = arith.constant 0 : i32
      %dma_start3A_35 = tpu.memref_slice %arg9[%arg0, %run_scoped3A, %mul3A_0, %dma_start3A] : memref<2x4x10240x128xf32, #tpu.memory_space<hbm>> -> memref<1x1x640x128xf32, #tpu.memory_space<hbm>>
      %dma_start3A_36 = tpu.memref_squeeze %dma_start3A_35 : memref<1x1x640x128xf32, #tpu.memory_space<hbm>> -> memref<640x128xf32, #tpu.memory_space<hbm>>
      %dma_start3A_37 = arith.constant 0 : i32
      %dma_start3A_38 = tpu.memref_slice %arg13[%mul3A_0, %dma_start3A_37] : memref<10240x128xf32, #tpu.memory_space<vmem_shared>> -> memref<640x128xf32, #tpu.memory_space<vmem_shared>>
      tpu.enqueue_dma source(%dma_start3A_38 : memref<640x128xf32, #tpu.memory_space<vmem_shared>>) target(%dma_start3A_36 : memref<640x128xf32, #tpu.memory_space<hbm>>) target_semaphore(%run_scoped3A_34 : memref<!tpu.dma_semaphore, #tpu.memory_space<semaphore_mem>>)
      %dma_wait3A = arith.constant 0 : i32
      %dma_wait3A_39 = tpu.memref_slice %arg9[%arg0, %run_scoped3A, %mul3A_0, %dma_wait3A] : memref<2x4x10240x128xf32, #tpu.memory_space<hbm>> -> memref<1x1x640x128xf32, #tpu.memory_space<hbm>>
      %dma_wait3A_40 = tpu.memref_squeeze %dma_wait3A_39 : memref<1x1x640x128xf32, #tpu.memory_space<hbm>> -> memref<640x128xf32, #tpu.memory_space<hbm>>
      %dma_wait3A_41 = arith.constant 0 : i32
      %dma_wait3A_42 = tpu.memref_slice %arg13[%mul3A_0, %dma_wait3A_41] : memref<10240x128xf32, #tpu.memory_space<vmem_shared>> -> memref<640x128xf32, #tpu.memory_space<vmem_shared>>
      tpu.wait_dma2 semaphore(%run_scoped3A_34 : memref<!tpu.dma_semaphore, #tpu.memory_space<semaphore_mem>>) src(%dma_wait3A_42 : memref<640x128xf32, #tpu.memory_space<vmem_shared>>) dst(%dma_wait3A_40 : memref<640x128xf32, #tpu.memory_space<hbm>>)
      tpu.yield
    }) : () -> ()
    "tpu.region"() ({
      %run_scoped3A_34 = tpu.sem_alloc : memref<!tpu.dma_semaphore, #tpu.memory_space<semaphore_mem>>
      %dma_start3A = arith.constant 0 : i32
      %dma_start3A_35 = tpu.memref_slice %arg13[%mul3A_0, %dma_start3A] : memref<10240x128xf32, #tpu.memory_space<vmem_shared>> -> memref<640x128xf32, #tpu.memory_space<vmem_shared>>
      %dma_start3A_36 = arith.constant 0 : i32
      %dma_start3A_37 = tpu.memref_slice %arg8[%mul3A_0, %dma_start3A_36] : memref<10240x128xf32, #tpu.memory_space<hbm>> -> memref<640x128xf32, #tpu.memory_space<hbm>>
      tpu.enqueue_dma source(%dma_start3A_37 : memref<640x128xf32, #tpu.memory_space<hbm>>) target(%dma_start3A_35 : memref<640x128xf32, #tpu.memory_space<vmem_shared>>) target_semaphore(%run_scoped3A_34 : memref<!tpu.dma_semaphore, #tpu.memory_space<semaphore_mem>>)
      %dma_wait3A = arith.constant 0 : i32
      %dma_wait3A_38 = tpu.memref_slice %arg13[%mul3A_0, %dma_wait3A] : memref<10240x128xf32, #tpu.memory_space<vmem_shared>> -> memref<640x128xf32, #tpu.memory_space<vmem_shared>>
      %dma_wait3A_39 = arith.constant 0 : i32
      %dma_wait3A_40 = tpu.memref_slice %arg8[%mul3A_0, %dma_wait3A_39] : memref<10240x128xf32, #tpu.memory_space<hbm>> -> memref<640x128xf32, #tpu.memory_space<hbm>>
      tpu.wait_dma2 semaphore(%run_scoped3A_34 : memref<!tpu.dma_semaphore, #tpu.memory_space<semaphore_mem>>) src(%dma_wait3A_40 : memref<640x128xf32, #tpu.memory_space<hbm>>) dst(%dma_wait3A_38 : memref<640x128xf32, #tpu.memory_space<vmem_shared>>)
      tpu.yield
    }) : () -> ()
    %barrier3A_7 = arith.constant 0 : index
    tpu.barrier barrier_id(%barrier3A_7)
    %scan3A_8 = arith.constant 0 : i32
    %scan3A_9 = arith.constant 0 : i32
    %scan3A_10 = arith.constant 79 : i32
    %scan3A_11 = arith.addi %scan3A_9, %scan3A_10 : i32
    %scan3A_12 = arith.constant 1 : i32
    scf.for %scan3A_34 = %scan3A_9 to %scan3A_11 step %scan3A_12  : i32 {
      %dma_start3A = arith.constant 0 : i32
      %dma_start3A_35 = tpu.memref_slice %arg10[%scan3A_34, %dma_start3A] : memref<79x128xi32, #tpu.memory_space<vmem>> -> memref<1x128xi32, #tpu.memory_space<vmem>>
      %dma_start3A_36 = tpu.memref_squeeze %dma_start3A_35 : memref<1x128xi32, #tpu.memory_space<vmem>> -> memref<128xi32, #tpu.memory_space<vmem>>
      %dma_start3A_37 = arith.constant 0 : i32
      %dma_start3A_38 = arith.constant 0 : i32
      %dma_start3A_39 = tpu.memref_slice %arg3[%dma_start3A_37, %dma_start3A_38] : memref<10240x128xf32, #tpu.memory_space<hbm>> -> memref<10240x128xf32, #tpu.memory_space<hbm>>
      tpu.enqueue_indirect_dma source(%dma_start3A_39 : memref<10240x128xf32, #tpu.memory_space<hbm>>) target(%arg12 : memref<128x128xf32, #tpu.memory_space<vmem>>) offsets(%dma_start3A_36 : memref<128xi32, #tpu.memory_space<vmem>>) semaphore(%arg14 : memref<!tpu.dma_semaphore, #tpu.memory_space<semaphore_mem>>)
      %dma_wait3A = arith.constant 0 : i32
      %dma_wait3A_40 = tpu.memref_slice %arg10[%scan3A_34, %dma_wait3A] : memref<79x128xi32, #tpu.memory_space<vmem>> -> memref<1x128xi32, #tpu.memory_space<vmem>>
      %dma_wait3A_41 = tpu.memref_squeeze %dma_wait3A_40 : memref<1x128xi32, #tpu.memory_space<vmem>> -> memref<128xi32, #tpu.memory_space<vmem>>
      %dma_wait3A_42 = arith.constant 0 : i32
      %dma_wait3A_43 = arith.constant 0 : i32
      %dma_wait3A_44 = tpu.memref_slice %arg3[%dma_wait3A_42, %dma_wait3A_43] : memref<10240x128xf32, #tpu.memory_space<hbm>> -> memref<10240x128xf32, #tpu.memory_space<hbm>>
      tpu.wait_indirect_dma semaphore(%arg14 : memref<!tpu.dma_semaphore, #tpu.memory_space<semaphore_mem>>) src(%dma_wait3A_44 : memref<10240x128xf32, #tpu.memory_space<hbm>>) dst(%arg12 : memref<128x128xf32, #tpu.memory_space<vmem>>)
      "tpu.region"() ({
        %run_scoped3A_45 = tpu.sem_alloc : memref<!tpu.dma_semaphore, #tpu.memory_space<semaphore_mem>>
        %dma_start3A_46 = arith.constant 0 : i32
        %dma_start3A_47 = tpu.memref_slice %arg11[%scan3A_34, %dma_start3A_46] : memref<79x128xi32, #tpu.memory_space<vmem>> -> memref<1x128xi32, #tpu.memory_space<vmem>>
        %dma_start3A_48 = tpu.memref_squeeze %dma_start3A_47 : memref<1x128xi32, #tpu.memory_space<vmem>> -> memref<128xi32, #tpu.memory_space<vmem>>
        %dma_start3A_49 = arith.constant 0 : i32
        %dma_start3A_50 = arith.constant 0 : i32
        %dma_start3A_51 = tpu.memref_slice %arg13[%dma_start3A_49, %dma_start3A_50] : memref<10240x128xf32, #tpu.memory_space<vmem_shared>> -> memref<10240x128xf32, #tpu.memory_space<vmem_shared>>
        tpu.enqueue_indirect_dma source(%arg12 : memref<128x128xf32, #tpu.memory_space<vmem>>) target(%dma_start3A_51 : memref<10240x128xf32, #tpu.memory_space<vmem_shared>>) offsets(%dma_start3A_48 : memref<128xi32, #tpu.memory_space<vmem>>) semaphore(%run_scoped3A_45 : memref<!tpu.dma_semaphore, #tpu.memory_space<semaphore_mem>>) {add = true}
        %dma_wait3A_52 = arith.constant 0 : i32
        %dma_wait3A_53 = tpu.memref_slice %arg11[%scan3A_34, %dma_wait3A_52] : memref<79x128xi32, #tpu.memory_space<vmem>> -> memref<1x128xi32, #tpu.memory_space<vmem>>
        %dma_wait3A_54 = tpu.memref_squeeze %dma_wait3A_53 : memref<1x128xi32, #tpu.memory_space<vmem>> -> memref<128xi32, #tpu.memory_space<vmem>>
        %dma_wait3A_55 = arith.constant 0 : i32
        %dma_wait3A_56 = arith.constant 0 : i32
        %dma_wait3A_57 = tpu.memref_slice %arg13[%dma_wait3A_55, %dma_wait3A_56] : memref<10240x128xf32, #tpu.memory_space<vmem_shared>> -> memref<10240x128xf32, #tpu.memory_space<vmem_shared>>
        tpu.wait_indirect_dma semaphore(%run_scoped3A_45 : memref<!tpu.dma_semaphore, #tpu.memory_space<semaphore_mem>>) src(%arg12 : memref<128x128xf32, #tpu.memory_space<vmem>>) dst(%dma_wait3A_57 : memref<10240x128xf32, #tpu.memory_space<vmem_shared>>)
        tpu.yield
      }) : () -> ()
    }
    %scan3A_13 = arith.constant 79 : i32
    %barrier3A_14 = arith.constant 0 : index
    tpu.barrier barrier_id(%barrier3A_14)
    %run_scoped3A_15 = arith.constant 1 : i32
    "tpu.region"() ({
      %run_scoped3A_34 = tpu.sem_alloc : memref<!tpu.dma_semaphore, #tpu.memory_space<semaphore_mem>>
      %dma_start3A = arith.constant 0 : i32
      %dma_start3A_35 = tpu.memref_slice %arg9[%arg0, %run_scoped3A_15, %mul3A_0, %dma_start3A] : memref<2x4x10240x128xf32, #tpu.memory_space<hbm>> -> memref<1x1x640x128xf32, #tpu.memory_space<hbm>>
      %dma_start3A_36 = tpu.memref_squeeze %dma_start3A_35 : memref<1x1x640x128xf32, #tpu.memory_space<hbm>> -> memref<640x128xf32, #tpu.memory_space<hbm>>
      %dma_start3A_37 = arith.constant 0 : i32
      %dma_start3A_38 = tpu.memref_slice %arg13[%mul3A_0, %dma_start3A_37] : memref<10240x128xf32, #tpu.memory_space<vmem_shared>> -> memref<640x128xf32, #tpu.memory_space<vmem_shared>>
      tpu.enqueue_dma source(%dma_start3A_38 : memref<640x128xf32, #tpu.memory_space<vmem_shared>>) target(%dma_start3A_36 : memref<640x128xf32, #tpu.memory_space<hbm>>) target_semaphore(%run_scoped3A_34 : memref<!tpu.dma_semaphore, #tpu.memory_space<semaphore_mem>>)
      %dma_wait3A = arith.constant 0 : i32
      %dma_wait3A_39 = tpu.memref_slice %arg9[%arg0, %run_scoped3A_15, %mul3A_0, %dma_wait3A] : memref<2x4x10240x128xf32, #tpu.memory_space<hbm>> -> memref<1x1x640x128xf32, #tpu.memory_space<hbm>>
      %dma_wait3A_40 = tpu.memref_squeeze %dma_wait3A_39 : memref<1x1x640x128xf32, #tpu.memory_space<hbm>> -> memref<640x128xf32, #tpu.memory_space<hbm>>
      %dma_wait3A_41 = arith.constant 0 : i32
      %dma_wait3A_42 = tpu.memref_slice %arg13[%mul3A_0, %dma_wait3A_41] : memref<10240x128xf32, #tpu.memory_space<vmem_shared>> -> memref<640x128xf32, #tpu.memory_space<vmem_shared>>
      tpu.wait_dma2 semaphore(%run_scoped3A_34 : memref<!tpu.dma_semaphore, #tpu.memory_space<semaphore_mem>>) src(%dma_wait3A_42 : memref<640x128xf32, #tpu.memory_space<vmem_shared>>) dst(%dma_wait3A_40 : memref<640x128xf32, #tpu.memory_space<hbm>>)
      tpu.yield
    }) : () -> ()
    "tpu.region"() ({
      %run_scoped3A_34 = tpu.sem_alloc : memref<!tpu.dma_semaphore, #tpu.memory_space<semaphore_mem>>
      %dma_start3A = arith.constant 0 : i32
      %dma_start3A_35 = tpu.memref_slice %arg13[%mul3A_0, %dma_start3A] : memref<10240x128xf32, #tpu.memory_space<vmem_shared>> -> memref<640x128xf32, #tpu.memory_space<vmem_shared>>
      %dma_start3A_36 = arith.constant 0 : i32
      %dma_start3A_37 = tpu.memref_slice %arg8[%mul3A_0, %dma_start3A_36] : memref<10240x128xf32, #tpu.memory_space<hbm>> -> memref<640x128xf32, #tpu.memory_space<hbm>>
      tpu.enqueue_dma source(%dma_start3A_37 : memref<640x128xf32, #tpu.memory_space<hbm>>) target(%dma_start3A_35 : memref<640x128xf32, #tpu.memory_space<vmem_shared>>) target_semaphore(%run_scoped3A_34 : memref<!tpu.dma_semaphore, #tpu.memory_space<semaphore_mem>>)
      %dma_wait3A = arith.constant 0 : i32
      %dma_wait3A_38 = tpu.memref_slice %arg13[%mul3A_0, %dma_wait3A] : memref<10240x128xf32, #tpu.memory_space<vmem_shared>> -> memref<640x128xf32, #tpu.memory_space<vmem_shared>>
      %dma_wait3A_39 = arith.constant 0 : i32
      %dma_wait3A_40 = tpu.memref_slice %arg8[%mul3A_0, %dma_wait3A_39] : memref<10240x128xf32, #tpu.memory_space<hbm>> -> memref<640x128xf32, #tpu.memory_space<hbm>>
      tpu.wait_dma2 semaphore(%run_scoped3A_34 : memref<!tpu.dma_semaphore, #tpu.memory_space<semaphore_mem>>) src(%dma_wait3A_40 : memref<640x128xf32, #tpu.memory_space<hbm>>) dst(%dma_wait3A_38 : memref<640x128xf32, #tpu.memory_space<vmem_shared>>)
      tpu.yield
    }) : () -> ()
    %barrier3A_16 = arith.constant 0 : index
    tpu.barrier barrier_id(%barrier3A_16)
    %scan3A_17 = arith.constant 0 : i32
    %scan3A_18 = arith.constant 0 : i32
    %scan3A_19 = arith.constant 79 : i32
    %scan3A_20 = arith.addi %scan3A_18, %scan3A_19 : i32
    %scan3A_21 = arith.constant 1 : i32
    scf.for %scan3A_34 = %scan3A_18 to %scan3A_20 step %scan3A_21  : i32 {
      %dma_start3A = arith.constant 0 : i32
      %dma_start3A_35 = tpu.memref_slice %arg10[%scan3A_34, %dma_start3A] : memref<79x128xi32, #tpu.memory_space<vmem>> -> memref<1x128xi32, #tpu.memory_space<vmem>>
      %dma_start3A_36 = tpu.memref_squeeze %dma_start3A_35 : memref<1x128xi32, #tpu.memory_space<vmem>> -> memref<128xi32, #tpu.memory_space<vmem>>
      %dma_start3A_37 = arith.constant 0 : i32
      %dma_start3A_38 = arith.constant 0 : i32
      %dma_start3A_39 = tpu.memref_slice %arg4[%dma_start3A_37, %dma_start3A_38] : memref<10240x128xf32, #tpu.memory_space<hbm>> -> memref<10240x128xf32, #tpu.memory_space<hbm>>
      tpu.enqueue_indirect_dma source(%dma_start3A_39 : memref<10240x128xf32, #tpu.memory_space<hbm>>) target(%arg12 : memref<128x128xf32, #tpu.memory_space<vmem>>) offsets(%dma_start3A_36 : memref<128xi32, #tpu.memory_space<vmem>>) semaphore(%arg14 : memref<!tpu.dma_semaphore, #tpu.memory_space<semaphore_mem>>)
      %dma_wait3A = arith.constant 0 : i32
      %dma_wait3A_40 = tpu.memref_slice %arg10[%scan3A_34, %dma_wait3A] : memref<79x128xi32, #tpu.memory_space<vmem>> -> memref<1x128xi32, #tpu.memory_space<vmem>>
      %dma_wait3A_41 = tpu.memref_squeeze %dma_wait3A_40 : memref<1x128xi32, #tpu.memory_space<vmem>> -> memref<128xi32, #tpu.memory_space<vmem>>
      %dma_wait3A_42 = arith.constant 0 : i32
      %dma_wait3A_43 = arith.constant 0 : i32
      %dma_wait3A_44 = tpu.memref_slice %arg4[%dma_wait3A_42, %dma_wait3A_43] : memref<10240x128xf32, #tpu.memory_space<hbm>> -> memref<10240x128xf32, #tpu.memory_space<hbm>>
      tpu.wait_indirect_dma semaphore(%arg14 : memref<!tpu.dma_semaphore, #tpu.memory_space<semaphore_mem>>) src(%dma_wait3A_44 : memref<10240x128xf32, #tpu.memory_space<hbm>>) dst(%arg12 : memref<128x128xf32, #tpu.memory_space<vmem>>)
      "tpu.region"() ({
        %run_scoped3A_45 = tpu.sem_alloc : memref<!tpu.dma_semaphore, #tpu.memory_space<semaphore_mem>>
        %dma_start3A_46 = arith.constant 0 : i32
        %dma_start3A_47 = tpu.memref_slice %arg11[%scan3A_34, %dma_start3A_46] : memref<79x128xi32, #tpu.memory_space<vmem>> -> memref<1x128xi32, #tpu.memory_space<vmem>>
        %dma_start3A_48 = tpu.memref_squeeze %dma_start3A_47 : memref<1x128xi32, #tpu.memory_space<vmem>> -> memref<128xi32, #tpu.memory_space<vmem>>
        %dma_start3A_49 = arith.constant 0 : i32
        %dma_start3A_50 = arith.constant 0 : i32
        %dma_start3A_51 = tpu.memref_slice %arg13[%dma_start3A_49, %dma_start3A_50] : memref<10240x128xf32, #tpu.memory_space<vmem_shared>> -> memref<10240x128xf32, #tpu.memory_space<vmem_shared>>
        tpu.enqueue_indirect_dma source(%arg12 : memref<128x128xf32, #tpu.memory_space<vmem>>) target(%dma_start3A_51 : memref<10240x128xf32, #tpu.memory_space<vmem_shared>>) offsets(%dma_start3A_48 : memref<128xi32, #tpu.memory_space<vmem>>) semaphore(%run_scoped3A_45 : memref<!tpu.dma_semaphore, #tpu.memory_space<semaphore_mem>>) {add = true}
        %dma_wait3A_52 = arith.constant 0 : i32
        %dma_wait3A_53 = tpu.memref_slice %arg11[%scan3A_34, %dma_wait3A_52] : memref<79x128xi32, #tpu.memory_space<vmem>> -> memref<1x128xi32, #tpu.memory_space<vmem>>
        %dma_wait3A_54 = tpu.memref_squeeze %dma_wait3A_53 : memref<1x128xi32, #tpu.memory_space<vmem>> -> memref<128xi32, #tpu.memory_space<vmem>>
        %dma_wait3A_55 = arith.constant 0 : i32
        %dma_wait3A_56 = arith.constant 0 : i32
        %dma_wait3A_57 = tpu.memref_slice %arg13[%dma_wait3A_55, %dma_wait3A_56] : memref<10240x128xf32, #tpu.memory_space<vmem_shared>> -> memref<10240x128xf32, #tpu.memory_space<vmem_shared>>
        tpu.wait_indirect_dma semaphore(%run_scoped3A_45 : memref<!tpu.dma_semaphore, #tpu.memory_space<semaphore_mem>>) src(%arg12 : memref<128x128xf32, #tpu.memory_space<vmem>>) dst(%dma_wait3A_57 : memref<10240x128xf32, #tpu.memory_space<vmem_shared>>)
        tpu.yield
      }) : () -> ()
    }
    %scan3A_22 = arith.constant 79 : i32
    %barrier3A_23 = arith.constant 0 : index
    tpu.barrier barrier_id(%barrier3A_23)
    %run_scoped3A_24 = arith.constant 2 : i32
    "tpu.region"() ({
      %run_scoped3A_34 = tpu.sem_alloc : memref<!tpu.dma_semaphore, #tpu.memory_space<semaphore_mem>>
      %dma_start3A = arith.constant 0 : i32
      %dma_start3A_35 = tpu.memref_slice %arg9[%arg0, %run_scoped3A_24, %mul3A_0, %dma_start3A] : memref<2x4x10240x128xf32, #tpu.memory_space<hbm>> -> memref<1x1x640x128xf32, #tpu.memory_space<hbm>>
      %dma_start3A_36 = tpu.memref_squeeze %dma_start3A_35 : memref<1x1x640x128xf32, #tpu.memory_space<hbm>> -> memref<640x128xf32, #tpu.memory_space<hbm>>
      %dma_start3A_37 = arith.constant 0 : i32
      %dma_start3A_38 = tpu.memref_slice %arg13[%mul3A_0, %dma_start3A_37] : memref<10240x128xf32, #tpu.memory_space<vmem_shared>> -> memref<640x128xf32, #tpu.memory_space<vmem_shared>>
      tpu.enqueue_dma source(%dma_start3A_38 : memref<640x128xf32, #tpu.memory_space<vmem_shared>>) target(%dma_start3A_36 : memref<640x128xf32, #tpu.memory_space<hbm>>) target_semaphore(%run_scoped3A_34 : memref<!tpu.dma_semaphore, #tpu.memory_space<semaphore_mem>>)
      %dma_wait3A = arith.constant 0 : i32
      %dma_wait3A_39 = tpu.memref_slice %arg9[%arg0, %run_scoped3A_24, %mul3A_0, %dma_wait3A] : memref<2x4x10240x128xf32, #tpu.memory_space<hbm>> -> memref<1x1x640x128xf32, #tpu.memory_space<hbm>>
      %dma_wait3A_40 = tpu.memref_squeeze %dma_wait3A_39 : memref<1x1x640x128xf32, #tpu.memory_space<hbm>> -> memref<640x128xf32, #tpu.memory_space<hbm>>
      %dma_wait3A_41 = arith.constant 0 : i32
      %dma_wait3A_42 = tpu.memref_slice %arg13[%mul3A_0, %dma_wait3A_41] : memref<10240x128xf32, #tpu.memory_space<vmem_shared>> -> memref<640x128xf32, #tpu.memory_space<vmem_shared>>
      tpu.wait_dma2 semaphore(%run_scoped3A_34 : memref<!tpu.dma_semaphore, #tpu.memory_space<semaphore_mem>>) src(%dma_wait3A_42 : memref<640x128xf32, #tpu.memory_space<vmem_shared>>) dst(%dma_wait3A_40 : memref<640x128xf32, #tpu.memory_space<hbm>>)
      tpu.yield
    }) : () -> ()
    "tpu.region"() ({
      %run_scoped3A_34 = tpu.sem_alloc : memref<!tpu.dma_semaphore, #tpu.memory_space<semaphore_mem>>
      %dma_start3A = arith.constant 0 : i32
      %dma_start3A_35 = tpu.memref_slice %arg13[%mul3A_0, %dma_start3A] : memref<10240x128xf32, #tpu.memory_space<vmem_shared>> -> memref<640x128xf32, #tpu.memory_space<vmem_shared>>
      %dma_start3A_36 = arith.constant 0 : i32
      %dma_start3A_37 = tpu.memref_slice %arg8[%mul3A_0, %dma_start3A_36] : memref<10240x128xf32, #tpu.memory_space<hbm>> -> memref<640x128xf32, #tpu.memory_space<hbm>>
      tpu.enqueue_dma source(%dma_start3A_37 : memref<640x128xf32, #tpu.memory_space<hbm>>) target(%dma_start3A_35 : memref<640x128xf32, #tpu.memory_space<vmem_shared>>) target_semaphore(%run_scoped3A_34 : memref<!tpu.dma_semaphore, #tpu.memory_space<semaphore_mem>>)
      %dma_wait3A = arith.constant 0 : i32
      %dma_wait3A_38 = tpu.memref_slice %arg13[%mul3A_0, %dma_wait3A] : memref<10240x128xf32, #tpu.memory_space<vmem_shared>> -> memref<640x128xf32, #tpu.memory_space<vmem_shared>>
      %dma_wait3A_39 = arith.constant 0 : i32
      %dma_wait3A_40 = tpu.memref_slice %arg8[%mul3A_0, %dma_wait3A_39] : memref<10240x128xf32, #tpu.memory_space<hbm>> -> memref<640x128xf32, #tpu.memory_space<hbm>>
      tpu.wait_dma2 semaphore(%run_scoped3A_34 : memref<!tpu.dma_semaphore, #tpu.memory_space<semaphore_mem>>) src(%dma_wait3A_40 : memref<640x128xf32, #tpu.memory_space<hbm>>) dst(%dma_wait3A_38 : memref<640x128xf32, #tpu.memory_space<vmem_shared>>)
      tpu.yield
    }) : () -> ()
    %barrier3A_25 = arith.constant 0 : index
    tpu.barrier barrier_id(%barrier3A_25)
    %scan3A_26 = arith.constant 0 : i32
    %scan3A_27 = arith.constant 0 : i32
    %scan3A_28 = arith.constant 79 : i32
    %scan3A_29 = arith.addi %scan3A_27, %scan3A_28 : i32
    %scan3A_30 = arith.constant 1 : i32
    scf.for %scan3A_34 = %scan3A_27 to %scan3A_29 step %scan3A_30  : i32 {
      %dma_start3A = arith.constant 0 : i32
      %dma_start3A_35 = tpu.memref_slice %arg10[%scan3A_34, %dma_start3A] : memref<79x128xi32, #tpu.memory_space<vmem>> -> memref<1x128xi32, #tpu.memory_space<vmem>>
      %dma_start3A_36 = tpu.memref_squeeze %dma_start3A_35 : memref<1x128xi32, #tpu.memory_space<vmem>> -> memref<128xi32, #tpu.memory_space<vmem>>
      %dma_start3A_37 = arith.constant 0 : i32
      %dma_start3A_38 = arith.constant 0 : i32
      %dma_start3A_39 = tpu.memref_slice %arg5[%dma_start3A_37, %dma_start3A_38] : memref<10240x128xf32, #tpu.memory_space<hbm>> -> memref<10240x128xf32, #tpu.memory_space<hbm>>
      tpu.enqueue_indirect_dma source(%dma_start3A_39 : memref<10240x128xf32, #tpu.memory_space<hbm>>) target(%arg12 : memref<128x128xf32, #tpu.memory_space<vmem>>) offsets(%dma_start3A_36 : memref<128xi32, #tpu.memory_space<vmem>>) semaphore(%arg14 : memref<!tpu.dma_semaphore, #tpu.memory_space<semaphore_mem>>)
      %dma_wait3A = arith.constant 0 : i32
      %dma_wait3A_40 = tpu.memref_slice %arg10[%scan3A_34, %dma_wait3A] : memref<79x128xi32, #tpu.memory_space<vmem>> -> memref<1x128xi32, #tpu.memory_space<vmem>>
      %dma_wait3A_41 = tpu.memref_squeeze %dma_wait3A_40 : memref<1x128xi32, #tpu.memory_space<vmem>> -> memref<128xi32, #tpu.memory_space<vmem>>
      %dma_wait3A_42 = arith.constant 0 : i32
      %dma_wait3A_43 = arith.constant 0 : i32
      %dma_wait3A_44 = tpu.memref_slice %arg5[%dma_wait3A_42, %dma_wait3A_43] : memref<10240x128xf32, #tpu.memory_space<hbm>> -> memref<10240x128xf32, #tpu.memory_space<hbm>>
      tpu.wait_indirect_dma semaphore(%arg14 : memref<!tpu.dma_semaphore, #tpu.memory_space<semaphore_mem>>) src(%dma_wait3A_44 : memref<10240x128xf32, #tpu.memory_space<hbm>>) dst(%arg12 : memref<128x128xf32, #tpu.memory_space<vmem>>)
      "tpu.region"() ({
        %run_scoped3A_45 = tpu.sem_alloc : memref<!tpu.dma_semaphore, #tpu.memory_space<semaphore_mem>>
        %dma_start3A_46 = arith.constant 0 : i32
        %dma_start3A_47 = tpu.memref_slice %arg11[%scan3A_34, %dma_start3A_46] : memref<79x128xi32, #tpu.memory_space<vmem>> -> memref<1x128xi32, #tpu.memory_space<vmem>>
        %dma_start3A_48 = tpu.memref_squeeze %dma_start3A_47 : memref<1x128xi32, #tpu.memory_space<vmem>> -> memref<128xi32, #tpu.memory_space<vmem>>
        %dma_start3A_49 = arith.constant 0 : i32
        %dma_start3A_50 = arith.constant 0 : i32
        %dma_start3A_51 = tpu.memref_slice %arg13[%dma_start3A_49, %dma_start3A_50] : memref<10240x128xf32, #tpu.memory_space<vmem_shared>> -> memref<10240x128xf32, #tpu.memory_space<vmem_shared>>
        tpu.enqueue_indirect_dma source(%arg12 : memref<128x128xf32, #tpu.memory_space<vmem>>) target(%dma_start3A_51 : memref<10240x128xf32, #tpu.memory_space<vmem_shared>>) offsets(%dma_start3A_48 : memref<128xi32, #tpu.memory_space<vmem>>) semaphore(%run_scoped3A_45 : memref<!tpu.dma_semaphore, #tpu.memory_space<semaphore_mem>>) {add = true}
        %dma_wait3A_52 = arith.constant 0 : i32
        %dma_wait3A_53 = tpu.memref_slice %arg11[%scan3A_34, %dma_wait3A_52] : memref<79x128xi32, #tpu.memory_space<vmem>> -> memref<1x128xi32, #tpu.memory_space<vmem>>
        %dma_wait3A_54 = tpu.memref_squeeze %dma_wait3A_53 : memref<1x128xi32, #tpu.memory_space<vmem>> -> memref<128xi32, #tpu.memory_space<vmem>>
        %dma_wait3A_55 = arith.constant 0 : i32
        %dma_wait3A_56 = arith.constant 0 : i32
        %dma_wait3A_57 = tpu.memref_slice %arg13[%dma_wait3A_55, %dma_wait3A_56] : memref<10240x128xf32, #tpu.memory_space<vmem_shared>> -> memref<10240x128xf32, #tpu.memory_space<vmem_shared>>
        tpu.wait_indirect_dma semaphore(%run_scoped3A_45 : memref<!tpu.dma_semaphore, #tpu.memory_space<semaphore_mem>>) src(%arg12 : memref<128x128xf32, #tpu.memory_space<vmem>>) dst(%dma_wait3A_57 : memref<10240x128xf32, #tpu.memory_space<vmem_shared>>)
        tpu.yield
      }) : () -> ()
    }
    %scan3A_31 = arith.constant 79 : i32
    %barrier3A_32 = arith.constant 0 : index
    tpu.barrier barrier_id(%barrier3A_32)
    %run_scoped3A_33 = arith.constant 3 : i32
    "tpu.region"() ({
      %run_scoped3A_34 = tpu.sem_alloc : memref<!tpu.dma_semaphore, #tpu.memory_space<semaphore_mem>>
      %dma_start3A = arith.constant 0 : i32
      %dma_start3A_35 = tpu.memref_slice %arg9[%arg0, %run_scoped3A_33, %mul3A_0, %dma_start3A] : memref<2x4x10240x128xf32, #tpu.memory_space<hbm>> -> memref<1x1x640x128xf32, #tpu.memory_space<hbm>>
      %dma_start3A_36 = tpu.memref_squeeze %dma_start3A_35 : memref<1x1x640x128xf32, #tpu.memory_space<hbm>> -> memref<640x128xf32, #tpu.memory_space<hbm>>
      %dma_start3A_37 = arith.constant 0 : i32
      %dma_start3A_38 = tpu.memref_slice %arg13[%mul3A_0, %dma_start3A_37] : memref<10240x128xf32, #tpu.memory_space<vmem_shared>> -> memref<640x128xf32, #tpu.memory_space<vmem_shared>>
      tpu.enqueue_dma source(%dma_start3A_38 : memref<640x128xf32, #tpu.memory_space<vmem_shared>>) target(%dma_start3A_36 : memref<640x128xf32, #tpu.memory_space<hbm>>) target_semaphore(%run_scoped3A_34 : memref<!tpu.dma_semaphore, #tpu.memory_space<semaphore_mem>>)
      %dma_wait3A = arith.constant 0 : i32
      %dma_wait3A_39 = tpu.memref_slice %arg9[%arg0, %run_scoped3A_33, %mul3A_0, %dma_wait3A] : memref<2x4x10240x128xf32, #tpu.memory_space<hbm>> -> memref<1x1x640x128xf32, #tpu.memory_space<hbm>>
      %dma_wait3A_40 = tpu.memref_squeeze %dma_wait3A_39 : memref<1x1x640x128xf32, #tpu.memory_space<hbm>> -> memref<640x128xf32, #tpu.memory_space<hbm>>
      %dma_wait3A_41 = arith.constant 0 : i32
      %dma_wait3A_42 = tpu.memref_slice %arg13[%mul3A_0, %dma_wait3A_41] : memref<10240x128xf32, #tpu.memory_space<vmem_shared>> -> memref<640x128xf32, #tpu.memory_space<vmem_shared>>
      tpu.wait_dma2 semaphore(%run_scoped3A_34 : memref<!tpu.dma_semaphore, #tpu.memory_space<semaphore_mem>>) src(%dma_wait3A_42 : memref<640x128xf32, #tpu.memory_space<vmem_shared>>) dst(%dma_wait3A_40 : memref<640x128xf32, #tpu.memory_space<hbm>>)
      tpu.yield
    }) : () -> ()
    return
  }
}

#map = affine_map<(d0, d1) -> (0, 0, 0, 0)>
#map1 = affine_map<(d0, d1) -> (0, 0)>
#map2 = affine_map<(d0, d1) -> (0, 0, 0)>
module attributes {stable_mosaic.version = 14 : i64} {
  func.func @deg_kernel(%arg0: i32, %arg1: i32, %arg2: memref<2x16x79x128xi32, #tpu.memory_space<hbm>>, %arg3: memref<128x128xf32, #tpu.memory_space<hbm>>, %arg4: memref<10240x128xf32, #tpu.memory_space<hbm>>, %arg5: memref<2x10240x128xf32, #tpu.memory_space<hbm>>, %arg6: memref<79x128xi32, #tpu.memory_space<vmem>>, %arg7: memref<128x128xf32, #tpu.memory_space<vmem>>, %arg8: memref<10240x128xf32, #tpu.memory_space<vmem_shared>>) attributes {dimension_semantics = [#tpu.dimension_semantics<core_parallel>, #tpu.dimension_semantics<subcore_parallel>], iteration_bounds = array<i64: 2, 16>, scalar_prefetch = 0 : i64, scratch_operands = 3 : i64, tpu.core_type = #tpu.core_type<sc_vector_subcore>, window_params = [{transform_indices = #map}, {transform_indices = #map1}, {transform_indices = #map1}, {transform_indices = #map2}]} {
    "tpu.region"() ({
      %run_scoped3A = tpu.sem_alloc : memref<!tpu.dma_semaphore, #tpu.memory_space<semaphore_mem>>
      %dma_start3A = arith.constant 0 : i32
      %dma_start3A_7 = arith.constant 0 : i32
      %dma_start3A_8 = tpu.memref_slice %arg2[%arg0, %arg1, %dma_start3A, %dma_start3A_7] : memref<2x16x79x128xi32, #tpu.memory_space<hbm>> -> memref<1x1x79x128xi32, #tpu.memory_space<hbm>>
      %dma_start3A_9 = tpu.memref_squeeze %dma_start3A_8 : memref<1x1x79x128xi32, #tpu.memory_space<hbm>> -> memref<79x128xi32, #tpu.memory_space<hbm>>
      %dma_start3A_10 = arith.constant 0 : i32
      %dma_start3A_11 = arith.constant 0 : i32
      %dma_start3A_12 = tpu.memref_slice %arg2[%arg0, %arg1, %dma_start3A_10, %dma_start3A_11] : memref<2x16x79x128xi32, #tpu.memory_space<hbm>> -> memref<1x1x79x128xi32, #tpu.memory_space<hbm>>
      %dma_start3A_13 = tpu.memref_squeeze %dma_start3A_12 : memref<1x1x79x128xi32, #tpu.memory_space<hbm>> -> memref<79x128xi32, #tpu.memory_space<hbm>>
      tpu.enqueue_dma source(%dma_start3A_13 : memref<79x128xi32, #tpu.memory_space<hbm>>) target(%arg6 : memref<79x128xi32, #tpu.memory_space<vmem>>) target_semaphore(%run_scoped3A : memref<!tpu.dma_semaphore, #tpu.memory_space<semaphore_mem>>)
      %dma_wait3A = arith.constant 0 : i32
      %dma_wait3A_14 = arith.constant 0 : i32
      %dma_wait3A_15 = tpu.memref_slice %arg2[%arg0, %arg1, %dma_wait3A, %dma_wait3A_14] : memref<2x16x79x128xi32, #tpu.memory_space<hbm>> -> memref<1x1x79x128xi32, #tpu.memory_space<hbm>>
      %dma_wait3A_16 = tpu.memref_squeeze %dma_wait3A_15 : memref<1x1x79x128xi32, #tpu.memory_space<hbm>> -> memref<79x128xi32, #tpu.memory_space<hbm>>
      %dma_wait3A_17 = arith.constant 0 : i32
      %dma_wait3A_18 = arith.constant 0 : i32
      %dma_wait3A_19 = tpu.memref_slice %arg2[%arg0, %arg1, %dma_wait3A_17, %dma_wait3A_18] : memref<2x16x79x128xi32, #tpu.memory_space<hbm>> -> memref<1x1x79x128xi32, #tpu.memory_space<hbm>>
      %dma_wait3A_20 = tpu.memref_squeeze %dma_wait3A_19 : memref<1x1x79x128xi32, #tpu.memory_space<hbm>> -> memref<79x128xi32, #tpu.memory_space<hbm>>
      tpu.wait_dma2 semaphore(%run_scoped3A : memref<!tpu.dma_semaphore, #tpu.memory_space<semaphore_mem>>) src(%dma_wait3A_20 : memref<79x128xi32, #tpu.memory_space<hbm>>) dst(%arg6 : memref<79x128xi32, #tpu.memory_space<vmem>>)
      tpu.yield
    }) : () -> ()
    "tpu.region"() ({
      %run_scoped3A = tpu.sem_alloc : memref<!tpu.dma_semaphore, #tpu.memory_space<semaphore_mem>>
      tpu.enqueue_dma source(%arg3 : memref<128x128xf32, #tpu.memory_space<hbm>>) target(%arg7 : memref<128x128xf32, #tpu.memory_space<vmem>>) target_semaphore(%run_scoped3A : memref<!tpu.dma_semaphore, #tpu.memory_space<semaphore_mem>>)
      tpu.wait_dma2 semaphore(%run_scoped3A : memref<!tpu.dma_semaphore, #tpu.memory_space<semaphore_mem>>) src(%arg3 : memref<128x128xf32, #tpu.memory_space<hbm>>) dst(%arg7 : memref<128x128xf32, #tpu.memory_space<vmem>>)
      tpu.yield
    }) : () -> ()
    %mul3A = arith.constant 640 : i32
    %mul3A_0 = arith.muli %arg1, %mul3A : i32
    "tpu.region"() ({
      %run_scoped3A = tpu.sem_alloc : memref<!tpu.dma_semaphore, #tpu.memory_space<semaphore_mem>>
      %dma_start3A = arith.constant 0 : i32
      %dma_start3A_7 = tpu.memref_slice %arg8[%mul3A_0, %dma_start3A] : memref<10240x128xf32, #tpu.memory_space<vmem_shared>> -> memref<640x128xf32, #tpu.memory_space<vmem_shared>>
      %dma_start3A_8 = arith.constant 0 : i32
      %dma_start3A_9 = tpu.memref_slice %arg4[%mul3A_0, %dma_start3A_8] : memref<10240x128xf32, #tpu.memory_space<hbm>> -> memref<640x128xf32, #tpu.memory_space<hbm>>
      tpu.enqueue_dma source(%dma_start3A_9 : memref<640x128xf32, #tpu.memory_space<hbm>>) target(%dma_start3A_7 : memref<640x128xf32, #tpu.memory_space<vmem_shared>>) target_semaphore(%run_scoped3A : memref<!tpu.dma_semaphore, #tpu.memory_space<semaphore_mem>>)
      %dma_wait3A = arith.constant 0 : i32
      %dma_wait3A_10 = tpu.memref_slice %arg8[%mul3A_0, %dma_wait3A] : memref<10240x128xf32, #tpu.memory_space<vmem_shared>> -> memref<640x128xf32, #tpu.memory_space<vmem_shared>>
      %dma_wait3A_11 = arith.constant 0 : i32
      %dma_wait3A_12 = tpu.memref_slice %arg4[%mul3A_0, %dma_wait3A_11] : memref<10240x128xf32, #tpu.memory_space<hbm>> -> memref<640x128xf32, #tpu.memory_space<hbm>>
      tpu.wait_dma2 semaphore(%run_scoped3A : memref<!tpu.dma_semaphore, #tpu.memory_space<semaphore_mem>>) src(%dma_wait3A_12 : memref<640x128xf32, #tpu.memory_space<hbm>>) dst(%dma_wait3A_10 : memref<640x128xf32, #tpu.memory_space<vmem_shared>>)
      tpu.yield
    }) : () -> ()
    %barrier3A = arith.constant 0 : index
    tpu.barrier barrier_id(%barrier3A)
    %scan3A = arith.constant 0 : i32
    %scan3A_1 = arith.constant 0 : i32
    %scan3A_2 = arith.constant 79 : i32
    %scan3A_3 = arith.addi %scan3A_1, %scan3A_2 : i32
    %scan3A_4 = arith.constant 1 : i32
    scf.for %scan3A_7 = %scan3A_1 to %scan3A_3 step %scan3A_4  : i32 {
      "tpu.region"() ({
        %run_scoped3A = tpu.sem_alloc : memref<!tpu.dma_semaphore, #tpu.memory_space<semaphore_mem>>
        %dma_start3A = arith.constant 0 : i32
        %dma_start3A_8 = tpu.memref_slice %arg6[%scan3A_7, %dma_start3A] : memref<79x128xi32, #tpu.memory_space<vmem>> -> memref<1x128xi32, #tpu.memory_space<vmem>>
        %dma_start3A_9 = tpu.memref_squeeze %dma_start3A_8 : memref<1x128xi32, #tpu.memory_space<vmem>> -> memref<128xi32, #tpu.memory_space<vmem>>
        %dma_start3A_10 = arith.constant 0 : i32
        %dma_start3A_11 = arith.constant 0 : i32
        %dma_start3A_12 = tpu.memref_slice %arg8[%dma_start3A_10, %dma_start3A_11] : memref<10240x128xf32, #tpu.memory_space<vmem_shared>> -> memref<10240x128xf32, #tpu.memory_space<vmem_shared>>
        tpu.enqueue_indirect_dma source(%arg7 : memref<128x128xf32, #tpu.memory_space<vmem>>) target(%dma_start3A_12 : memref<10240x128xf32, #tpu.memory_space<vmem_shared>>) offsets(%dma_start3A_9 : memref<128xi32, #tpu.memory_space<vmem>>) semaphore(%run_scoped3A : memref<!tpu.dma_semaphore, #tpu.memory_space<semaphore_mem>>) {add = true}
        %dma_wait3A = arith.constant 0 : i32
        %dma_wait3A_13 = tpu.memref_slice %arg6[%scan3A_7, %dma_wait3A] : memref<79x128xi32, #tpu.memory_space<vmem>> -> memref<1x128xi32, #tpu.memory_space<vmem>>
        %dma_wait3A_14 = tpu.memref_squeeze %dma_wait3A_13 : memref<1x128xi32, #tpu.memory_space<vmem>> -> memref<128xi32, #tpu.memory_space<vmem>>
        %dma_wait3A_15 = arith.constant 0 : i32
        %dma_wait3A_16 = arith.constant 0 : i32
        %dma_wait3A_17 = tpu.memref_slice %arg8[%dma_wait3A_15, %dma_wait3A_16] : memref<10240x128xf32, #tpu.memory_space<vmem_shared>> -> memref<10240x128xf32, #tpu.memory_space<vmem_shared>>
        tpu.wait_indirect_dma semaphore(%run_scoped3A : memref<!tpu.dma_semaphore, #tpu.memory_space<semaphore_mem>>) src(%arg7 : memref<128x128xf32, #tpu.memory_space<vmem>>) dst(%dma_wait3A_17 : memref<10240x128xf32, #tpu.memory_space<vmem_shared>>)
        tpu.yield
      }) : () -> ()
    }
    %scan3A_5 = arith.constant 79 : i32
    %barrier3A_6 = arith.constant 0 : index
    tpu.barrier barrier_id(%barrier3A_6)
    "tpu.region"() ({
      %run_scoped3A = tpu.sem_alloc : memref<!tpu.dma_semaphore, #tpu.memory_space<semaphore_mem>>
      %dma_start3A = arith.constant 0 : i32
      %dma_start3A_7 = tpu.memref_slice %arg5[%arg0, %mul3A_0, %dma_start3A] : memref<2x10240x128xf32, #tpu.memory_space<hbm>> -> memref<1x640x128xf32, #tpu.memory_space<hbm>>
      %dma_start3A_8 = tpu.memref_squeeze %dma_start3A_7 : memref<1x640x128xf32, #tpu.memory_space<hbm>> -> memref<640x128xf32, #tpu.memory_space<hbm>>
      %dma_start3A_9 = arith.constant 0 : i32
      %dma_start3A_10 = tpu.memref_slice %arg8[%mul3A_0, %dma_start3A_9] : memref<10240x128xf32, #tpu.memory_space<vmem_shared>> -> memref<640x128xf32, #tpu.memory_space<vmem_shared>>
      tpu.enqueue_dma source(%dma_start3A_10 : memref<640x128xf32, #tpu.memory_space<vmem_shared>>) target(%dma_start3A_8 : memref<640x128xf32, #tpu.memory_space<hbm>>) target_semaphore(%run_scoped3A : memref<!tpu.dma_semaphore, #tpu.memory_space<semaphore_mem>>)
      %dma_wait3A = arith.constant 0 : i32
      %dma_wait3A_11 = tpu.memref_slice %arg5[%arg0, %mul3A_0, %dma_wait3A] : memref<2x10240x128xf32, #tpu.memory_space<hbm>> -> memref<1x640x128xf32, #tpu.memory_space<hbm>>
      %dma_wait3A_12 = tpu.memref_squeeze %dma_wait3A_11 : memref<1x640x128xf32, #tpu.memory_space<hbm>> -> memref<640x128xf32, #tpu.memory_space<hbm>>
      %dma_wait3A_13 = arith.constant 0 : i32
      %dma_wait3A_14 = tpu.memref_slice %arg8[%mul3A_0, %dma_wait3A_13] : memref<10240x128xf32, #tpu.memory_space<vmem_shared>> -> memref<640x128xf32, #tpu.memory_space<vmem_shared>>
      tpu.wait_dma2 semaphore(%run_scoped3A : memref<!tpu.dma_semaphore, #tpu.memory_space<semaphore_mem>>) src(%dma_wait3A_14 : memref<640x128xf32, #tpu.memory_space<vmem_shared>>) dst(%dma_wait3A_12 : memref<640x128xf32, #tpu.memory_space<hbm>>)
      tpu.yield
    }) : () -> ()
    return
  }
}

module attributes {stable_mosaic.version = 14 : i64} {
  func.func @_evolve_kernel(%arg0: memref<2x10240x128xf32, #tpu.memory_space<vmem>>, %arg1: memref<2x128x128xf32, #tpu.memory_space<vmem>>, %arg2: memref<2x128x128xf32, #tpu.memory_space<vmem>>, %arg3: memref<2x128x128xf32, #tpu.memory_space<vmem>>, %arg4: memref<2x128x128xf32, #tpu.memory_space<vmem>>, %arg5: memref<2x128x128xf32, #tpu.memory_space<vmem>>, %arg6: memref<2x128x128xf32, #tpu.memory_space<vmem>>, %arg7: memref<2x128x128xf32, #tpu.memory_space<vmem>>, %arg8: memref<2x128x128xf32, #tpu.memory_space<vmem>>, %arg9: memref<2x128x128xf32, #tpu.memory_space<vmem>>, %arg10: memref<2x128x128xf32, #tpu.memory_space<vmem>>, %arg11: memref<2x4x128x128xf32, #tpu.memory_space<vmem>>, %arg12: memref<10240x1xf32, #tpu.memory_space<vmem>>) attributes {dimension_semantics = [], scalar_prefetch = 0 : i64, scratch_operands = 0 : i64, tpu.core_type = #tpu.core_type<tc>} {
    %get3A = arith.constant 0 : index
    %get3A_0 = arith.constant 0 : index
    %get3A_1 = arith.constant 0 : index
    %get3A_2 = vector.load %arg0[%get3A, %get3A_0, %get3A_1] : memref<2x10240x128xf32, #tpu.memory_space<vmem>>, vector<1x10240x128xf32>
    %get3A_3 = vector.shape_cast %get3A_2 : vector<1x10240x128xf32> to vector<10240x128xf32>
    %slice3A = vector.extract_strided_slice %get3A_3 {offsets = [0, 0], sizes = [10240, 1], strides = [1, 1]} : vector<10240x128xf32> to vector<10240x1xf32>
    %get3A_4 = arith.constant 1 : index
    %get3A_5 = arith.constant 0 : index
    %get3A_6 = arith.constant 0 : index
    %get3A_7 = vector.load %arg0[%get3A_4, %get3A_5, %get3A_6] : memref<2x10240x128xf32, #tpu.memory_space<vmem>>, vector<1x10240x128xf32>
    %get3A_8 = vector.shape_cast %get3A_7 : vector<1x10240x128xf32> to vector<10240x128xf32>
    %slice3A_9 = vector.extract_strided_slice %get3A_8 {offsets = [0, 0], sizes = [10240, 1], strides = [1, 1]} : vector<10240x128xf32> to vector<10240x1xf32>
    %add3A = arith.addf %slice3A, %slice3A_9 : vector<10240x1xf32>
    %add3A_10 = arith.constant 1.000000e+00 : f32
    %add3A_11 = vector.broadcast %add3A_10 : f32 to vector<10240x1xf32>
    %add3A_12 = arith.addf %add3A, %add3A_11 : vector<10240x1xf32>
    %rsqrt3A = math.rsqrt %add3A_12 : vector<10240x1xf32>
    %swap3A = arith.constant 0 : index
    %swap3A_13 = arith.constant 0 : index
    %swap3A_14 = vector.load %arg12[%swap3A, %swap3A_13] : memref<10240x1xf32, #tpu.memory_space<vmem>>, vector<10240x1xf32>
    tpu.vector_store %arg12[%swap3A, %swap3A_13], %rsqrt3A {strides = array<i32>} : memref<10240x1xf32, #tpu.memory_space<vmem>>, vector<10240x1xf32>,
    %get3A_15 = arith.constant 0 : index
    %get3A_16 = arith.constant 0 : index
    %get3A_17 = arith.constant 0 : index
    %get3A_18 = vector.load %arg1[%get3A_15, %get3A_16, %get3A_17] : memref<2x128x128xf32, #tpu.memory_space<vmem>>, vector<1x128x128xf32>
    %get3A_19 = vector.shape_cast %get3A_18 : vector<1x128x128xf32> to vector<128x128xf32>
    %get3A_20 = arith.constant 0 : index
    %get3A_21 = arith.constant 0 : index
    %get3A_22 = arith.constant 0 : index
    %get3A_23 = vector.load %arg2[%get3A_20, %get3A_21, %get3A_22] : memref<2x128x128xf32, #tpu.memory_space<vmem>>, vector<1x128x128xf32>
    %get3A_24 = vector.shape_cast %get3A_23 : vector<1x128x128xf32> to vector<128x128xf32>
    %dot_general3A = arith.constant dense<0.000000e+00> : vector<128x128xf32>
    %dot_general3A_25 = tpu.matmul %get3A_24, %get3A_19, %dot_general3A {dimension_numbers = #tpu.dot_dimension_numbers<[1], [0], [0], [1], [0, 0, 1, 1], [], []>, transpose_lhs_hint = false} : vector<128x128xf32>, vector<128x128xf32>, vector<128x128xf32> -> vector<128x128xf32>
    %get3A_26 = arith.constant 0 : index
    %get3A_27 = arith.constant 0 : index
    %get3A_28 = arith.constant 0 : index
    %get3A_29 = vector.load %arg5[%get3A_26, %get3A_27, %get3A_28] : memref<2x128x128xf32, #tpu.memory_space<vmem>>, vector<1x128x128xf32>
    %get3A_30 = vector.shape_cast %get3A_29 : vector<1x128x128xf32> to vector<128x128xf32>
    %dot_general3A_31 = arith.constant dense<0.000000e+00> : vector<128x128xf32>
    %dot_general3A_32 = tpu.matmul %get3A_30, %get3A_19, %dot_general3A_31 {dimension_numbers = #tpu.dot_dimension_numbers<[1], [0], [0], [1], [0, 0, 1, 1], [], []>, transpose_lhs_hint = false} : vector<128x128xf32>, vector<128x128xf32>, vector<128x128xf32> -> vector<128x128xf32>
    %add3A_33 = arith.addf %dot_general3A_25, %dot_general3A_32 : vector<128x128xf32>
    %get3A_34 = arith.constant 0 : index
    %get3A_35 = arith.constant 0 : index
    %get3A_36 = arith.constant 0 : index
    %get3A_37 = vector.load %arg8[%get3A_34, %get3A_35, %get3A_36] : memref<2x128x128xf32, #tpu.memory_space<vmem>>, vector<1x128x128xf32>
    %get3A_38 = vector.shape_cast %get3A_37 : vector<1x128x128xf32> to vector<128x128xf32>
    %add3A_39 = arith.addf %add3A_33, %get3A_38 : vector<128x128xf32>
    %logistic3A = arith.negf %add3A_39 : vector<128x128xf32>
    %logistic3A_40 = math.exp %logistic3A : vector<128x128xf32>
    %logistic3A_41 = arith.constant 1.000000e+00 : f32
    %logistic3A_42 = vector.broadcast %logistic3A_41 : f32 to vector<128x128xf32>
    %logistic3A_43 = arith.addf %logistic3A_42, %logistic3A_40 : vector<128x128xf32>
    %logistic3A_44 = arith.divf %logistic3A_42, %logistic3A_43 : vector<128x128xf32>
    %get3A_45 = arith.constant 0 : index
    %get3A_46 = arith.constant 0 : index
    %get3A_47 = arith.constant 0 : index
    %get3A_48 = vector.load %arg3[%get3A_45, %get3A_46, %get3A_47] : memref<2x128x128xf32, #tpu.memory_space<vmem>>, vector<1x128x128xf32>
    %get3A_49 = vector.shape_cast %get3A_48 : vector<1x128x128xf32> to vector<128x128xf32>
    %dot_general3A_50 = arith.constant dense<0.000000e+00> : vector<128x128xf32>
    %dot_general3A_51 = tpu.matmul %get3A_49, %get3A_19, %dot_general3A_50 {dimension_numbers = #tpu.dot_dimension_numbers<[1], [0], [0], [1], [0, 0, 1, 1], [], []>, transpose_lhs_hint = false} : vector<128x128xf32>, vector<128x128xf32>, vector<128x128xf32> -> vector<128x128xf32>
    %get3A_52 = arith.constant 0 : index
    %get3A_53 = arith.constant 0 : index
    %get3A_54 = arith.constant 0 : index
    %get3A_55 = vector.load %arg6[%get3A_52, %get3A_53, %get3A_54] : memref<2x128x128xf32, #tpu.memory_space<vmem>>, vector<1x128x128xf32>
    %get3A_56 = vector.shape_cast %get3A_55 : vector<1x128x128xf32> to vector<128x128xf32>
    %dot_general3A_57 = arith.constant dense<0.000000e+00> : vector<128x128xf32>
    %dot_general3A_58 = tpu.matmul %get3A_56, %get3A_19, %dot_general3A_57 {dimension_numbers = #tpu.dot_dimension_numbers<[1], [0], [0], [1], [0, 0, 1, 1], [], []>, transpose_lhs_hint = false} : vector<128x128xf32>, vector<128x128xf32>, vector<128x128xf32> -> vector<128x128xf32>
    %add3A_59 = arith.addf %dot_general3A_51, %dot_general3A_58 : vector<128x128xf32>
    %get3A_60 = arith.constant 0 : index
    %get3A_61 = arith.constant 0 : index
    %get3A_62 = arith.constant 0 : index
    %get3A_63 = vector.load %arg9[%get3A_60, %get3A_61, %get3A_62] : memref<2x128x128xf32, #tpu.memory_space<vmem>>, vector<1x128x128xf32>
    %get3A_64 = vector.shape_cast %get3A_63 : vector<1x128x128xf32> to vector<128x128xf32>
    %add3A_65 = arith.addf %add3A_59, %get3A_64 : vector<128x128xf32>
    %logistic3A_66 = arith.negf %add3A_65 : vector<128x128xf32>
    %logistic3A_67 = math.exp %logistic3A_66 : vector<128x128xf32>
    %logistic3A_68 = arith.constant 1.000000e+00 : f32
    %logistic3A_69 = vector.broadcast %logistic3A_68 : f32 to vector<128x128xf32>
    %logistic3A_70 = arith.addf %logistic3A_69, %logistic3A_67 : vector<128x128xf32>
    %logistic3A_71 = arith.divf %logistic3A_69, %logistic3A_70 : vector<128x128xf32>
    %get3A_72 = arith.constant 0 : index
    %get3A_73 = arith.constant 0 : index
    %get3A_74 = arith.constant 0 : index
    %get3A_75 = vector.load %arg4[%get3A_72, %get3A_73, %get3A_74] : memref<2x128x128xf32, #tpu.memory_space<vmem>>, vector<1x128x128xf32>
    %get3A_76 = vector.shape_cast %get3A_75 : vector<1x128x128xf32> to vector<128x128xf32>
    %dot_general3A_77 = arith.constant dense<0.000000e+00> : vector<128x128xf32>
    %dot_general3A_78 = tpu.matmul %get3A_76, %get3A_19, %dot_general3A_77 {dimension_numbers = #tpu.dot_dimension_numbers<[1], [0], [0], [1], [0, 0, 1, 1], [], []>, transpose_lhs_hint = false} : vector<128x128xf32>, vector<128x128xf32>, vector<128x128xf32> -> vector<128x128xf32>
    %get3A_79 = arith.constant 0 : index
    %get3A_80 = arith.constant 0 : index
    %get3A_81 = arith.constant 0 : index
    %get3A_82 = vector.load %arg7[%get3A_79, %get3A_80, %get3A_81] : memref<2x128x128xf32, #tpu.memory_space<vmem>>, vector<1x128x128xf32>
    %get3A_83 = vector.shape_cast %get3A_82 : vector<1x128x128xf32> to vector<128x128xf32>
    %mul3A = arith.mulf %logistic3A_71, %get3A_19 : vector<128x128xf32>
    %dot_general3A_84 = arith.constant dense<0.000000e+00> : vector<128x128xf32>
    %dot_general3A_85 = tpu.matmul %get3A_83, %mul3A, %dot_general3A_84 {dimension_numbers = #tpu.dot_dimension_numbers<[1], [0], [0], [1], [0, 0, 1, 1], [], []>, transpose_lhs_hint = false} : vector<128x128xf32>, vector<128x128xf32>, vector<128x128xf32> -> vector<128x128xf32>
    %add3A_86 = arith.addf %dot_general3A_78, %dot_general3A_85 : vector<128x128xf32>
    %get3A_87 = arith.constant 0 : index
    %get3A_88 = arith.constant 0 : index
    %get3A_89 = arith.constant 0 : index
    %get3A_90 = vector.load %arg10[%get3A_87, %get3A_88, %get3A_89] : memref<2x128x128xf32, #tpu.memory_space<vmem>>, vector<1x128x128xf32>
    %get3A_91 = vector.shape_cast %get3A_90 : vector<1x128x128xf32> to vector<128x128xf32>
    %add3A_92 = arith.addf %add3A_86, %get3A_91 : vector<128x128xf32>
    %tanh3A = math.tanh %add3A_92 : vector<128x128xf32>
    %sub3A = arith.constant 1.000000e+00 : f32
    %sub3A_93 = vector.broadcast %sub3A : f32 to vector<128x128xf32>
    %sub3A_94 = arith.subf %sub3A_93, %logistic3A_44 : vector<128x128xf32>
    %mul3A_95 = arith.mulf %sub3A_94, %get3A_19 : vector<128x128xf32>
    %mul3A_96 = arith.mulf %logistic3A_44, %tanh3A : vector<128x128xf32>
    %add3A_97 = arith.addf %mul3A_95, %mul3A_96 : vector<128x128xf32>
    %swap3A_98 = arith.constant 0 : index
    %swap3A_99 = arith.constant 0 : index
    %swap3A_100 = arith.constant 0 : index
    %swap3A_101 = arith.constant 0 : index
    %swap3A_102 = vector.load %arg11[%swap3A_98, %swap3A_99, %swap3A_100, %swap3A_101] : memref<2x4x128x128xf32, #tpu.memory_space<vmem>>, vector<1x1x128x128xf32>
    %swap3A_103 = vector.shape_cast %swap3A_102 : vector<1x1x128x128xf32> to vector<128x128xf32>
    %swap3A_104 = vector.shape_cast %add3A_97 : vector<128x128xf32> to vector<1x1x128x128xf32>
    tpu.vector_store %arg11[%swap3A_98, %swap3A_99, %swap3A_100, %swap3A_101], %swap3A_104 {strides = array<i32>} : memref<2x4x128x128xf32, #tpu.memory_space<vmem>>, vector<1x1x128x128xf32>,
    %get3A_105 = arith.constant 0 : index
    %get3A_106 = arith.constant 0 : index
    %get3A_107 = arith.constant 0 : index
    %get3A_108 = vector.load %arg2[%get3A_105, %get3A_106, %get3A_107] : memref<2x128x128xf32, #tpu.memory_space<vmem>>, vector<1x128x128xf32>
    %get3A_109 = vector.shape_cast %get3A_108 : vector<1x128x128xf32> to vector<128x128xf32>
    %dot_general3A_110 = arith.constant dense<0.000000e+00> : vector<128x128xf32>
    %dot_general3A_111 = tpu.matmul %get3A_109, %add3A_97, %dot_general3A_110 {dimension_numbers = #tpu.dot_dimension_numbers<[1], [0], [0], [1], [0, 0, 1, 1], [], []>, transpose_lhs_hint = false} : vector<128x128xf32>, vector<128x128xf32>, vector<128x128xf32> -> vector<128x128xf32>
    %get3A_112 = arith.constant 0 : index
    %get3A_113 = arith.constant 0 : index
    %get3A_114 = arith.constant 0 : index
    %get3A_115 = vector.load %arg5[%get3A_112, %get3A_113, %get3A_114] : memref<2x128x128xf32, #tpu.memory_space<vmem>>, vector<1x128x128xf32>
    %get3A_116 = vector.shape_cast %get3A_115 : vector<1x128x128xf32> to vector<128x128xf32>
    %dot_general3A_117 = arith.constant dense<0.000000e+00> : vector<128x128xf32>
    %dot_general3A_118 = tpu.matmul %get3A_116, %add3A_97, %dot_general3A_117 {dimension_numbers = #tpu.dot_dimension_numbers<[1], [0], [0], [1], [0, 0, 1, 1], [], []>, transpose_lhs_hint = false} : vector<128x128xf32>, vector<128x128xf32>, vector<128x128xf32> -> vector<128x128xf32>
    %add3A_119 = arith.addf %dot_general3A_111, %dot_general3A_118 : vector<128x128xf32>
    %get3A_120 = arith.constant 0 : index
    %get3A_121 = arith.constant 0 : index
    %get3A_122 = arith.constant 0 : index
    %get3A_123 = vector.load %arg8[%get3A_120, %get3A_121, %get3A_122] : memref<2x128x128xf32, #tpu.memory_space<vmem>>, vector<1x128x128xf32>
    %get3A_124 = vector.shape_cast %get3A_123 : vector<1x128x128xf32> to vector<128x128xf32>
    %add3A_125 = arith.addf %add3A_119, %get3A_124 : vector<128x128xf32>
    %logistic3A_126 = arith.negf %add3A_125 : vector<128x128xf32>
    %logistic3A_127 = math.exp %logistic3A_126 : vector<128x128xf32>
    %logistic3A_128 = arith.constant 1.000000e+00 : f32
    %logistic3A_129 = vector.broadcast %logistic3A_128 : f32 to vector<128x128xf32>
    %logistic3A_130 = arith.addf %logistic3A_129, %logistic3A_127 : vector<128x128xf32>
    %logistic3A_131 = arith.divf %logistic3A_129, %logistic3A_130 : vector<128x128xf32>
    %get3A_132 = arith.constant 0 : index
    %get3A_133 = arith.constant 0 : index
    %get3A_134 = arith.constant 0 : index
    %get3A_135 = vector.load %arg3[%get3A_132, %get3A_133, %get3A_134] : memref<2x128x128xf32, #tpu.memory_space<vmem>>, vector<1x128x128xf32>
    %get3A_136 = vector.shape_cast %get3A_135 : vector<1x128x128xf32> to vector<128x128xf32>
    %dot_general3A_137 = arith.constant dense<0.000000e+00> : vector<128x128xf32>
    %dot_general3A_138 = tpu.matmul %get3A_136, %add3A_97, %dot_general3A_137 {dimension_numbers = #tpu.dot_dimension_numbers<[1], [0], [0], [1], [0, 0, 1, 1], [], []>, transpose_lhs_hint = false} : vector<128x128xf32>, vector<128x128xf32>, vector<128x128xf32> -> vector<128x128xf32>
    %get3A_139 = arith.constant 0 : index
    %get3A_140 = arith.constant 0 : index
    %get3A_141 = arith.constant 0 : index
    %get3A_142 = vector.load %arg6[%get3A_139, %get3A_140, %get3A_141] : memref<2x128x128xf32, #tpu.memory_space<vmem>>, vector<1x128x128xf32>
    %get3A_143 = vector.shape_cast %get3A_142 : vector<1x128x128xf32> to vector<128x128xf32>
    %dot_general3A_144 = arith.constant dense<0.000000e+00> : vector<128x128xf32>
    %dot_general3A_145 = tpu.matmul %get3A_143, %add3A_97, %dot_general3A_144 {dimension_numbers = #tpu.dot_dimension_numbers<[1], [0], [0], [1], [0, 0, 1, 1], [], []>, transpose_lhs_hint = false} : vector<128x128xf32>, vector<128x128xf32>, vector<128x128xf32> -> vector<128x128xf32>
    %add3A_146 = arith.addf %dot_general3A_138, %dot_general3A_145 : vector<128x128xf32>
    %get3A_147 = arith.constant 0 : index
    %get3A_148 = arith.constant 0 : index
    %get3A_149 = arith.constant 0 : index
    %get3A_150 = vector.load %arg9[%get3A_147, %get3A_148, %get3A_149] : memref<2x128x128xf32, #tpu.memory_space<vmem>>, vector<1x128x128xf32>
    %get3A_151 = vector.shape_cast %get3A_150 : vector<1x128x128xf32> to vector<128x128xf32>
    %add3A_152 = arith.addf %add3A_146, %get3A_151 : vector<128x128xf32>
    %logistic3A_153 = arith.negf %add3A_152 : vector<128x128xf32>
    %logistic3A_154 = math.exp %logistic3A_153 : vector<128x128xf32>
    %logistic3A_155 = arith.constant 1.000000e+00 : f32
    %logistic3A_156 = vector.broadcast %logistic3A_155 : f32 to vector<128x128xf32>
    %logistic3A_157 = arith.addf %logistic3A_156, %logistic3A_154 : vector<128x128xf32>
    %logistic3A_158 = arith.divf %logistic3A_156, %logistic3A_157 : vector<128x128xf32>
    %get3A_159 = arith.constant 0 : index
    %get3A_160 = arith.constant 0 : index
    %get3A_161 = arith.constant 0 : index
    %get3A_162 = vector.load %arg4[%get3A_159, %get3A_160, %get3A_161] : memref<2x128x128xf32, #tpu.memory_space<vmem>>, vector<1x128x128xf32>
    %get3A_163 = vector.shape_cast %get3A_162 : vector<1x128x128xf32> to vector<128x128xf32>
    %dot_general3A_164 = arith.constant dense<0.000000e+00> : vector<128x128xf32>
    %dot_general3A_165 = tpu.matmul %get3A_163, %add3A_97, %dot_general3A_164 {dimension_numbers = #tpu.dot_dimension_numbers<[1], [0], [0], [1], [0, 0, 1, 1], [], []>, transpose_lhs_hint = false} : vector<128x128xf32>, vector<128x128xf32>, vector<128x128xf32> -> vector<128x128xf32>
    %get3A_166 = arith.constant 0 : index
    %get3A_167 = arith.constant 0 : index
    %get3A_168 = arith.constant 0 : index
    %get3A_169 = vector.load %arg7[%get3A_166, %get3A_167, %get3A_168] : memref<2x128x128xf32, #tpu.memory_space<vmem>>, vector<1x128x128xf32>
    %get3A_170 = vector.shape_cast %get3A_169 : vector<1x128x128xf32> to vector<128x128xf32>
    %mul3A_171 = arith.mulf %logistic3A_158, %add3A_97 : vector<128x128xf32>
    %dot_general3A_172 = arith.constant dense<0.000000e+00> : vector<128x128xf32>
    %dot_general3A_173 = tpu.matmul %get3A_170, %mul3A_171, %dot_general3A_172 {dimension_numbers = #tpu.dot_dimension_numbers<[1], [0], [0], [1], [0, 0, 1, 1], [], []>, transpose_lhs_hint = false} : vector<128x128xf32>, vector<128x128xf32>, vector<128x128xf32> -> vector<128x128xf32>
    %add3A_174 = arith.addf %dot_general3A_165, %dot_general3A_173 : vector<128x128xf32>
    %get3A_175 = arith.constant 0 : index
    %get3A_176 = arith.constant 0 : index
    %get3A_177 = arith.constant 0 : index
    %get3A_178 = vector.load %arg10[%get3A_175, %get3A_176, %get3A_177] : memref<2x128x128xf32, #tpu.memory_space<vmem>>, vector<1x128x128xf32>
    %get3A_179 = vector.shape_cast %get3A_178 : vector<1x128x128xf32> to vector<128x128xf32>
    %add3A_180 = arith.addf %add3A_174, %get3A_179 : vector<128x128xf32>
    %tanh3A_181 = math.tanh %add3A_180 : vector<128x128xf32>
    %sub3A_182 = arith.constant 1.000000e+00 : f32
    %sub3A_183 = vector.broadcast %sub3A_182 : f32 to vector<128x128xf32>
    %sub3A_184 = arith.subf %sub3A_183, %logistic3A_131 : vector<128x128xf32>
    %mul3A_185 = arith.mulf %sub3A_184, %add3A_97 : vector<128x128xf32>
    %mul3A_186 = arith.mulf %logistic3A_131, %tanh3A_181 : vector<128x128xf32>
    %add3A_187 = arith.addf %mul3A_185, %mul3A_186 : vector<128x128xf32>
    %swap3A_188 = arith.constant 0 : index
    %swap3A_189 = arith.constant 1 : index
    %swap3A_190 = arith.constant 0 : index
    %swap3A_191 = arith.constant 0 : index
    %swap3A_192 = vector.load %arg11[%swap3A_188, %swap3A_189, %swap3A_190, %swap3A_191] : memref<2x4x128x128xf32, #tpu.memory_space<vmem>>, vector<1x1x128x128xf32>
    %swap3A_193 = vector.shape_cast %swap3A_192 : vector<1x1x128x128xf32> to vector<128x128xf32>
    %swap3A_194 = vector.shape_cast %add3A_187 : vector<128x128xf32> to vector<1x1x128x128xf32>
    tpu.vector_store %arg11[%swap3A_188, %swap3A_189, %swap3A_190, %swap3A_191], %swap3A_194 {strides = array<i32>} : memref<2x4x128x128xf32, #tpu.memory_space<vmem>>, vector<1x1x128x128xf32>,
    %get3A_195 = arith.constant 0 : index
    %get3A_196 = arith.constant 0 : index
    %get3A_197 = arith.constant 0 : index
    %get3A_198 = vector.load %arg2[%get3A_195, %get3A_196, %get3A_197] : memref<2x128x128xf32, #tpu.memory_space<vmem>>, vector<1x128x128xf32>
    %get3A_199 = vector.shape_cast %get3A_198 : vector<1x128x128xf32> to vector<128x128xf32>
    %dot_general3A_200 = arith.constant dense<0.000000e+00> : vector<128x128xf32>
    %dot_general3A_201 = tpu.matmul %get3A_199, %add3A_187, %dot_general3A_200 {dimension_numbers = #tpu.dot_dimension_numbers<[1], [0], [0], [1], [0, 0, 1, 1], [], []>, transpose_lhs_hint = false} : vector<128x128xf32>, vector<128x128xf32>, vector<128x128xf32> -> vector<128x128xf32>
    %get3A_202 = arith.constant 0 : index
    %get3A_203 = arith.constant 0 : index
    %get3A_204 = arith.constant 0 : index
    %get3A_205 = vector.load %arg5[%get3A_202, %get3A_203, %get3A_204] : memref<2x128x128xf32, #tpu.memory_space<vmem>>, vector<1x128x128xf32>
    %get3A_206 = vector.shape_cast %get3A_205 : vector<1x128x128xf32> to vector<128x128xf32>
    %dot_general3A_207 = arith.constant dense<0.000000e+00> : vector<128x128xf32>
    %dot_general3A_208 = tpu.matmul %get3A_206, %add3A_187, %dot_general3A_207 {dimension_numbers = #tpu.dot_dimension_numbers<[1], [0], [0], [1], [0, 0, 1, 1], [], []>, transpose_lhs_hint = false} : vector<128x128xf32>, vector<128x128xf32>, vector<128x128xf32> -> vector<128x128xf32>
    %add3A_209 = arith.addf %dot_general3A_201, %dot_general3A_208 : vector<128x128xf32>
    %get3A_210 = arith.constant 0 : index
    %get3A_211 = arith.constant 0 : index
    %get3A_212 = arith.constant 0 : index
    %get3A_213 = vector.load %arg8[%get3A_210, %get3A_211, %get3A_212] : memref<2x128x128xf32, #tpu.memory_space<vmem>>, vector<1x128x128xf32>
    %get3A_214 = vector.shape_cast %get3A_213 : vector<1x128x128xf32> to vector<128x128xf32>
    %add3A_215 = arith.addf %add3A_209, %get3A_214 : vector<128x128xf32>
    %logistic3A_216 = arith.negf %add3A_215 : vector<128x128xf32>
    %logistic3A_217 = math.exp %logistic3A_216 : vector<128x128xf32>
    %logistic3A_218 = arith.constant 1.000000e+00 : f32
    %logistic3A_219 = vector.broadcast %logistic3A_218 : f32 to vector<128x128xf32>
    %logistic3A_220 = arith.addf %logistic3A_219, %logistic3A_217 : vector<128x128xf32>
    %logistic3A_221 = arith.divf %logistic3A_219, %logistic3A_220 : vector<128x128xf32>
    %get3A_222 = arith.constant 0 : index
    %get3A_223 = arith.constant 0 : index
    %get3A_224 = arith.constant 0 : index
    %get3A_225 = vector.load %arg3[%get3A_222, %get3A_223, %get3A_224] : memref<2x128x128xf32, #tpu.memory_space<vmem>>, vector<1x128x128xf32>
    %get3A_226 = vector.shape_cast %get3A_225 : vector<1x128x128xf32> to vector<128x128xf32>
    %dot_general3A_227 = arith.constant dense<0.000000e+00> : vector<128x128xf32>
    %dot_general3A_228 = tpu.matmul %get3A_226, %add3A_187, %dot_general3A_227 {dimension_numbers = #tpu.dot_dimension_numbers<[1], [0], [0], [1], [0, 0, 1, 1], [], []>, transpose_lhs_hint = false} : vector<128x128xf32>, vector<128x128xf32>, vector<128x128xf32> -> vector<128x128xf32>
    %get3A_229 = arith.constant 0 : index
    %get3A_230 = arith.constant 0 : index
    %get3A_231 = arith.constant 0 : index
    %get3A_232 = vector.load %arg6[%get3A_229, %get3A_230, %get3A_231] : memref<2x128x128xf32, #tpu.memory_space<vmem>>, vector<1x128x128xf32>
    %get3A_233 = vector.shape_cast %get3A_232 : vector<1x128x128xf32> to vector<128x128xf32>
    %dot_general3A_234 = arith.constant dense<0.000000e+00> : vector<128x128xf32>
    %dot_general3A_235 = tpu.matmul %get3A_233, %add3A_187, %dot_general3A_234 {dimension_numbers = #tpu.dot_dimension_numbers<[1], [0], [0], [1], [0, 0, 1, 1], [], []>, transpose_lhs_hint = false} : vector<128x128xf32>, vector<128x128xf32>, vector<128x128xf32> -> vector<128x128xf32>
    %add3A_236 = arith.addf %dot_general3A_228, %dot_general3A_235 : vector<128x128xf32>
    %get3A_237 = arith.constant 0 : index
    %get3A_238 = arith.constant 0 : index
    %get3A_239 = arith.constant 0 : index
    %get3A_240 = vector.load %arg9[%get3A_237, %get3A_238, %get3A_239] : memref<2x128x128xf32, #tpu.memory_space<vmem>>, vector<1x128x128xf32>
    %get3A_241 = vector.shape_cast %get3A_240 : vector<1x128x128xf32> to vector<128x128xf32>
    %add3A_242 = arith.addf %add3A_236, %get3A_241 : vector<128x128xf32>
    %logistic3A_243 = arith.negf %add3A_242 : vector<128x128xf32>
    %logistic3A_244 = math.exp %logistic3A_243 : vector<128x128xf32>
    %logistic3A_245 = arith.constant 1.000000e+00 : f32
    %logistic3A_246 = vector.broadcast %logistic3A_245 : f32 to vector<128x128xf32>
    %logistic3A_247 = arith.addf %logistic3A_246, %logistic3A_244 : vector<128x128xf32>
    %logistic3A_248 = arith.divf %logistic3A_246, %logistic3A_247 : vector<128x128xf32>
    %get3A_249 = arith.constant 0 : index
    %get3A_250 = arith.constant 0 : index
    %get3A_251 = arith.constant 0 : index
    %get3A_252 = vector.load %arg4[%get3A_249, %get3A_250, %get3A_251] : memref<2x128x128xf32, #tpu.memory_space<vmem>>, vector<1x128x128xf32>
    %get3A_253 = vector.shape_cast %get3A_252 : vector<1x128x128xf32> to vector<128x128xf32>
    %dot_general3A_254 = arith.constant dense<0.000000e+00> : vector<128x128xf32>
    %dot_general3A_255 = tpu.matmul %get3A_253, %add3A_187, %dot_general3A_254 {dimension_numbers = #tpu.dot_dimension_numbers<[1], [0], [0], [1], [0, 0, 1, 1], [], []>, transpose_lhs_hint = false} : vector<128x128xf32>, vector<128x128xf32>, vector<128x128xf32> -> vector<128x128xf32>
    %get3A_256 = arith.constant 0 : index
    %get3A_257 = arith.constant 0 : index
    %get3A_258 = arith.constant 0 : index
    %get3A_259 = vector.load %arg7[%get3A_256, %get3A_257, %get3A_258] : memref<2x128x128xf32, #tpu.memory_space<vmem>>, vector<1x128x128xf32>
    %get3A_260 = vector.shape_cast %get3A_259 : vector<1x128x128xf32> to vector<128x128xf32>
    %mul3A_261 = arith.mulf %logistic3A_248, %add3A_187 : vector<128x128xf32>
    %dot_general3A_262 = arith.constant dense<0.000000e+00> : vector<128x128xf32>
    %dot_general3A_263 = tpu.matmul %get3A_260, %mul3A_261, %dot_general3A_262 {dimension_numbers = #tpu.dot_dimension_numbers<[1], [0], [0], [1], [0, 0, 1, 1], [], []>, transpose_lhs_hint = false} : vector<128x128xf32>, vector<128x128xf32>, vector<128x128xf32> -> vector<128x128xf32>
    %add3A_264 = arith.addf %dot_general3A_255, %dot_general3A_263 : vector<128x128xf32>
    %get3A_265 = arith.constant 0 : index
    %get3A_266 = arith.constant 0 : index
    %get3A_267 = arith.constant 0 : index
    %get3A_268 = vector.load %arg10[%get3A_265, %get3A_266, %get3A_267] : memref<2x128x128xf32, #tpu.memory_space<vmem>>, vector<1x128x128xf32>
    %get3A_269 = vector.shape_cast %get3A_268 : vector<1x128x128xf32> to vector<128x128xf32>
    %add3A_270 = arith.addf %add3A_264, %get3A_269 : vector<128x128xf32>
    %tanh3A_271 = math.tanh %add3A_270 : vector<128x128xf32>
    %sub3A_272 = arith.constant 1.000000e+00 : f32
    %sub3A_273 = vector.broadcast %sub3A_272 : f32 to vector<128x128xf32>
    %sub3A_274 = arith.subf %sub3A_273, %logistic3A_221 : vector<128x128xf32>
    %mul3A_275 = arith.mulf %sub3A_274, %add3A_187 : vector<128x128xf32>
    %mul3A_276 = arith.mulf %logistic3A_221, %tanh3A_271 : vector<128x128xf32>
    %add3A_277 = arith.addf %mul3A_275, %mul3A_276 : vector<128x128xf32>
    %swap3A_278 = arith.constant 0 : index
    %swap3A_279 = arith.constant 2 : index
    %swap3A_280 = arith.constant 0 : index
    %swap3A_281 = arith.constant 0 : index
    %swap3A_282 = vector.load %arg11[%swap3A_278, %swap3A_279, %swap3A_280, %swap3A_281] : memref<2x4x128x128xf32, #tpu.memory_space<vmem>>, vector<1x1x128x128xf32>
    %swap3A_283 = vector.shape_cast %swap3A_282 : vector<1x1x128x128xf32> to vector<128x128xf32>
    %swap3A_284 = vector.shape_cast %add3A_277 : vector<128x128xf32> to vector<1x1x128x128xf32>
    tpu.vector_store %arg11[%swap3A_278, %swap3A_279, %swap3A_280, %swap3A_281], %swap3A_284 {strides = array<i32>} : memref<2x4x128x128xf32, #tpu.memory_space<vmem>>, vector<1x1x128x128xf32>,
    %get3A_285 = arith.constant 0 : index
    %get3A_286 = arith.constant 0 : index
    %get3A_287 = arith.constant 0 : index
    %get3A_288 = vector.load %arg2[%get3A_285, %get3A_286, %get3A_287] : memref<2x128x128xf32, #tpu.memory_space<vmem>>, vector<1x128x128xf32>
    %get3A_289 = vector.shape_cast %get3A_288 : vector<1x128x128xf32> to vector<128x128xf32>
    %dot_general3A_290 = arith.constant dense<0.000000e+00> : vector<128x128xf32>
    %dot_general3A_291 = tpu.matmul %get3A_289, %add3A_277, %dot_general3A_290 {dimension_numbers = #tpu.dot_dimension_numbers<[1], [0], [0], [1], [0, 0, 1, 1], [], []>, transpose_lhs_hint = false} : vector<128x128xf32>, vector<128x128xf32>, vector<128x128xf32> -> vector<128x128xf32>
    %get3A_292 = arith.constant 0 : index
    %get3A_293 = arith.constant 0 : index
    %get3A_294 = arith.constant 0 : index
    %get3A_295 = vector.load %arg5[%get3A_292, %get3A_293, %get3A_294] : memref<2x128x128xf32, #tpu.memory_space<vmem>>, vector<1x128x128xf32>
    %get3A_296 = vector.shape_cast %get3A_295 : vector<1x128x128xf32> to vector<128x128xf32>
    %dot_general3A_297 = arith.constant dense<0.000000e+00> : vector<128x128xf32>
    %dot_general3A_298 = tpu.matmul %get3A_296, %add3A_277, %dot_general3A_297 {dimension_numbers = #tpu.dot_dimension_numbers<[1], [0], [0], [1], [0, 0, 1, 1], [], []>, transpose_lhs_hint = false} : vector<128x128xf32>, vector<128x128xf32>, vector<128x128xf32> -> vector<128x128xf32>
    %add3A_299 = arith.addf %dot_general3A_291, %dot_general3A_298 : vector<128x128xf32>
    %get3A_300 = arith.constant 0 : index
    %get3A_301 = arith.constant 0 : index
    %get3A_302 = arith.constant 0 : index
    %get3A_303 = vector.load %arg8[%get3A_300, %get3A_301, %get3A_302] : memref<2x128x128xf32, #tpu.memory_space<vmem>>, vector<1x128x128xf32>
    %get3A_304 = vector.shape_cast %get3A_303 : vector<1x128x128xf32> to vector<128x128xf32>
    %add3A_305 = arith.addf %add3A_299, %get3A_304 : vector<128x128xf32>
    %logistic3A_306 = arith.negf %add3A_305 : vector<128x128xf32>
    %logistic3A_307 = math.exp %logistic3A_306 : vector<128x128xf32>
    %logistic3A_308 = arith.constant 1.000000e+00 : f32
    %logistic3A_309 = vector.broadcast %logistic3A_308 : f32 to vector<128x128xf32>
    %logistic3A_310 = arith.addf %logistic3A_309, %logistic3A_307 : vector<128x128xf32>
    %logistic3A_311 = arith.divf %logistic3A_309, %logistic3A_310 : vector<128x128xf32>
    %get3A_312 = arith.constant 0 : index
    %get3A_313 = arith.constant 0 : index
    %get3A_314 = arith.constant 0 : index
    %get3A_315 = vector.load %arg3[%get3A_312, %get3A_313, %get3A_314] : memref<2x128x128xf32, #tpu.memory_space<vmem>>, vector<1x128x128xf32>
    %get3A_316 = vector.shape_cast %get3A_315 : vector<1x128x128xf32> to vector<128x128xf32>
    %dot_general3A_317 = arith.constant dense<0.000000e+00> : vector<128x128xf32>
    %dot_general3A_318 = tpu.matmul %get3A_316, %add3A_277, %dot_general3A_317 {dimension_numbers = #tpu.dot_dimension_numbers<[1], [0], [0], [1], [0, 0, 1, 1], [], []>, transpose_lhs_hint = false} : vector<128x128xf32>, vector<128x128xf32>, vector<128x128xf32> -> vector<128x128xf32>
    %get3A_319 = arith.constant 0 : index
    %get3A_320 = arith.constant 0 : index
    %get3A_321 = arith.constant 0 : index
    %get3A_322 = vector.load %arg6[%get3A_319, %get3A_320, %get3A_321] : memref<2x128x128xf32, #tpu.memory_space<vmem>>, vector<1x128x128xf32>
    %get3A_323 = vector.shape_cast %get3A_322 : vector<1x128x128xf32> to vector<128x128xf32>
    %dot_general3A_324 = arith.constant dense<0.000000e+00> : vector<128x128xf32>
    %dot_general3A_325 = tpu.matmul %get3A_323, %add3A_277, %dot_general3A_324 {dimension_numbers = #tpu.dot_dimension_numbers<[1], [0], [0], [1], [0, 0, 1, 1], [], []>, transpose_lhs_hint = false} : vector<128x128xf32>, vector<128x128xf32>, vector<128x128xf32> -> vector<128x128xf32>
    %add3A_326 = arith.addf %dot_general3A_318, %dot_general3A_325 : vector<128x128xf32>
    %get3A_327 = arith.constant 0 : index
    %get3A_328 = arith.constant 0 : index
    %get3A_329 = arith.constant 0 : index
    %get3A_330 = vector.load %arg9[%get3A_327, %get3A_328, %get3A_329] : memref<2x128x128xf32, #tpu.memory_space<vmem>>, vector<1x128x128xf32>
    %get3A_331 = vector.shape_cast %get3A_330 : vector<1x128x128xf32> to vector<128x128xf32>
    %add3A_332 = arith.addf %add3A_326, %get3A_331 : vector<128x128xf32>
    %logistic3A_333 = arith.negf %add3A_332 : vector<128x128xf32>
    %logistic3A_334 = math.exp %logistic3A_333 : vector<128x128xf32>
    %logistic3A_335 = arith.constant 1.000000e+00 : f32
    %logistic3A_336 = vector.broadcast %logistic3A_335 : f32 to vector<128x128xf32>
    %logistic3A_337 = arith.addf %logistic3A_336, %logistic3A_334 : vector<128x128xf32>
    %logistic3A_338 = arith.divf %logistic3A_336, %logistic3A_337 : vector<128x128xf32>
    %get3A_339 = arith.constant 0 : index
    %get3A_340 = arith.constant 0 : index
    %get3A_341 = arith.constant 0 : index
    %get3A_342 = vector.load %arg4[%get3A_339, %get3A_340, %get3A_341] : memref<2x128x128xf32, #tpu.memory_space<vmem>>, vector<1x128x128xf32>
    %get3A_343 = vector.shape_cast %get3A_342 : vector<1x128x128xf32> to vector<128x128xf32>
    %dot_general3A_344 = arith.constant dense<0.000000e+00> : vector<128x128xf32>
    %dot_general3A_345 = tpu.matmul %get3A_343, %add3A_277, %dot_general3A_344 {dimension_numbers = #tpu.dot_dimension_numbers<[1], [0], [0], [1], [0, 0, 1, 1], [], []>, transpose_lhs_hint = false} : vector<128x128xf32>, vector<128x128xf32>, vector<128x128xf32> -> vector<128x128xf32>
    %get3A_346 = arith.constant 0 : index
    %get3A_347 = arith.constant 0 : index
    %get3A_348 = arith.constant 0 : index
    %get3A_349 = vector.load %arg7[%get3A_346, %get3A_347, %get3A_348] : memref<2x128x128xf32, #tpu.memory_space<vmem>>, vector<1x128x128xf32>
    %get3A_350 = vector.shape_cast %get3A_349 : vector<1x128x128xf32> to vector<128x128xf32>
    %mul3A_351 = arith.mulf %logistic3A_338, %add3A_277 : vector<128x128xf32>
    %dot_general3A_352 = arith.constant dense<0.000000e+00> : vector<128x128xf32>
    %dot_general3A_353 = tpu.matmul %get3A_350, %mul3A_351, %dot_general3A_352 {dimension_numbers = #tpu.dot_dimension_numbers<[1], [0], [0], [1], [0, 0, 1, 1], [], []>, transpose_lhs_hint = false} : vector<128x128xf32>, vector<128x128xf32>, vector<128x128xf32> -> vector<128x128xf32>
    %add3A_354 = arith.addf %dot_general3A_345, %dot_general3A_353 : vector<128x128xf32>
    %get3A_355 = arith.constant 0 : index
    %get3A_356 = arith.constant 0 : index
    %get3A_357 = arith.constant 0 : index
    %get3A_358 = vector.load %arg10[%get3A_355, %get3A_356, %get3A_357] : memref<2x128x128xf32, #tpu.memory_space<vmem>>, vector<1x128x128xf32>
    %get3A_359 = vector.shape_cast %get3A_358 : vector<1x128x128xf32> to vector<128x128xf32>
    %add3A_360 = arith.addf %add3A_354, %get3A_359 : vector<128x128xf32>
    %tanh3A_361 = math.tanh %add3A_360 : vector<128x128xf32>
    %sub3A_362 = arith.constant 1.000000e+00 : f32
    %sub3A_363 = vector.broadcast %sub3A_362 : f32 to vector<128x128xf32>
    %sub3A_364 = arith.subf %sub3A_363, %logistic3A_311 : vector<128x128xf32>
    %mul3A_365 = arith.mulf %sub3A_364, %add3A_277 : vector<128x128xf32>
    %mul3A_366 = arith.mulf %logistic3A_311, %tanh3A_361 : vector<128x128xf32>
    %add3A_367 = arith.addf %mul3A_365, %mul3A_366 : vector<128x128xf32>
    %swap3A_368 = arith.constant 0 : index
    %swap3A_369 = arith.constant 3 : index
    %swap3A_370 = arith.constant 0 : index
    %swap3A_371 = arith.constant 0 : index
    %swap3A_372 = vector.load %arg11[%swap3A_368, %swap3A_369, %swap3A_370, %swap3A_371] : memref<2x4x128x128xf32, #tpu.memory_space<vmem>>, vector<1x1x128x128xf32>
    %swap3A_373 = vector.shape_cast %swap3A_372 : vector<1x1x128x128xf32> to vector<128x128xf32>
    %swap3A_374 = vector.shape_cast %add3A_367 : vector<128x128xf32> to vector<1x1x128x128xf32>
    tpu.vector_store %arg11[%swap3A_368, %swap3A_369, %swap3A_370, %swap3A_371], %swap3A_374 {strides = array<i32>} : memref<2x4x128x128xf32, #tpu.memory_space<vmem>>, vector<1x1x128x128xf32>,
    %get3A_375 = arith.constant 1 : index
    %get3A_376 = arith.constant 0 : index
    %get3A_377 = arith.constant 0 : index
    %get3A_378 = vector.load %arg1[%get3A_375, %get3A_376, %get3A_377] : memref<2x128x128xf32, #tpu.memory_space<vmem>>, vector<1x128x128xf32>
    %get3A_379 = vector.shape_cast %get3A_378 : vector<1x128x128xf32> to vector<128x128xf32>
    %get3A_380 = arith.constant 1 : index
    %get3A_381 = arith.constant 0 : index
    %get3A_382 = arith.constant 0 : index
    %get3A_383 = vector.load %arg2[%get3A_380, %get3A_381, %get3A_382] : memref<2x128x128xf32, #tpu.memory_space<vmem>>, vector<1x128x128xf32>
    %get3A_384 = vector.shape_cast %get3A_383 : vector<1x128x128xf32> to vector<128x128xf32>
    %dot_general3A_385 = arith.constant dense<0.000000e+00> : vector<128x128xf32>
    %dot_general3A_386 = tpu.matmul %get3A_384, %get3A_379, %dot_general3A_385 {dimension_numbers = #tpu.dot_dimension_numbers<[1], [0], [0], [1], [0, 0, 1, 1], [], []>, transpose_lhs_hint = false} : vector<128x128xf32>, vector<128x128xf32>, vector<128x128xf32> -> vector<128x128xf32>
    %get3A_387 = arith.constant 1 : index
    %get3A_388 = arith.constant 0 : index
    %get3A_389 = arith.constant 0 : index
    %get3A_390 = vector.load %arg5[%get3A_387, %get3A_388, %get3A_389] : memref<2x128x128xf32, #tpu.memory_space<vmem>>, vector<1x128x128xf32>
    %get3A_391 = vector.shape_cast %get3A_390 : vector<1x128x128xf32> to vector<128x128xf32>
    %dot_general3A_392 = arith.constant dense<0.000000e+00> : vector<128x128xf32>
    %dot_general3A_393 = tpu.matmul %get3A_391, %get3A_379, %dot_general3A_392 {dimension_numbers = #tpu.dot_dimension_numbers<[1], [0], [0], [1], [0, 0, 1, 1], [], []>, transpose_lhs_hint = false} : vector<128x128xf32>, vector<128x128xf32>, vector<128x128xf32> -> vector<128x128xf32>
    %add3A_394 = arith.addf %dot_general3A_386, %dot_general3A_393 : vector<128x128xf32>
    %get3A_395 = arith.constant 1 : index
    %get3A_396 = arith.constant 0 : index
    %get3A_397 = arith.constant 0 : index
    %get3A_398 = vector.load %arg8[%get3A_395, %get3A_396, %get3A_397] : memref<2x128x128xf32, #tpu.memory_space<vmem>>, vector<1x128x128xf32>
    %get3A_399 = vector.shape_cast %get3A_398 : vector<1x128x128xf32> to vector<128x128xf32>
    %add3A_400 = arith.addf %add3A_394, %get3A_399 : vector<128x128xf32>
    %logistic3A_401 = arith.negf %add3A_400 : vector<128x128xf32>
    %logistic3A_402 = math.exp %logistic3A_401 : vector<128x128xf32>
    %logistic3A_403 = arith.constant 1.000000e+00 : f32
    %logistic3A_404 = vector.broadcast %logistic3A_403 : f32 to vector<128x128xf32>
    %logistic3A_405 = arith.addf %logistic3A_404, %logistic3A_402 : vector<128x128xf32>
    %logistic3A_406 = arith.divf %logistic3A_404, %logistic3A_405 : vector<128x128xf32>
    %get3A_407 = arith.constant 1 : index
    %get3A_408 = arith.constant 0 : index
    %get3A_409 = arith.constant 0 : index
    %get3A_410 = vector.load %arg3[%get3A_407, %get3A_408, %get3A_409] : memref<2x128x128xf32, #tpu.memory_space<vmem>>, vector<1x128x128xf32>
    %get3A_411 = vector.shape_cast %get3A_410 : vector<1x128x128xf32> to vector<128x128xf32>
    %dot_general3A_412 = arith.constant dense<0.000000e+00> : vector<128x128xf32>
    %dot_general3A_413 = tpu.matmul %get3A_411, %get3A_379, %dot_general3A_412 {dimension_numbers = #tpu.dot_dimension_numbers<[1], [0], [0], [1], [0, 0, 1, 1], [], []>, transpose_lhs_hint = false} : vector<128x128xf32>, vector<128x128xf32>, vector<128x128xf32> -> vector<128x128xf32>
    %get3A_414 = arith.constant 1 : index
    %get3A_415 = arith.constant 0 : index
    %get3A_416 = arith.constant 0 : index
    %get3A_417 = vector.load %arg6[%get3A_414, %get3A_415, %get3A_416] : memref<2x128x128xf32, #tpu.memory_space<vmem>>, vector<1x128x128xf32>
    %get3A_418 = vector.shape_cast %get3A_417 : vector<1x128x128xf32> to vector<128x128xf32>
    %dot_general3A_419 = arith.constant dense<0.000000e+00> : vector<128x128xf32>
    %dot_general3A_420 = tpu.matmul %get3A_418, %get3A_379, %dot_general3A_419 {dimension_numbers = #tpu.dot_dimension_numbers<[1], [0], [0], [1], [0, 0, 1, 1], [], []>, transpose_lhs_hint = false} : vector<128x128xf32>, vector<128x128xf32>, vector<128x128xf32> -> vector<128x128xf32>
    %add3A_421 = arith.addf %dot_general3A_413, %dot_general3A_420 : vector<128x128xf32>
    %get3A_422 = arith.constant 1 : index
    %get3A_423 = arith.constant 0 : index
    %get3A_424 = arith.constant 0 : index
    %get3A_425 = vector.load %arg9[%get3A_422, %get3A_423, %get3A_424] : memref<2x128x128xf32, #tpu.memory_space<vmem>>, vector<1x128x128xf32>
    %get3A_426 = vector.shape_cast %get3A_425 : vector<1x128x128xf32> to vector<128x128xf32>
    %add3A_427 = arith.addf %add3A_421, %get3A_426 : vector<128x128xf32>
    %logistic3A_428 = arith.negf %add3A_427 : vector<128x128xf32>
    %logistic3A_429 = math.exp %logistic3A_428 : vector<128x128xf32>
    %logistic3A_430 = arith.constant 1.000000e+00 : f32
    %logistic3A_431 = vector.broadcast %logistic3A_430 : f32 to vector<128x128xf32>
    %logistic3A_432 = arith.addf %logistic3A_431, %logistic3A_429 : vector<128x128xf32>
    %logistic3A_433 = arith.divf %logistic3A_431, %logistic3A_432 : vector<128x128xf32>
    %get3A_434 = arith.constant 1 : index
    %get3A_435 = arith.constant 0 : index
    %get3A_436 = arith.constant 0 : index
    %get3A_437 = vector.load %arg4[%get3A_434, %get3A_435, %get3A_436] : memref<2x128x128xf32, #tpu.memory_space<vmem>>, vector<1x128x128xf32>
    %get3A_438 = vector.shape_cast %get3A_437 : vector<1x128x128xf32> to vector<128x128xf32>
    %dot_general3A_439 = arith.constant dense<0.000000e+00> : vector<128x128xf32>
    %dot_general3A_440 = tpu.matmul %get3A_438, %get3A_379, %dot_general3A_439 {dimension_numbers = #tpu.dot_dimension_numbers<[1], [0], [0], [1], [0, 0, 1, 1], [], []>, transpose_lhs_hint = false} : vector<128x128xf32>, vector<128x128xf32>, vector<128x128xf32> -> vector<128x128xf32>
    %get3A_441 = arith.constant 1 : index
    %get3A_442 = arith.constant 0 : index
    %get3A_443 = arith.constant 0 : index
    %get3A_444 = vector.load %arg7[%get3A_441, %get3A_442, %get3A_443] : memref<2x128x128xf32, #tpu.memory_space<vmem>>, vector<1x128x128xf32>
    %get3A_445 = vector.shape_cast %get3A_444 : vector<1x128x128xf32> to vector<128x128xf32>
    %mul3A_446 = arith.mulf %logistic3A_433, %get3A_379 : vector<128x128xf32>
    %dot_general3A_447 = arith.constant dense<0.000000e+00> : vector<128x128xf32>
    %dot_general3A_448 = tpu.matmul %get3A_445, %mul3A_446, %dot_general3A_447 {dimension_numbers = #tpu.dot_dimension_numbers<[1], [0], [0], [1], [0, 0, 1, 1], [], []>, transpose_lhs_hint = false} : vector<128x128xf32>, vector<128x128xf32>, vector<128x128xf32> -> vector<128x128xf32>
    %add3A_449 = arith.addf %dot_general3A_440, %dot_general3A_448 : vector<128x128xf32>
    %get3A_450 = arith.constant 1 : index
    %get3A_451 = arith.constant 0 : index
    %get3A_452 = arith.constant 0 : index
    %get3A_453 = vector.load %arg10[%get3A_450, %get3A_451, %get3A_452] : memref<2x128x128xf32, #tpu.memory_space<vmem>>, vector<1x128x128xf32>
    %get3A_454 = vector.shape_cast %get3A_453 : vector<1x128x128xf32> to vector<128x128xf32>
    %add3A_455 = arith.addf %add3A_449, %get3A_454 : vector<128x128xf32>
    %tanh3A_456 = math.tanh %add3A_455 : vector<128x128xf32>
    %sub3A_457 = arith.constant 1.000000e+00 : f32
    %sub3A_458 = vector.broadcast %sub3A_457 : f32 to vector<128x128xf32>
    %sub3A_459 = arith.subf %sub3A_458, %logistic3A_406 : vector<128x128xf32>
    %mul3A_460 = arith.mulf %sub3A_459, %get3A_379 : vector<128x128xf32>
    %mul3A_461 = arith.mulf %logistic3A_406, %tanh3A_456 : vector<128x128xf32>
    %add3A_462 = arith.addf %mul3A_460, %mul3A_461 : vector<128x128xf32>
    %swap3A_463 = arith.constant 1 : index
    %swap3A_464 = arith.constant 0 : index
    %swap3A_465 = arith.constant 0 : index
    %swap3A_466 = arith.constant 0 : index
    %swap3A_467 = vector.load %arg11[%swap3A_463, %swap3A_464, %swap3A_465, %swap3A_466] : memref<2x4x128x128xf32, #tpu.memory_space<vmem>>, vector<1x1x128x128xf32>
    %swap3A_468 = vector.shape_cast %swap3A_467 : vector<1x1x128x128xf32> to vector<128x128xf32>
    %swap3A_469 = vector.shape_cast %add3A_462 : vector<128x128xf32> to vector<1x1x128x128xf32>
    tpu.vector_store %arg11[%swap3A_463, %swap3A_464, %swap3A_465, %swap3A_466], %swap3A_469 {strides = array<i32>} : memref<2x4x128x128xf32, #tpu.memory_space<vmem>>, vector<1x1x128x128xf32>,
    %get3A_470 = arith.constant 1 : index
    %get3A_471 = arith.constant 0 : index
    %get3A_472 = arith.constant 0 : index
    %get3A_473 = vector.load %arg2[%get3A_470, %get3A_471, %get3A_472] : memref<2x128x128xf32, #tpu.memory_space<vmem>>, vector<1x128x128xf32>
    %get3A_474 = vector.shape_cast %get3A_473 : vector<1x128x128xf32> to vector<128x128xf32>
    %dot_general3A_475 = arith.constant dense<0.000000e+00> : vector<128x128xf32>
    %dot_general3A_476 = tpu.matmul %get3A_474, %add3A_462, %dot_general3A_475 {dimension_numbers = #tpu.dot_dimension_numbers<[1], [0], [0], [1], [0, 0, 1, 1], [], []>, transpose_lhs_hint = false} : vector<128x128xf32>, vector<128x128xf32>, vector<128x128xf32> -> vector<128x128xf32>
    %get3A_477 = arith.constant 1 : index
    %get3A_478 = arith.constant 0 : index
    %get3A_479 = arith.constant 0 : index
    %get3A_480 = vector.load %arg5[%get3A_477, %get3A_478, %get3A_479] : memref<2x128x128xf32, #tpu.memory_space<vmem>>, vector<1x128x128xf32>
    %get3A_481 = vector.shape_cast %get3A_480 : vector<1x128x128xf32> to vector<128x128xf32>
    %dot_general3A_482 = arith.constant dense<0.000000e+00> : vector<128x128xf32>
    %dot_general3A_483 = tpu.matmul %get3A_481, %add3A_462, %dot_general3A_482 {dimension_numbers = #tpu.dot_dimension_numbers<[1], [0], [0], [1], [0, 0, 1, 1], [], []>, transpose_lhs_hint = false} : vector<128x128xf32>, vector<128x128xf32>, vector<128x128xf32> -> vector<128x128xf32>
    %add3A_484 = arith.addf %dot_general3A_476, %dot_general3A_483 : vector<128x128xf32>
    %get3A_485 = arith.constant 1 : index
    %get3A_486 = arith.constant 0 : index
    %get3A_487 = arith.constant 0 : index
    %get3A_488 = vector.load %arg8[%get3A_485, %get3A_486, %get3A_487] : memref<2x128x128xf32, #tpu.memory_space<vmem>>, vector<1x128x128xf32>
    %get3A_489 = vector.shape_cast %get3A_488 : vector<1x128x128xf32> to vector<128x128xf32>
    %add3A_490 = arith.addf %add3A_484, %get3A_489 : vector<128x128xf32>
    %logistic3A_491 = arith.negf %add3A_490 : vector<128x128xf32>
    %logistic3A_492 = math.exp %logistic3A_491 : vector<128x128xf32>
    %logistic3A_493 = arith.constant 1.000000e+00 : f32
    %logistic3A_494 = vector.broadcast %logistic3A_493 : f32 to vector<128x128xf32>
    %logistic3A_495 = arith.addf %logistic3A_494, %logistic3A_492 : vector<128x128xf32>
    %logistic3A_496 = arith.divf %logistic3A_494, %logistic3A_495 : vector<128x128xf32>
    %get3A_497 = arith.constant 1 : index
    %get3A_498 = arith.constant 0 : index
    %get3A_499 = arith.constant 0 : index
    %get3A_500 = vector.load %arg3[%get3A_497, %get3A_498, %get3A_499] : memref<2x128x128xf32, #tpu.memory_space<vmem>>, vector<1x128x128xf32>
    %get3A_501 = vector.shape_cast %get3A_500 : vector<1x128x128xf32> to vector<128x128xf32>
    %dot_general3A_502 = arith.constant dense<0.000000e+00> : vector<128x128xf32>
    %dot_general3A_503 = tpu.matmul %get3A_501, %add3A_462, %dot_general3A_502 {dimension_numbers = #tpu.dot_dimension_numbers<[1], [0], [0], [1], [0, 0, 1, 1], [], []>, transpose_lhs_hint = false} : vector<128x128xf32>, vector<128x128xf32>, vector<128x128xf32> -> vector<128x128xf32>
    %get3A_504 = arith.constant 1 : index
    %get3A_505 = arith.constant 0 : index
    %get3A_506 = arith.constant 0 : index
    %get3A_507 = vector.load %arg6[%get3A_504, %get3A_505, %get3A_506] : memref<2x128x128xf32, #tpu.memory_space<vmem>>, vector<1x128x128xf32>
    %get3A_508 = vector.shape_cast %get3A_507 : vector<1x128x128xf32> to vector<128x128xf32>
    %dot_general3A_509 = arith.constant dense<0.000000e+00> : vector<128x128xf32>
    %dot_general3A_510 = tpu.matmul %get3A_508, %add3A_462, %dot_general3A_509 {dimension_numbers = #tpu.dot_dimension_numbers<[1], [0], [0], [1], [0, 0, 1, 1], [], []>, transpose_lhs_hint = false} : vector<128x128xf32>, vector<128x128xf32>, vector<128x128xf32> -> vector<128x128xf32>
    %add3A_511 = arith.addf %dot_general3A_503, %dot_general3A_510 : vector<128x128xf32>
    %get3A_512 = arith.constant 1 : index
    %get3A_513 = arith.constant 0 : index
    %get3A_514 = arith.constant 0 : index
    %get3A_515 = vector.load %arg9[%get3A_512, %get3A_513, %get3A_514] : memref<2x128x128xf32, #tpu.memory_space<vmem>>, vector<1x128x128xf32>
    %get3A_516 = vector.shape_cast %get3A_515 : vector<1x128x128xf32> to vector<128x128xf32>
    %add3A_517 = arith.addf %add3A_511, %get3A_516 : vector<128x128xf32>
    %logistic3A_518 = arith.negf %add3A_517 : vector<128x128xf32>
    %logistic3A_519 = math.exp %logistic3A_518 : vector<128x128xf32>
    %logistic3A_520 = arith.constant 1.000000e+00 : f32
    %logistic3A_521 = vector.broadcast %logistic3A_520 : f32 to vector<128x128xf32>
    %logistic3A_522 = arith.addf %logistic3A_521, %logistic3A_519 : vector<128x128xf32>
    %logistic3A_523 = arith.divf %logistic3A_521, %logistic3A_522 : vector<128x128xf32>
    %get3A_524 = arith.constant 1 : index
    %get3A_525 = arith.constant 0 : index
    %get3A_526 = arith.constant 0 : index
    %get3A_527 = vector.load %arg4[%get3A_524, %get3A_525, %get3A_526] : memref<2x128x128xf32, #tpu.memory_space<vmem>>, vector<1x128x128xf32>
    %get3A_528 = vector.shape_cast %get3A_527 : vector<1x128x128xf32> to vector<128x128xf32>
    %dot_general3A_529 = arith.constant dense<0.000000e+00> : vector<128x128xf32>
    %dot_general3A_530 = tpu.matmul %get3A_528, %add3A_462, %dot_general3A_529 {dimension_numbers = #tpu.dot_dimension_numbers<[1], [0], [0], [1], [0, 0, 1, 1], [], []>, transpose_lhs_hint = false} : vector<128x128xf32>, vector<128x128xf32>, vector<128x128xf32> -> vector<128x128xf32>
    %get3A_531 = arith.constant 1 : index
    %get3A_532 = arith.constant 0 : index
    %get3A_533 = arith.constant 0 : index
    %get3A_534 = vector.load %arg7[%get3A_531, %get3A_532, %get3A_533] : memref<2x128x128xf32, #tpu.memory_space<vmem>>, vector<1x128x128xf32>
    %get3A_535 = vector.shape_cast %get3A_534 : vector<1x128x128xf32> to vector<128x128xf32>
    %mul3A_536 = arith.mulf %logistic3A_523, %add3A_462 : vector<128x128xf32>
    %dot_general3A_537 = arith.constant dense<0.000000e+00> : vector<128x128xf32>
    %dot_general3A_538 = tpu.matmul %get3A_535, %mul3A_536, %dot_general3A_537 {dimension_numbers = #tpu.dot_dimension_numbers<[1], [0], [0], [1], [0, 0, 1, 1], [], []>, transpose_lhs_hint = false} : vector<128x128xf32>, vector<128x128xf32>, vector<128x128xf32> -> vector<128x128xf32>
    %add3A_539 = arith.addf %dot_general3A_530, %dot_general3A_538 : vector<128x128xf32>
    %get3A_540 = arith.constant 1 : index
    %get3A_541 = arith.constant 0 : index
    %get3A_542 = arith.constant 0 : index
    %get3A_543 = vector.load %arg10[%get3A_540, %get3A_541, %get3A_542] : memref<2x128x128xf32, #tpu.memory_space<vmem>>, vector<1x128x128xf32>
    %get3A_544 = vector.shape_cast %get3A_543 : vector<1x128x128xf32> to vector<128x128xf32>
    %add3A_545 = arith.addf %add3A_539, %get3A_544 : vector<128x128xf32>
    %tanh3A_546 = math.tanh %add3A_545 : vector<128x128xf32>
    %sub3A_547 = arith.constant 1.000000e+00 : f32
    %sub3A_548 = vector.broadcast %sub3A_547 : f32 to vector<128x128xf32>
    %sub3A_549 = arith.subf %sub3A_548, %logistic3A_496 : vector<128x128xf32>
    %mul3A_550 = arith.mulf %sub3A_549, %add3A_462 : vector<128x128xf32>
    %mul3A_551 = arith.mulf %logistic3A_496, %tanh3A_546 : vector<128x128xf32>
    %add3A_552 = arith.addf %mul3A_550, %mul3A_551 : vector<128x128xf32>
    %swap3A_553 = arith.constant 1 : index
    %swap3A_554 = arith.constant 1 : index
    %swap3A_555 = arith.constant 0 : index
    %swap3A_556 = arith.constant 0 : index
    %swap3A_557 = vector.load %arg11[%swap3A_553, %swap3A_554, %swap3A_555, %swap3A_556] : memref<2x4x128x128xf32, #tpu.memory_space<vmem>>, vector<1x1x128x128xf32>
    %swap3A_558 = vector.shape_cast %swap3A_557 : vector<1x1x128x128xf32> to vector<128x128xf32>
    %swap3A_559 = vector.shape_cast %add3A_552 : vector<128x128xf32> to vector<1x1x128x128xf32>
    tpu.vector_store %arg11[%swap3A_553, %swap3A_554, %swap3A_555, %swap3A_556], %swap3A_559 {strides = array<i32>} : memref<2x4x128x128xf32, #tpu.memory_space<vmem>>, vector<1x1x128x128xf32>,
    %get3A_560 = arith.constant 1 : index
    %get3A_561 = arith.constant 0 : index
    %get3A_562 = arith.constant 0 : index
    %get3A_563 = vector.load %arg2[%get3A_560, %get3A_561, %get3A_562] : memref<2x128x128xf32, #tpu.memory_space<vmem>>, vector<1x128x128xf32>
    %get3A_564 = vector.shape_cast %get3A_563 : vector<1x128x128xf32> to vector<128x128xf32>
    %dot_general3A_565 = arith.constant dense<0.000000e+00> : vector<128x128xf32>
    %dot_general3A_566 = tpu.matmul %get3A_564, %add3A_552, %dot_general3A_565 {dimension_numbers = #tpu.dot_dimension_numbers<[1], [0], [0], [1], [0, 0, 1, 1], [], []>, transpose_lhs_hint = false} : vector<128x128xf32>, vector<128x128xf32>, vector<128x128xf32> -> vector<128x128xf32>
    %get3A_567 = arith.constant 1 : index
    %get3A_568 = arith.constant 0 : index
    %get3A_569 = arith.constant 0 : index
    %get3A_570 = vector.load %arg5[%get3A_567, %get3A_568, %get3A_569] : memref<2x128x128xf32, #tpu.memory_space<vmem>>, vector<1x128x128xf32>
    %get3A_571 = vector.shape_cast %get3A_570 : vector<1x128x128xf32> to vector<128x128xf32>
    %dot_general3A_572 = arith.constant dense<0.000000e+00> : vector<128x128xf32>
    %dot_general3A_573 = tpu.matmul %get3A_571, %add3A_552, %dot_general3A_572 {dimension_numbers = #tpu.dot_dimension_numbers<[1], [0], [0], [1], [0, 0, 1, 1], [], []>, transpose_lhs_hint = false} : vector<128x128xf32>, vector<128x128xf32>, vector<128x128xf32> -> vector<128x128xf32>
    %add3A_574 = arith.addf %dot_general3A_566, %dot_general3A_573 : vector<128x128xf32>
    %get3A_575 = arith.constant 1 : index
    %get3A_576 = arith.constant 0 : index
    %get3A_577 = arith.constant 0 : index
    %get3A_578 = vector.load %arg8[%get3A_575, %get3A_576, %get3A_577] : memref<2x128x128xf32, #tpu.memory_space<vmem>>, vector<1x128x128xf32>
    %get3A_579 = vector.shape_cast %get3A_578 : vector<1x128x128xf32> to vector<128x128xf32>
    %add3A_580 = arith.addf %add3A_574, %get3A_579 : vector<128x128xf32>
    %logistic3A_581 = arith.negf %add3A_580 : vector<128x128xf32>
    %logistic3A_582 = math.exp %logistic3A_581 : vector<128x128xf32>
    %logistic3A_583 = arith.constant 1.000000e+00 : f32
    %logistic3A_584 = vector.broadcast %logistic3A_583 : f32 to vector<128x128xf32>
    %logistic3A_585 = arith.addf %logistic3A_584, %logistic3A_582 : vector<128x128xf32>
    %logistic3A_586 = arith.divf %logistic3A_584, %logistic3A_585 : vector<128x128xf32>
    %get3A_587 = arith.constant 1 : index
    %get3A_588 = arith.constant 0 : index
    %get3A_589 = arith.constant 0 : index
    %get3A_590 = vector.load %arg3[%get3A_587, %get3A_588, %get3A_589] : memref<2x128x128xf32, #tpu.memory_space<vmem>>, vector<1x128x128xf32>
    %get3A_591 = vector.shape_cast %get3A_590 : vector<1x128x128xf32> to vector<128x128xf32>
    %dot_general3A_592 = arith.constant dense<0.000000e+00> : vector<128x128xf32>
    %dot_general3A_593 = tpu.matmul %get3A_591, %add3A_552, %dot_general3A_592 {dimension_numbers = #tpu.dot_dimension_numbers<[1], [0], [0], [1], [0, 0, 1, 1], [], []>, transpose_lhs_hint = false} : vector<128x128xf32>, vector<128x128xf32>, vector<128x128xf32> -> vector<128x128xf32>
    %get3A_594 = arith.constant 1 : index
    %get3A_595 = arith.constant 0 : index
    %get3A_596 = arith.constant 0 : index
    %get3A_597 = vector.load %arg6[%get3A_594, %get3A_595, %get3A_596] : memref<2x128x128xf32, #tpu.memory_space<vmem>>, vector<1x128x128xf32>
    %get3A_598 = vector.shape_cast %get3A_597 : vector<1x128x128xf32> to vector<128x128xf32>
    %dot_general3A_599 = arith.constant dense<0.000000e+00> : vector<128x128xf32>
    %dot_general3A_600 = tpu.matmul %get3A_598, %add3A_552, %dot_general3A_599 {dimension_numbers = #tpu.dot_dimension_numbers<[1], [0], [0], [1], [0, 0, 1, 1], [], []>, transpose_lhs_hint = false} : vector<128x128xf32>, vector<128x128xf32>, vector<128x128xf32> -> vector<128x128xf32>
    %add3A_601 = arith.addf %dot_general3A_593, %dot_general3A_600 : vector<128x128xf32>
    %get3A_602 = arith.constant 1 : index
    %get3A_603 = arith.constant 0 : index
    %get3A_604 = arith.constant 0 : index
    %get3A_605 = vector.load %arg9[%get3A_602, %get3A_603, %get3A_604] : memref<2x128x128xf32, #tpu.memory_space<vmem>>, vector<1x128x128xf32>
    %get3A_606 = vector.shape_cast %get3A_605 : vector<1x128x128xf32> to vector<128x128xf32>
    %add3A_607 = arith.addf %add3A_601, %get3A_606 : vector<128x128xf32>
    %logistic3A_608 = arith.negf %add3A_607 : vector<128x128xf32>
    %logistic3A_609 = math.exp %logistic3A_608 : vector<128x128xf32>
    %logistic3A_610 = arith.constant 1.000000e+00 : f32
    %logistic3A_611 = vector.broadcast %logistic3A_610 : f32 to vector<128x128xf32>
    %logistic3A_612 = arith.addf %logistic3A_611, %logistic3A_609 : vector<128x128xf32>
    %logistic3A_613 = arith.divf %logistic3A_611, %logistic3A_612 : vector<128x128xf32>
    %get3A_614 = arith.constant 1 : index
    %get3A_615 = arith.constant 0 : index
    %get3A_616 = arith.constant 0 : index
    %get3A_617 = vector.load %arg4[%get3A_614, %get3A_615, %get3A_616] : memref<2x128x128xf32, #tpu.memory_space<vmem>>, vector<1x128x128xf32>
    %get3A_618 = vector.shape_cast %get3A_617 : vector<1x128x128xf32> to vector<128x128xf32>
    %dot_general3A_619 = arith.constant dense<0.000000e+00> : vector<128x128xf32>
    %dot_general3A_620 = tpu.matmul %get3A_618, %add3A_552, %dot_general3A_619 {dimension_numbers = #tpu.dot_dimension_numbers<[1], [0], [0], [1], [0, 0, 1, 1], [], []>, transpose_lhs_hint = false} : vector<128x128xf32>, vector<128x128xf32>, vector<128x128xf32> -> vector<128x128xf32>
    %get3A_621 = arith.constant 1 : index
    %get3A_622 = arith.constant 0 : index
    %get3A_623 = arith.constant 0 : index
    %get3A_624 = vector.load %arg7[%get3A_621, %get3A_622, %get3A_623] : memref<2x128x128xf32, #tpu.memory_space<vmem>>, vector<1x128x128xf32>
    %get3A_625 = vector.shape_cast %get3A_624 : vector<1x128x128xf32> to vector<128x128xf32>
    %mul3A_626 = arith.mulf %logistic3A_613, %add3A_552 : vector<128x128xf32>
    %dot_general3A_627 = arith.constant dense<0.000000e+00> : vector<128x128xf32>
    %dot_general3A_628 = tpu.matmul %get3A_625, %mul3A_626, %dot_general3A_627 {dimension_numbers = #tpu.dot_dimension_numbers<[1], [0], [0], [1], [0, 0, 1, 1], [], []>, transpose_lhs_hint = false} : vector<128x128xf32>, vector<128x128xf32>, vector<128x128xf32> -> vector<128x128xf32>
    %add3A_629 = arith.addf %dot_general3A_620, %dot_general3A_628 : vector<128x128xf32>
    %get3A_630 = arith.constant 1 : index
    %get3A_631 = arith.constant 0 : index
    %get3A_632 = arith.constant 0 : index
    %get3A_633 = vector.load %arg10[%get3A_630, %get3A_631, %get3A_632] : memref<2x128x128xf32, #tpu.memory_space<vmem>>, vector<1x128x128xf32>
    %get3A_634 = vector.shape_cast %get3A_633 : vector<1x128x128xf32> to vector<128x128xf32>
    %add3A_635 = arith.addf %add3A_629, %get3A_634 : vector<128x128xf32>
    %tanh3A_636 = math.tanh %add3A_635 : vector<128x128xf32>
    %sub3A_637 = arith.constant 1.000000e+00 : f32
    %sub3A_638 = vector.broadcast %sub3A_637 : f32 to vector<128x128xf32>
    %sub3A_639 = arith.subf %sub3A_638, %logistic3A_586 : vector<128x128xf32>
    %mul3A_640 = arith.mulf %sub3A_639, %add3A_552 : vector<128x128xf32>
    %mul3A_641 = arith.mulf %logistic3A_586, %tanh3A_636 : vector<128x128xf32>
    %add3A_642 = arith.addf %mul3A_640, %mul3A_641 : vector<128x128xf32>
    %swap3A_643 = arith.constant 1 : index
    %swap3A_644 = arith.constant 2 : index
    %swap3A_645 = arith.constant 0 : index
    %swap3A_646 = arith.constant 0 : index
    %swap3A_647 = vector.load %arg11[%swap3A_643, %swap3A_644, %swap3A_645, %swap3A_646] : memref<2x4x128x128xf32, #tpu.memory_space<vmem>>, vector<1x1x128x128xf32>
    %swap3A_648 = vector.shape_cast %swap3A_647 : vector<1x1x128x128xf32> to vector<128x128xf32>
    %swap3A_649 = vector.shape_cast %add3A_642 : vector<128x128xf32> to vector<1x1x128x128xf32>
    tpu.vector_store %arg11[%swap3A_643, %swap3A_644, %swap3A_645, %swap3A_646], %swap3A_649 {strides = array<i32>} : memref<2x4x128x128xf32, #tpu.memory_space<vmem>>, vector<1x1x128x128xf32>,
    %get3A_650 = arith.constant 1 : index
    %get3A_651 = arith.constant 0 : index
    %get3A_652 = arith.constant 0 : index
    %get3A_653 = vector.load %arg2[%get3A_650, %get3A_651, %get3A_652] : memref<2x128x128xf32, #tpu.memory_space<vmem>>, vector<1x128x128xf32>
    %get3A_654 = vector.shape_cast %get3A_653 : vector<1x128x128xf32> to vector<128x128xf32>
    %dot_general3A_655 = arith.constant dense<0.000000e+00> : vector<128x128xf32>
    %dot_general3A_656 = tpu.matmul %get3A_654, %add3A_642, %dot_general3A_655 {dimension_numbers = #tpu.dot_dimension_numbers<[1], [0], [0], [1], [0, 0, 1, 1], [], []>, transpose_lhs_hint = false} : vector<128x128xf32>, vector<128x128xf32>, vector<128x128xf32> -> vector<128x128xf32>
    %get3A_657 = arith.constant 1 : index
    %get3A_658 = arith.constant 0 : index
    %get3A_659 = arith.constant 0 : index
    %get3A_660 = vector.load %arg5[%get3A_657, %get3A_658, %get3A_659] : memref<2x128x128xf32, #tpu.memory_space<vmem>>, vector<1x128x128xf32>
    %get3A_661 = vector.shape_cast %get3A_660 : vector<1x128x128xf32> to vector<128x128xf32>
    %dot_general3A_662 = arith.constant dense<0.000000e+00> : vector<128x128xf32>
    %dot_general3A_663 = tpu.matmul %get3A_661, %add3A_642, %dot_general3A_662 {dimension_numbers = #tpu.dot_dimension_numbers<[1], [0], [0], [1], [0, 0, 1, 1], [], []>, transpose_lhs_hint = false} : vector<128x128xf32>, vector<128x128xf32>, vector<128x128xf32> -> vector<128x128xf32>
    %add3A_664 = arith.addf %dot_general3A_656, %dot_general3A_663 : vector<128x128xf32>
    %get3A_665 = arith.constant 1 : index
    %get3A_666 = arith.constant 0 : index
    %get3A_667 = arith.constant 0 : index
    %get3A_668 = vector.load %arg8[%get3A_665, %get3A_666, %get3A_667] : memref<2x128x128xf32, #tpu.memory_space<vmem>>, vector<1x128x128xf32>
    %get3A_669 = vector.shape_cast %get3A_668 : vector<1x128x128xf32> to vector<128x128xf32>
    %add3A_670 = arith.addf %add3A_664, %get3A_669 : vector<128x128xf32>
    %logistic3A_671 = arith.negf %add3A_670 : vector<128x128xf32>
    %logistic3A_672 = math.exp %logistic3A_671 : vector<128x128xf32>
    %logistic3A_673 = arith.constant 1.000000e+00 : f32
    %logistic3A_674 = vector.broadcast %logistic3A_673 : f32 to vector<128x128xf32>
    %logistic3A_675 = arith.addf %logistic3A_674, %logistic3A_672 : vector<128x128xf32>
    %logistic3A_676 = arith.divf %logistic3A_674, %logistic3A_675 : vector<128x128xf32>
    %get3A_677 = arith.constant 1 : index
    %get3A_678 = arith.constant 0 : index
    %get3A_679 = arith.constant 0 : index
    %get3A_680 = vector.load %arg3[%get3A_677, %get3A_678, %get3A_679] : memref<2x128x128xf32, #tpu.memory_space<vmem>>, vector<1x128x128xf32>
    %get3A_681 = vector.shape_cast %get3A_680 : vector<1x128x128xf32> to vector<128x128xf32>
    %dot_general3A_682 = arith.constant dense<0.000000e+00> : vector<128x128xf32>
    %dot_general3A_683 = tpu.matmul %get3A_681, %add3A_642, %dot_general3A_682 {dimension_numbers = #tpu.dot_dimension_numbers<[1], [0], [0], [1], [0, 0, 1, 1], [], []>, transpose_lhs_hint = false} : vector<128x128xf32>, vector<128x128xf32>, vector<128x128xf32> -> vector<128x128xf32>
    %get3A_684 = arith.constant 1 : index
    %get3A_685 = arith.constant 0 : index
    %get3A_686 = arith.constant 0 : index
    %get3A_687 = vector.load %arg6[%get3A_684, %get3A_685, %get3A_686] : memref<2x128x128xf32, #tpu.memory_space<vmem>>, vector<1x128x128xf32>
    %get3A_688 = vector.shape_cast %get3A_687 : vector<1x128x128xf32> to vector<128x128xf32>
    %dot_general3A_689 = arith.constant dense<0.000000e+00> : vector<128x128xf32>
    %dot_general3A_690 = tpu.matmul %get3A_688, %add3A_642, %dot_general3A_689 {dimension_numbers = #tpu.dot_dimension_numbers<[1], [0], [0], [1], [0, 0, 1, 1], [], []>, transpose_lhs_hint = false} : vector<128x128xf32>, vector<128x128xf32>, vector<128x128xf32> -> vector<128x128xf32>
    %add3A_691 = arith.addf %dot_general3A_683, %dot_general3A_690 : vector<128x128xf32>
    %get3A_692 = arith.constant 1 : index
    %get3A_693 = arith.constant 0 : index
    %get3A_694 = arith.constant 0 : index
    %get3A_695 = vector.load %arg9[%get3A_692, %get3A_693, %get3A_694] : memref<2x128x128xf32, #tpu.memory_space<vmem>>, vector<1x128x128xf32>
    %get3A_696 = vector.shape_cast %get3A_695 : vector<1x128x128xf32> to vector<128x128xf32>
    %add3A_697 = arith.addf %add3A_691, %get3A_696 : vector<128x128xf32>
    %logistic3A_698 = arith.negf %add3A_697 : vector<128x128xf32>
    %logistic3A_699 = math.exp %logistic3A_698 : vector<128x128xf32>
    %logistic3A_700 = arith.constant 1.000000e+00 : f32
    %logistic3A_701 = vector.broadcast %logistic3A_700 : f32 to vector<128x128xf32>
    %logistic3A_702 = arith.addf %logistic3A_701, %logistic3A_699 : vector<128x128xf32>
    %logistic3A_703 = arith.divf %logistic3A_701, %logistic3A_702 : vector<128x128xf32>
    %get3A_704 = arith.constant 1 : index
    %get3A_705 = arith.constant 0 : index
    %get3A_706 = arith.constant 0 : index
    %get3A_707 = vector.load %arg4[%get3A_704, %get3A_705, %get3A_706] : memref<2x128x128xf32, #tpu.memory_space<vmem>>, vector<1x128x128xf32>
    %get3A_708 = vector.shape_cast %get3A_707 : vector<1x128x128xf32> to vector<128x128xf32>
    %dot_general3A_709 = arith.constant dense<0.000000e+00> : vector<128x128xf32>
    %dot_general3A_710 = tpu.matmul %get3A_708, %add3A_642, %dot_general3A_709 {dimension_numbers = #tpu.dot_dimension_numbers<[1], [0], [0], [1], [0, 0, 1, 1], [], []>, transpose_lhs_hint = false} : vector<128x128xf32>, vector<128x128xf32>, vector<128x128xf32> -> vector<128x128xf32>
    %get3A_711 = arith.constant 1 : index
    %get3A_712 = arith.constant 0 : index
    %get3A_713 = arith.constant 0 : index
    %get3A_714 = vector.load %arg7[%get3A_711, %get3A_712, %get3A_713] : memref<2x128x128xf32, #tpu.memory_space<vmem>>, vector<1x128x128xf32>
    %get3A_715 = vector.shape_cast %get3A_714 : vector<1x128x128xf32> to vector<128x128xf32>
    %mul3A_716 = arith.mulf %logistic3A_703, %add3A_642 : vector<128x128xf32>
    %dot_general3A_717 = arith.constant dense<0.000000e+00> : vector<128x128xf32>
    %dot_general3A_718 = tpu.matmul %get3A_715, %mul3A_716, %dot_general3A_717 {dimension_numbers = #tpu.dot_dimension_numbers<[1], [0], [0], [1], [0, 0, 1, 1], [], []>, transpose_lhs_hint = false} : vector<128x128xf32>, vector<128x128xf32>, vector<128x128xf32> -> vector<128x128xf32>
    %add3A_719 = arith.addf %dot_general3A_710, %dot_general3A_718 : vector<128x128xf32>
    %get3A_720 = arith.constant 1 : index
    %get3A_721 = arith.constant 0 : index
    %get3A_722 = arith.constant 0 : index
    %get3A_723 = vector.load %arg10[%get3A_720, %get3A_721, %get3A_722] : memref<2x128x128xf32, #tpu.memory_space<vmem>>, vector<1x128x128xf32>
    %get3A_724 = vector.shape_cast %get3A_723 : vector<1x128x128xf32> to vector<128x128xf32>
    %add3A_725 = arith.addf %add3A_719, %get3A_724 : vector<128x128xf32>
    %tanh3A_726 = math.tanh %add3A_725 : vector<128x128xf32>
    %sub3A_727 = arith.constant 1.000000e+00 : f32
    %sub3A_728 = vector.broadcast %sub3A_727 : f32 to vector<128x128xf32>
    %sub3A_729 = arith.subf %sub3A_728, %logistic3A_676 : vector<128x128xf32>
    %mul3A_730 = arith.mulf %sub3A_729, %add3A_642 : vector<128x128xf32>
    %mul3A_731 = arith.mulf %logistic3A_676, %tanh3A_726 : vector<128x128xf32>
    %add3A_732 = arith.addf %mul3A_730, %mul3A_731 : vector<128x128xf32>
    %swap3A_733 = arith.constant 1 : index
    %swap3A_734 = arith.constant 3 : index
    %swap3A_735 = arith.constant 0 : index
    %swap3A_736 = arith.constant 0 : index
    %swap3A_737 = vector.load %arg11[%swap3A_733, %swap3A_734, %swap3A_735, %swap3A_736] : memref<2x4x128x128xf32, #tpu.memory_space<vmem>>, vector<1x1x128x128xf32>
    %swap3A_738 = vector.shape_cast %swap3A_737 : vector<1x1x128x128xf32> to vector<128x128xf32>
    %swap3A_739 = vector.shape_cast %add3A_732 : vector<128x128xf32> to vector<1x1x128x128xf32>
    tpu.vector_store %arg11[%swap3A_733, %swap3A_734, %swap3A_735, %swap3A_736], %swap3A_739 {strides = array<i32>} : memref<2x4x128x128xf32, #tpu.memory_space<vmem>>, vector<1x1x128x128xf32>,
    return
  }
}

module attributes {stable_mosaic.version = 14 : i64} {
  func.func @_mm0_kernel(%arg0: i32, %arg1: i32, %arg2: memref<1x256x128xf32, #tpu.memory_space<vmem>>, %arg3: memref<1x128x128xf32, #tpu.memory_space<vmem>>, %arg4: memref<256x1xf32, #tpu.memory_space<vmem>>, %arg5: memref<1x256x128xf32, #tpu.memory_space<vmem>>) attributes {dimension_semantics = [#tpu.dimension_semantics<arbitrary>, #tpu.dimension_semantics<arbitrary>], iteration_bounds = array<i64: 4, 40>, scalar_prefetch = 0 : i64, scratch_operands = 0 : i64, tpu.core_type = #tpu.core_type<tc>, window_params = [{transform_indices = @transform_0, window_bounds = array<i64: 1, 256, 128>}, {transform_indices = @transform_1, window_bounds = array<i64: 1, 128, 128>}, {transform_indices = @transform_2, window_bounds = array<i64: 256, 1>}, {transform_indices = @transform_3, window_bounds = array<i64: 1, 256, 128>}]} {
    %get3A = arith.constant 0 : index
    %get3A_0 = arith.constant 0 : index
    %get3A_1 = arith.constant 0 : index
    %get3A_2 = vector.load %arg2[%get3A, %get3A_0, %get3A_1] : memref<1x256x128xf32, #tpu.memory_space<vmem>>, vector<1x256x128xf32>
    %get3A_3 = vector.shape_cast %get3A_2 : vector<1x256x128xf32> to vector<256x128xf32>
    %get3A_4 = arith.constant 0 : index
    %get3A_5 = arith.constant 0 : index
    %get3A_6 = arith.constant 0 : index
    %get3A_7 = vector.load %arg3[%get3A_4, %get3A_5, %get3A_6] : memref<1x128x128xf32, #tpu.memory_space<vmem>>, vector<1x128x128xf32>
    %get3A_8 = vector.shape_cast %get3A_7 : vector<1x128x128xf32> to vector<128x128xf32>
    %dot_general3A = arith.constant dense<0.000000e+00> : vector<256x128xf32>
    %dot_general3A_9 = tpu.matmul %get3A_3, %get3A_8, %dot_general3A {dimension_numbers = #tpu.dot_dimension_numbers<[1], [0], [0], [1], [0, 0, 1, 1], [], []>, transpose_lhs_hint = false} : vector<256x128xf32>, vector<128x128xf32>, vector<256x128xf32> -> vector<256x128xf32>
    %get3A_10 = arith.constant 0 : index
    %get3A_11 = arith.constant 0 : index
    %get3A_12 = vector.load %arg4[%get3A_10, %get3A_11] : memref<256x1xf32, #tpu.memory_space<vmem>>, vector<256x1xf32>
    %mul3A = vector.broadcast %get3A_12 : vector<256x1xf32> to vector<256x128xf32>
    %mul3A_13 = arith.mulf %mul3A, %dot_general3A_9 : vector<256x128xf32>
    %swap3A = arith.constant 0 : index
    %swap3A_14 = arith.constant 0 : index
    %swap3A_15 = arith.constant 0 : index
    %swap3A_16 = vector.load %arg5[%swap3A, %swap3A_14, %swap3A_15] : memref<1x256x128xf32, #tpu.memory_space<vmem>>, vector<1x256x128xf32>
    %swap3A_17 = vector.shape_cast %swap3A_16 : vector<1x256x128xf32> to vector<256x128xf32>
    %swap3A_18 = vector.shape_cast %mul3A_13 : vector<256x128xf32> to vector<1x256x128xf32>
    tpu.vector_store %arg5[%swap3A, %swap3A_14, %swap3A_15], %swap3A_18 {strides = array<i32>} : memref<1x256x128xf32, #tpu.memory_space<vmem>>, vector<1x256x128xf32>,
    return
  }
  func.func @transform_0(%arg0: i32, %arg1: i32) -> (i32, i32, i32) {
    %c0_i32 = arith.constant 0 : i32
    %c0_i32_0 = arith.constant 0 : i32
    return %arg0, %arg1, %c0_i32 : i32, i32, i32
  }
  func.func @transform_1(%arg0: i32, %arg1: i32) -> (i32, i32, i32) {
    %c0_i32 = arith.constant 0 : i32
    %c0_i32_0 = arith.constant 0 : i32
    %c0_i32_1 = arith.constant 0 : i32
    return %arg0, %c0_i32, %c0_i32_0 : i32, i32, i32
  }
  func.func @transform_2(%arg0: i32, %arg1: i32) -> (i32, i32) {
    %c0_i32 = arith.constant 0 : i32
    %c0_i32_0 = arith.constant 0 : i32
    return %arg1, %c0_i32 : i32, i32
  }
  func.func @transform_3(%arg0: i32, %arg1: i32) -> (i32, i32, i32) {
    %c0_i32 = arith.constant 0 : i32
    %c0_i32_0 = arith.constant 0 : i32
    return %arg0, %arg1, %c0_i32 : i32, i32, i32
  }
}

module attributes {stable_mosaic.version = 14 : i64} {
  func.func @_mm1_kernel(%arg0: i32, %arg1: i32, %arg2: memref<2x1x256x128xf32, #tpu.memory_space<vmem>>, %arg3: memref<1x256x128xf32, #tpu.memory_space<vmem>>, %arg4: memref<1x128x128xf32, #tpu.memory_space<vmem>>, %arg5: memref<256x1xf32, #tpu.memory_space<vmem>>, %arg6: memref<1x256x128xf32, #tpu.memory_space<vmem>>) attributes {dimension_semantics = [#tpu.dimension_semantics<arbitrary>, #tpu.dimension_semantics<arbitrary>], iteration_bounds = array<i64: 4, 40>, scalar_prefetch = 0 : i64, scratch_operands = 0 : i64, tpu.core_type = #tpu.core_type<tc>, window_params = [{transform_indices = @transform_0, window_bounds = array<i64: 2, 1, 256, 128>}, {transform_indices = @transform_1, window_bounds = array<i64: 1, 256, 128>}, {transform_indices = @transform_2, window_bounds = array<i64: 1, 128, 128>}, {transform_indices = @transform_3, window_bounds = array<i64: 256, 1>}, {transform_indices = @transform_4, window_bounds = array<i64: 1, 256, 128>}]} {
    %get3A = arith.constant 0 : index
    %get3A_0 = arith.constant 0 : index
    %get3A_1 = vector.load %arg5[%get3A, %get3A_0] : memref<256x1xf32, #tpu.memory_space<vmem>>, vector<256x1xf32>
    %get3A_2 = arith.constant 0 : index
    %get3A_3 = arith.constant 0 : index
    %get3A_4 = arith.constant 0 : index
    %get3A_5 = arith.constant 0 : index
    %get3A_6 = vector.load %arg2[%get3A_2, %get3A_3, %get3A_4, %get3A_5] : memref<2x1x256x128xf32, #tpu.memory_space<vmem>>, vector<1x1x256x128xf32>
    %get3A_7 = vector.shape_cast %get3A_6 : vector<1x1x256x128xf32> to vector<256x128xf32>
    %get3A_8 = arith.constant 1 : index
    %get3A_9 = arith.constant 0 : index
    %get3A_10 = arith.constant 0 : index
    %get3A_11 = arith.constant 0 : index
    %get3A_12 = vector.load %arg2[%get3A_8, %get3A_9, %get3A_10, %get3A_11] : memref<2x1x256x128xf32, #tpu.memory_space<vmem>>, vector<1x1x256x128xf32>
    %get3A_13 = vector.shape_cast %get3A_12 : vector<1x1x256x128xf32> to vector<256x128xf32>
    %add3A = arith.addf %get3A_7, %get3A_13 : vector<256x128xf32>
    %get3A_14 = arith.constant 0 : index
    %get3A_15 = arith.constant 0 : index
    %get3A_16 = arith.constant 0 : index
    %get3A_17 = vector.load %arg3[%get3A_14, %get3A_15, %get3A_16] : memref<1x256x128xf32, #tpu.memory_space<vmem>>, vector<1x256x128xf32>
    %get3A_18 = vector.shape_cast %get3A_17 : vector<1x256x128xf32> to vector<256x128xf32>
    %add3A_19 = arith.addf %add3A, %get3A_18 : vector<256x128xf32>
    %mul3A = vector.broadcast %get3A_1 : vector<256x1xf32> to vector<256x128xf32>
    %mul3A_20 = arith.mulf %mul3A, %add3A_19 : vector<256x128xf32>
    %max3A = arith.constant 0.000000e+00 : f32
    %max3A_21 = vector.broadcast %max3A : f32 to vector<256x128xf32>
    %max3A_22 = arith.maximumf %mul3A_20, %max3A_21 : vector<256x128xf32>
    %get3A_23 = arith.constant 0 : index
    %get3A_24 = arith.constant 0 : index
    %get3A_25 = arith.constant 0 : index
    %get3A_26 = vector.load %arg4[%get3A_23, %get3A_24, %get3A_25] : memref<1x128x128xf32, #tpu.memory_space<vmem>>, vector<1x128x128xf32>
    %get3A_27 = vector.shape_cast %get3A_26 : vector<1x128x128xf32> to vector<128x128xf32>
    %dot_general3A = arith.constant dense<0.000000e+00> : vector<256x128xf32>
    %dot_general3A_28 = tpu.matmul %max3A_22, %get3A_27, %dot_general3A {dimension_numbers = #tpu.dot_dimension_numbers<[1], [0], [0], [1], [0, 0, 1, 1], [], []>, transpose_lhs_hint = false} : vector<256x128xf32>, vector<128x128xf32>, vector<256x128xf32> -> vector<256x128xf32>
    %mul3A_29 = vector.broadcast %get3A_1 : vector<256x1xf32> to vector<256x128xf32>
    %mul3A_30 = arith.mulf %mul3A_29, %dot_general3A_28 : vector<256x128xf32>
    %swap3A = arith.constant 0 : index
    %swap3A_31 = arith.constant 0 : index
    %swap3A_32 = arith.constant 0 : index
    %swap3A_33 = vector.load %arg6[%swap3A, %swap3A_31, %swap3A_32] : memref<1x256x128xf32, #tpu.memory_space<vmem>>, vector<1x256x128xf32>
    %swap3A_34 = vector.shape_cast %swap3A_33 : vector<1x256x128xf32> to vector<256x128xf32>
    %swap3A_35 = vector.shape_cast %mul3A_30 : vector<256x128xf32> to vector<1x256x128xf32>
    tpu.vector_store %arg6[%swap3A, %swap3A_31, %swap3A_32], %swap3A_35 {strides = array<i32>} : memref<1x256x128xf32, #tpu.memory_space<vmem>>, vector<1x256x128xf32>,
    return
  }
  func.func @transform_0(%arg0: i32, %arg1: i32) -> (i32, i32, i32, i32) {
    %c0_i32 = arith.constant 0 : i32
    %c0_i32_0 = arith.constant 0 : i32
    %c0_i32_1 = arith.constant 0 : i32
    return %c0_i32, %arg0, %arg1, %c0_i32_0 : i32, i32, i32, i32
  }
  func.func @transform_1(%arg0: i32, %arg1: i32) -> (i32, i32, i32) {
    %c0_i32 = arith.constant 0 : i32
    %c0_i32_0 = arith.constant 0 : i32
    return %arg0, %arg1, %c0_i32 : i32, i32, i32
  }
  func.func @transform_2(%arg0: i32, %arg1: i32) -> (i32, i32, i32) {
    %c0_i32 = arith.constant 0 : i32
    %c0_i32_0 = arith.constant 0 : i32
    %c0_i32_1 = arith.constant 0 : i32
    return %arg0, %c0_i32, %c0_i32_0 : i32, i32, i32
  }
  func.func @transform_3(%arg0: i32, %arg1: i32) -> (i32, i32) {
    %c0_i32 = arith.constant 0 : i32
    %c0_i32_0 = arith.constant 0 : i32
    return %arg1, %c0_i32 : i32, i32
  }
  func.func @transform_4(%arg0: i32, %arg1: i32) -> (i32, i32, i32) {
    %c0_i32 = arith.constant 0 : i32
    %c0_i32_0 = arith.constant 0 : i32
    return %arg0, %arg1, %c0_i32 : i32, i32, i32
  }
}

module attributes {stable_mosaic.version = 14 : i64} {
  func.func @_final_kernel(%arg0: i32, %arg1: i32, %arg2: memref<2x1x256x128xf32, #tpu.memory_space<vmem>>, %arg3: memref<1x256x128xf32, #tpu.memory_space<vmem>>, %arg4: memref<256x1xf32, #tpu.memory_space<vmem>>, %arg5: memref<1x256x128xf32, #tpu.memory_space<vmem>>) attributes {dimension_semantics = [#tpu.dimension_semantics<arbitrary>, #tpu.dimension_semantics<arbitrary>], iteration_bounds = array<i64: 4, 40>, scalar_prefetch = 0 : i64, scratch_operands = 0 : i64, tpu.core_type = #tpu.core_type<tc>, window_params = [{transform_indices = @transform_0, window_bounds = array<i64: 2, 1, 256, 128>}, {transform_indices = @transform_1, window_bounds = array<i64: 1, 256, 128>}, {transform_indices = @transform_2, window_bounds = array<i64: 256, 1>}, {transform_indices = @transform_3, window_bounds = array<i64: 1, 256, 128>}]} {
    %get3A = arith.constant 0 : index
    %get3A_0 = arith.constant 0 : index
    %get3A_1 = vector.load %arg4[%get3A, %get3A_0] : memref<256x1xf32, #tpu.memory_space<vmem>>, vector<256x1xf32>
    %get3A_2 = arith.constant 0 : index
    %get3A_3 = arith.constant 0 : index
    %get3A_4 = arith.constant 0 : index
    %get3A_5 = arith.constant 0 : index
    %get3A_6 = vector.load %arg2[%get3A_2, %get3A_3, %get3A_4, %get3A_5] : memref<2x1x256x128xf32, #tpu.memory_space<vmem>>, vector<1x1x256x128xf32>
    %get3A_7 = vector.shape_cast %get3A_6 : vector<1x1x256x128xf32> to vector<256x128xf32>
    %get3A_8 = arith.constant 1 : index
    %get3A_9 = arith.constant 0 : index
    %get3A_10 = arith.constant 0 : index
    %get3A_11 = arith.constant 0 : index
    %get3A_12 = vector.load %arg2[%get3A_8, %get3A_9, %get3A_10, %get3A_11] : memref<2x1x256x128xf32, #tpu.memory_space<vmem>>, vector<1x1x256x128xf32>
    %get3A_13 = vector.shape_cast %get3A_12 : vector<1x1x256x128xf32> to vector<256x128xf32>
    %add3A = arith.addf %get3A_7, %get3A_13 : vector<256x128xf32>
    %get3A_14 = arith.constant 0 : index
    %get3A_15 = arith.constant 0 : index
    %get3A_16 = arith.constant 0 : index
    %get3A_17 = vector.load %arg3[%get3A_14, %get3A_15, %get3A_16] : memref<1x256x128xf32, #tpu.memory_space<vmem>>, vector<1x256x128xf32>
    %get3A_18 = vector.shape_cast %get3A_17 : vector<1x256x128xf32> to vector<256x128xf32>
    %add3A_19 = arith.addf %add3A, %get3A_18 : vector<256x128xf32>
    %mul3A = vector.broadcast %get3A_1 : vector<256x1xf32> to vector<256x128xf32>
    %mul3A_20 = arith.mulf %mul3A, %add3A_19 : vector<256x128xf32>
    %max3A = arith.constant 0.000000e+00 : f32
    %max3A_21 = vector.broadcast %max3A : f32 to vector<256x128xf32>
    %max3A_22 = arith.maximumf %mul3A_20, %max3A_21 : vector<256x128xf32>
    %swap3A = arith.constant 0 : index
    %swap3A_23 = arith.constant 0 : index
    %swap3A_24 = arith.constant 0 : index
    %swap3A_25 = vector.load %arg5[%swap3A, %swap3A_23, %swap3A_24] : memref<1x256x128xf32, #tpu.memory_space<vmem>>, vector<1x256x128xf32>
    %swap3A_26 = vector.shape_cast %swap3A_25 : vector<1x256x128xf32> to vector<256x128xf32>
    %swap3A_27 = vector.shape_cast %max3A_22 : vector<256x128xf32> to vector<1x256x128xf32>
    tpu.vector_store %arg5[%swap3A, %swap3A_23, %swap3A_24], %swap3A_27 {strides = array<i32>} : memref<1x256x128xf32, #tpu.memory_space<vmem>>, vector<1x256x128xf32>,
    return
  }
  func.func @transform_0(%arg0: i32, %arg1: i32) -> (i32, i32, i32, i32) {
    %c0_i32 = arith.constant 0 : i32
    %c0_i32_0 = arith.constant 0 : i32
    %c0_i32_1 = arith.constant 0 : i32
    return %c0_i32, %arg0, %arg1, %c0_i32_0 : i32, i32, i32, i32
  }
  func.func @transform_1(%arg0: i32, %arg1: i32) -> (i32, i32, i32) {
    %c0_i32 = arith.constant 0 : i32
    %c0_i32_0 = arith.constant 0 : i32
    return %arg0, %arg1, %c0_i32 : i32, i32, i32
  }
  func.func @transform_2(%arg0: i32, %arg1: i32) -> (i32, i32) {
    %c0_i32 = arith.constant 0 : i32
    %c0_i32_0 = arith.constant 0 : i32
    return %arg1, %c0_i32 : i32, i32
  }
  func.func @transform_3(%arg0: i32, %arg1: i32) -> (i32, i32, i32) {
    %c0_i32 = arith.constant 0 : i32
    %c0_i32_0 = arith.constant 0 : i32
    return %arg0, %arg1, %c0_i32 : i32, i32, i32
  }
}

</mosaic_0001>

<sc_bundles>
// kernel: kernel.12.cloned.1.call-start
scs
__scs_entry_jumppad:
0x0: {  	(pc) =	sbr.rel $0x88, $3  }
0x1: {  	(tag) =	ssettag $0x0;
	lr =	simm.s32 $0x1  }
0x2: {  	[smem:$0x3F8B] =	sst lr;
	_ =	strace $0xD0000000  }
0x3: {  	_ = 	snop  }
0x4: {  	_ = 	snop  }
0x5: {  	_ = 	snop  }
0x6: {  	_ = 	snop  }
0x7: {  	_ = 	snop  }
__scs_overlays_trampoline_lowered:
0x8: {  	[smem:$0x3F9A] =	sst s0  }
0x9: {  	[smem:$0x3F9B] =	sst s1  }
0xa: {  	[smem:$0x3F9C] =	sst s2  }
0xb: {  	[smem:$0x3F9D] =	sst s3  }
0xc: {  	[smem:$0x3F9E] =	sst s4  }
0xd: {  	[smem:$0x3F9F] =	sst s5  }
0xe: {  	[smem:$0x3FA0] =	sst s6  }
0xf: {  	[smem:$0x3FA1] =	sst s7  }
0x10: {  	[smem:$0x3FA2] =	sst s8  }
0x11: {  	[smem:$0x3FA3] =	sst s9;
	s0 =	simm.s32 @!p0 $0x0  }
0x12: {  	s1 =	sld [smem:$0x3F89];
	s0 =	simm.s32 @p0 $0x1  }
0x13: {  	[smem:$0x3FA4] =	sst s0;
	s0 =	simm.s32 @!p1 $0x0  }
0x14: {  	s2 =	sld [smem:$0x3F88];
	s0 =	simm.s32 @p1 $0x1  }
0x15: {  	[smem:$0x3FA5] =	sst s0;
	s0 =	simm.s32 @!p2 $0x0  }
0x16: {  	s3 =	sld [smem:$0x3FDB];
	s0 =	simm.s32 @p2 $0x1  }
0x17: {  	s4 =	simm.s32 $0x1BF5;
	[smem:$0x3FA7] =	sst s0  }
0x18: {  	s0 =	sld [smem:$0x3F8A];
	_ =	swait.ge [sflag:s4], $0x0  }
0x19: {  	s7 =	sld [smem:$0x3F8B]  }
0x1a: {  	s8 =	sadd.s32 $0xFFFFE003, lr  }
0x1b: {  	s9 =	sadd.s32 $0xFFFFFEF7, lr;
	s5 =	simm.s32 $0xFFFFFFFF;
	p2 =	slt.u32 s8, $0xFFFFF086  }
0x1c: {  	p1 =	slt.u32 s9, $0xF7A;
	s5 =	simm.s32 @!p2 $0x0  }
0x1d: {  	s5 =	simm.s32 @p1 $0x1;
	p0 =	seq.s32 s7, s2  }
0x1e: {  	s7 =	smul.u32 @!p0 $0xF7A, s2;
	p2 =	seq.s32 @!p0 s5, $0x0  }
0x1f: {  	s9 =	smul.u32 $0xF7A, s1;
	s8 =	simm.s32 @!p0 $0x1BF5;
	p2 =	por !p2, p0  }
0x20: {  	[sflag:s8] =	ssyncset.s32 @!p0 $0xFFFFF086;
	s6 =	sadd.s32 @!p0 s3, s7;
	s7 =	simm.s32 @!p0 $0x108  }
0x21: {  	s3 =	sadd.s32 s3, s9;
	s6 =	sadd.s32 @!p0 $0x88, s6;
	s7 =	simm.s32 @p2 $0x1082  }
0x22: {  	[simem:s7], [sflag:s8] =	dma.local @!p0 [hbm:s6], $0xF7A  }
0x23: {  	s9 =	sor.u32 $0xD0000000, s2;
	s6 =	simm.s32 $0x108;
	_ =	swait.ge @!p0 [sflag:s8], $0x0  }
0x24: {  	s3 =	sadd.s32 $0x88, s3;
	s6 =	simm.s32 @!p1 $0x1082;
	[sflag:s4] =	ssyncset.s32 $0xFFFFF086  }
0x25: {  	[simem:s6], [sflag:s4] =	dma.local [hbm:s3], $0xF7A  }
0x26: {  	[smem:$0x3F8B] =	sst s1;
	(tag) =	ssettag s2;
	_ =	strace s9  }
0x27: {  	s1 =	sld [smem:$0x3F9B]  }
0x28: {  	s2 =	sld [smem:$0x3F9C]  }
0x29: {  	s4 =	sld [smem:$0x3F9E]  }
0x2a: {  	p0 =	seq.s32 s5, $0x0;
	s5 =	sld [smem:$0x3F9F]  }
0x2b: {  	s6 =	sld [smem:$0x3FA0]  }
0x2c: {  	s7 =	sld [smem:$0x3FA1]  }
0x2d: {  	s3 =	simm.s32 $0x108;
	s8 =	sld [smem:$0x3FA2]  }
0x2e: {  	s3 =	simm.s32 @!p0 $0x1082;
	s9 =	sld [smem:$0x3FA3]  }
0x2f: {  	lr =	sadd.s32 s0, s3;
	s0 =	sld [smem:$0x3F9A]  }
0x30: {  	s3 =	sld [smem:$0x3F9D]  }
0x31: {  	[smem:$0x3FA6] =	sst s10  }
0x32: {  	s10 =	sld [smem:$0x3FA4];
	_ =	sdelay $0x3  }
0x33: {  	p0 =	seq.s32 s10, $0x1;
	s10 =	sld [smem:$0x3FA6];
	_ =	sdelay $0x3  }
0x34: {  	[smem:$0x3FA6] =	sst s10  }
0x35: {  	s10 =	sld [smem:$0x3FA5];
	_ =	sdelay $0x3  }
0x36: {  	p1 =	seq.s32 s10, $0x1;
	s10 =	sld [smem:$0x3FA6];
	_ =	sdelay $0x3  }
0x37: {  	[smem:$0x3FA6] =	sst s10  }
0x38: {  	s10 =	sld [smem:$0x3FA7]  }
0x39: {  	_ = 	snop;
	(pc) =	sbr.ind lr, $3  }
0x3a: {  	_ = 	snop  }
0x3b: {  	_ = 	snop  }
0x3c: {  	p2 =	seq.s32 s10, $0x1;
	s10 =	sld [smem:$0x3FA6]  }
0x3d: {  	_ =	shalt  }
0x3e: {  	_ =	shalt  }
0x3f: {  	_ =	shalt  }
0x40: {  	_ =	shalt  }
0x41: {  	_ =	shalt  }
0x42: {  	_ =	shalt  }
0x43: {  	_ =	shalt  }
0x44: {  	_ =	shalt  }
0x45: {  	_ =	shalt  }
0x46: {  	_ =	shalt  }
0x47: {  	_ =	shalt  }
0x48: {  	_ =	shalt  }
0x49: {  	_ =	shalt  }
0x4a: {  	_ =	shalt  }
0x4b: {  	_ =	shalt  }
0x4c: {  	_ =	shalt  }
0x4d: {  	_ =	shalt  }
0x4e: {  	_ =	shalt  }
0x4f: {  	_ =	shalt  }
0x50: {  	_ =	shalt  }
0x51: {  	_ =	shalt  }
0x52: {  	_ =	shalt  }
0x53: {  	_ =	shalt  }
0x54: {  	_ =	shalt  }
0x55: {  	_ =	shalt  }
0x56: {  	_ =	shalt  }
0x57: {  	_ =	shalt  }
0x58: {  	_ =	shalt  }
0x59: {  	_ =	shalt  }
0x5a: {  	_ =	shalt  }
0x5b: {  	_ =	shalt  }
0x5c: {  	_ =	shalt  }
0x5d: {  	_ =	shalt  }
0x5e: {  	_ =	shalt  }
0x5f: {  	_ =	shalt  }
0x60: {  	_ =	shalt  }
0x61: {  	_ =	shalt  }
0x62: {  	_ =	shalt  }
0x63: {  	_ =	shalt  }
0x64: {  	_ =	shalt  }
0x65: {  	_ =	shalt  }
0x66: {  	_ =	shalt  }
0x67: {  	_ =	shalt  }
0x68: {  	_ =	shalt  }
0x69: {  	_ =	shalt  }
0x6a: {  	_ =	shalt  }
0x6b: {  	_ =	shalt  }
0x6c: {  	_ =	shalt  }
0x6d: {  	_ =	shalt  }
0x6e: {  	_ =	shalt  }
0x6f: {  	_ =	shalt  }
0x70: {  	_ =	shalt  }
0x71: {  	_ =	shalt  }
0x72: {  	_ =	shalt  }
0x73: {  	_ =	shalt  }
0x74: {  	_ =	shalt  }
0x75: {  	_ =	shalt  }
0x76: {  	_ =	shalt  }
0x77: {  	_ =	shalt  }
0x78: {  	_ =	shalt  }
0x79: {  	_ =	shalt  }
0x7a: {  	_ =	shalt  }
0x7b: {  	_ =	shalt  }
0x7c: {  	_ =	shalt  }
0x7d: {  	_ =	shalt  }
0x7e: {  	_ =	shalt  }
0x7f: {  	_ =	shalt  }
0x80: {  	_ =	shalt  }
0x81: {  	_ =	shalt  }
0x82: {  	_ =	shalt  }
0x83: {  	_ =	shalt  }
0x84: {  	_ =	shalt  }
0x85: {  	_ =	shalt  }
0x86: {  	_ =	shalt  }
0x87: {  	_ =	shalt  }
.Lfunc_end0:
.L_simem_size_0:
called_computation.1_lowered:
.L_overlay_start_0:
0x88: {  	s2 =	sld [smem:$0x3FD9]  }
0x89: {  	s3 =	sld [smem:$0x3FFE];
	_ =	sdelay $0x1  }
0x8a: {  	s1 =	srdreg.scid  }
0x8b: {  	s0 =	sand.u32 $0x1, s1  }
0x8c: {  	s17 =	sshll.u32 s0, $0xA;
	s2 =	sadd.s32 s3, s2  }
0x8d: {  	s2 =	sadd.s32 s2, s17  }
0x8e: {  	[smem:$0x3FB2] =	sst s2  }
0x8f: {  	_ = 	snop  }
0x90: {  	s2 =	sld [smem:$0x3FD0];
	(tm) =	ssettm $0x1  }
0x91: {  	s18 =	sld [smem:$0x3FFB];
	_ =	sdelay $0x3  }
0x92: {  	_ =	strace s18  }
0x93: {  	s3 =	sld [smem:$0x3FFC];
	_ =	sdelay $0x3  }
0x94: {  	_ =	strace s3  }
0x95: {  	s3 =	sld [smem:$0x3FFD];
	_ =	sdelay $0x3  }
0x96: {  	_ =	strace s3  }
0x97: {  	_ =	strace $0x8FFFFFFF  }
0x98: {  	s19 =	sld [smem:$0x3FDB];
	_ =	sdelay $0x1  }
0x99: {  	s4 =	simm.s32 $_scs_section_size  }
0x9a: {  	s5 =	simm.s32 $_size__tile_overlayer_lowered;
	s6 =	simm.s32 $_tile_overlayer_lowered  }
0x9b: {  	s22 =	simm.s32 $0x1BFF;
	s21 =	sshll.u32 s6, $0x1;
	s3 =	sadd.s32 s4, s19  }
0x9c: {  	s7 =	simm.s32 $0x0;
	s20 =	sshll.u32 s5, $0x1;
	s5 =	sadd.s32 s21, s3  }
0x9d: {  	[timem:s7], [sflag:s22] =	dma.local [hbm:s5], s20  }
0x9e: {  	_ =	swait.ge [sflag:s22], s20  }
0x9f: {  	s4 =	ssub.s32 $0x0, s20;
	[sflag:s22] =	ssyncset.done $0x0  }
0xa0: {  	[sflag:s22] =	ssyncadd.s32 s4;
	_ =	sdelay $0x1  }
0xa1: {  	s23 =	simm.s32 $0x1B8B  }
0xa2: {  	_ =	swait.ge [sflag:s23], $0x1  }
0xa3: {  	[sflag:s23] =	ssyncset.done $0x0  }
0xa4: {  	s25 =	simm.s32 $0x1B8E;
	s24 =	sld [smem:$0x3FFE];
	[sflag:s23] =	ssyncadd.s32 $0xFFFFFFFF  }
0xa5: {  	s26 =	simm.s32 $execute0_lowered;
	[smem:$0x3FD2] =	sst s25  }
0xa6: {  	s5 =	sshll.u32 s26, $0x1;
	_ =	strace $0x80000049;
	[dreg:$0x1] =	wrdreg $0xFFFFFFFF  }
0xa7: {  	s28 =	simm.s32 $_size_execute0_lowered;
	s3 =	sadd.s32 s3, s5;
	[dreg:$0x0] =	wrdreg $0x0  }
0xa8: {  	s5 =	sshll.u32 s28, $0x1;
	[dreg:$0x2] =	wrdreg s3  }
0xa9: {  	[dreg:$0x3] =	wrdreg s5  }
0xaa: {  	[dreg:$0x4] =	wrdreg $0xC0  }
0xab: {  	_ =	task [dreg:s7], $0x5FFFF  }
0xac: {  	[dreg:$0x1] =	wrdreg $0xFFFFFFFF  }
0xad: {  	[dreg:$0x0] =	wrdreg $0x60  }
0xae: {  	[dreg:$0x2] =	wrdreg s24  }
0xaf: {  	[dreg:$0x3] =	wrdreg s2  }
0xb0: {  	[dreg:$0x4] =	wrdreg $0x90000  }
0xb1: {  	[dreg:$0x5] =	wrdreg $0x9  }
0xb2: {  	_ =	task.clear_ibuf [dreg:s7], $0x6FFFF;
	_ =	strace $0x90000049  }
0xb3: {  	s29 =	simm.s32 $0x9;
	_ =	strace $0x8000004B  }
0xb4: {  	_ =	swait.ge [sflag:s29], $0x1  }
0xb5: {  	[sflag:s29] =	ssyncadd.s32 $0xFFFFFFFF  }
0xb6: {  	_ =	strace $0x9000004B  }
0xb7: {  	_ =	sfence  }
0xb8: {  	s30 =	sld [smem:$0x0];
	_ =	sdelay $0x2  }
0xb9: {  	s31 =	sshll.u32 s1, $0xD;
	s1 =	sshrl.u32 s1, $0x2  }
0xba: {  	s3 =	sand.u32 $0x4000, s31;
	s1 =	sadd.s32 s1, s30  }
0xbb: {  	s0 =	sor.u32 s3, s0;
	s1 =	sshll.u32 s1, $0x11  }
0xbc: {  	s0 =	sor.u32 s1, s0  }
0xbd: {  	s0 =	sadd.s32 $0x8F2B, s0  }
0xbe: {  	[sflag:s0] =	ssyncadd.remote.s32 $0x1  }
0xbf: {  	_ =	sfence.sel $0xFFFF  }
0xc0: {  	[dreg:$0x0] =	wrdreg $0xFFFFFFFF;
	(pc) =	sbr.abs _section_cstart, $3  }
0xc1: {  	[dreg:$0x1] =	wrdreg $0xFFFFFFFF  }
0xc2: {  	_ =	task.clear_ibuf [dreg:s7], $0x2FFFF;
	_ =	strace $0x9FFFFFFF  }
0xc3: {  	(tm) =	ssettm $0x7FFFFFFF  }
tec
execute0_lowered:
.L_overlay_start_1:
0x0: {  	(tag) =	ssettag $0x1  }
0x1: {  	s8 =	rddreg [dreg:$0x0]  }
0x2: {  	s1 =	rddreg [dreg:$0x1]  }
0x3: {  	s2 =	rddreg [dreg:$0x2]  }
0x4: {  	s3 =	srdreg.scid;
	s0 =	rddreg [dreg:$0x3];
	s4 =	simm.s32 $0x0  }
0x5: {  	s17 =	simm.s32 $0x2800;
	s20 =	simm.s32 $0x80;
	s9 =	sand.u32 $0x1, s3  }
0x6: {  	s21 =	simm.s32 $0x5000;
	s3 =	stileid.u32;
	s6 =	smul.u32 $0x28000, s9  }
0x7: {  	s22 =	simm.s32 $0x1;
	s23 =	simm.s32 $0x0;
	s7 =	smul.u32 $0x2800, s3  }
0x8: {  	[smem:$0x7FF] =	sst s4;
	s5 =	sadd.s32 $0x91C00, s8;
	s10 =	smul.u32 $0x14000, s3  }
0x9: {  	_ =	strace $0x8000004A;
	s12 =	smul.u32 $0x500000, s9;
	s9 =	ssub.s32 $0x2, s9  }
0xa: {  	s14 =	smul.u32 $0x50000, s3;
	s18 =	sshll.u32 s3, $0x6;
	s30 =	sshrl.u32 s9, $0x1  }
0xb: {  	s18 =	sor.u32 $0x1C02, s18;
	s7 =	sadd.s32 s7, s6;
	s6 =	sadd.s32 $0x69C00, s8  }
0xc: {  	s13 =	sshrl.u32 s10, $0x3;
	s10 =	sadd.s32 s10, s12;
	s16 =	ssub.s32 s9, s30  }
0xd: {  	s31 =	sshrl.u32 s14, $0x2;
	s11 =	sshrl.u32 s7, $0x3;
	s7 =	sadd.s32 $0x41C00, s8  }
0xe: {  	s13 =	sadd.s32 s13, s8;
	s10 =	sshrl.u32 s10, $0x3;
	s19 =	sadd.s32 s31, s2  }
0xf: {  	s11 =	sadd.s32 s11, s8;
	s15 =	sadd.s32 s10, s8;
	s10 =	sadd.s32 $0xFC00, s13  }
0x10: {  	s8 =	sadd.s32 $0x37C00, s11;
	s9 =	sadd.s32 $0x5400, s11;
	s11 =	sadd.s32 $0x181C00, s15  }
0x11: {  	s19 =	sshrl.u32 s19, $0x3;
	s12 =	sadd.s32 $0x1A9C00, s15;
	s13 =	sadd.s32 $0x1D1C00, s15  }
0x12: {  	s14 =	sadd.s32 $0x1F9C00, s15;
	s15 =	smax.u32 s16, $0x1;
	s16 =	simm.s32 $0x2  }
.LBB2_1:
0x13: {  	[tilespmem:s4], [sflag:$0x2] =	stream.linear.gather [hbm4b:s8+s4], $0x2780, $0x38;
	[tilespmem:$0x1D000] =	vst v63  }
0x14: {  	_ =	swait.ge [sflag:s16], $0x2780  }
0x15: {  	[sflag:s16] =	ssyncset.done $0x0  }
0x16: {  	[sflag:s16] =	ssyncadd.s32 $0xFFFFD880  }
0x17: {  	[tilespmem:s17], [sflag:$0x2] =	stream.linear.gather [hbm4b:s9+s4], $0x2780, $0x38;
	[tilespmem:$0x1D000] =	vst v63  }
0x18: {  	_ =	swait.ge [sflag:s16], $0x2780  }
0x19: {  	[sflag:s16] =	ssyncset.done $0x0  }
0x1a: {  	[sflag:s16] =	ssyncadd.s32 $0xFFFFD880  }
0x1b: {  	[spmem:s19], [sflag:s18] =	dma.local [hbm:s10], $0x2800  }
0x1c: {  	_ =	swait.ge [sflag:s16], $0x2800  }
0x1d: {  	[sflag:s16] =	ssyncset.done $0x0  }
0x1e: {  	[sflag:s16] =	ssyncadd.s32 $0xFFFFD800  }
0x1f: {  	s24 =	simm.s32 $0x0;
	[bflag:$0x0] =	sbarrier.arrive $0xFFFF  }
0x20: {  	[tilespmem:s21], [sflag:$0x1] =	stream.indirect.gather [hbm4b:s5+s20], $0x80, s24, s20, $0xb8;
	[tilespmem:$0x1D000] =	vst v63  }
0x21: {  	_ =	swait.ge [sflag:s22], $0x4000  }
0x22: {  	[sflag:s22] =	ssyncset.done $0x0  }
0x23: {  	s31 =	simm.s32 $0x2800;
	[sflag:s22] =	ssyncadd.s32 $0xFFFFC000  }
0x24: {  	[spmem:s2] =	stream.indirect.scatter.add.f32 [tilespmem:s21], [sflag:$0x2], $0x80, s31, s20, $0xb8;
	[tilespmem:$0x1D000] =	vst v63  }
0x25: {  	_ =	swait.ge [sflag:s16], $0x4000  }
0x26: {  	s25 =	simm.s32 $0x400;
	s24 =	simm.s32 $0x200;
	[sflag:s16] =	ssyncset.done $0x0  }
.LBB2_2:
0x27: {  	s26 =	sshra.s32 s24, $0x2  }
0x28: {  	[sflag:s16] =	ssyncadd.s32 $0xFFFFC000;
	s24 =	smov.u32 s25;
	s28 =	sadd.s32 $0x200, s25  }
0x29: {  	[tilespmem:s21], [sflag:$0x1] =	stream.indirect.gather [hbm4b:s5+s20], $0x80, s26, s20, $0xb8;
	[tilespmem:$0x1D000] =	vst v63  }
0x2a: {  	p0 =	sne.s32 s25, $0x9C00;
	_ =	swait.ge [sflag:s22], $0x4000  }
.Ltmp0:
0x2b: {  	[sflag:s22] =	ssyncset.done $0x0;
	(pc) =	sbr.rel @p0 .LBB2_2-.Ltmp0, $4  }
0x2c: {  	s25 =	sadd.s32 $0x2800, s26;
	[sflag:s22] =	ssyncadd.s32 $0xFFFFC000  }
0x2d: {  	[spmem:s2] =	stream.indirect.scatter.add.f32 [tilespmem:s21], [sflag:$0x2], $0x80, s25, s20, $0xb8;
	[tilespmem:$0x1D000] =	vst v63  }
0x2e: {  	_ =	swait.ge [sflag:s16], $0x4000  }
0x2f: {  	s25 =	smov.u32 s28;
	[sflag:s16] =	ssyncset.done $0x0  }
0x30: {  	s24 =	sshra.s32 s24, $0x2;
	[sflag:s16] =	ssyncadd.s32 $0xFFFFC000  }
0x31: {  	[tilespmem:s21], [sflag:$0x1] =	stream.indirect.gather [hbm4b:s5+s20], $0x80, s24, s20, $0xb8;
	[tilespmem:$0x1D000] =	vst v63  }
0x32: {  	_ =	swait.ge [sflag:s22], $0x4000  }
0x33: {  	[sflag:s22] =	ssyncset.done $0x0  }
0x34: {  	s24 =	sadd.s32 $0x2800, s24;
	[sflag:s22] =	ssyncadd.s32 $0xFFFFC000  }
0x35: {  	[spmem:s2] =	stream.indirect.scatter.add.f32 [tilespmem:s21], [sflag:$0x2], $0x80, s24, s20, $0xb8;
	[tilespmem:$0x1D000] =	vst v63  }
0x36: {  	_ =	swait.ge [sflag:s16], $0x4000  }
0x37: {  	[sflag:s16] =	ssyncset.done $0x0  }
0x38: {  	[sflag:s16] =	ssyncadd.s32 $0xFFFFC000  }
0x39: {  	[bflag:$0x0] =	sbarrier.arrive $0xFFFF  }
0x3a: {  	[hbm:s11], [sflag:s18] =	dma.local [spmem:s19], $0x2800  }
0x3b: {  	_ =	swait.ge [sflag:s16], $0x2800  }
0x3c: {  	[sflag:s16] =	ssyncset.done $0x0  }
0x3d: {  	[sflag:s16] =	ssyncadd.s32 $0xFFFFD800  }
0x3e: {  	[spmem:s19], [sflag:s18] =	dma.local [hbm:s10], $0x2800  }
0x3f: {  	_ =	swait.ge [sflag:s16], $0x2800  }
0x40: {  	[sflag:s16] =	ssyncset.done $0x0  }
0x41: {  	[sflag:s16] =	ssyncadd.s32 $0xFFFFD800  }
0x42: {  	s30 =	simm.s32 $0x0;
	[bflag:$0x0] =	sbarrier.arrive $0xFFFF  }
0x43: {  	[tilespmem:s21], [sflag:$0x1] =	stream.indirect.gather [hbm4b:s6+s20], $0x80, s30, s20, $0xb8;
	[tilespmem:$0x1D000] =	vst v63  }
0x44: {  	_ =	swait.ge [sflag:s22], $0x4000  }
0x45: {  	[sflag:s22] =	ssyncset.done $0x0  }
0x46: {  	s31 =	simm.s32 $0x2800;
	[sflag:s22] =	ssyncadd.s32 $0xFFFFC000  }
0x47: {  	[spmem:s2] =	stream.indirect.scatter.add.f32 [tilespmem:s21], [sflag:$0x2], $0x80, s31, s20, $0xb8;
	[tilespmem:$0x1D000] =	vst v63  }
0x48: {  	_ =	swait.ge [sflag:s16], $0x4000  }
0x49: {  	s25 =	simm.s32 $0x400;
	s24 =	simm.s32 $0x200;
	[sflag:s16] =	ssyncset.done $0x0  }
.LBB2_4:
0x4a: {  	s26 =	sshra.s32 s24, $0x2  }
0x4b: {  	[sflag:s16] =	ssyncadd.s32 $0xFFFFC000;
	s24 =	smov.u32 s25;
	s28 =	sadd.s32 $0x200, s25  }
0x4c: {  	[tilespmem:s21], [sflag:$0x1] =	stream.indirect.gather [hbm4b:s6+s20], $0x80, s26, s20, $0xb8;
	[tilespmem:$0x1D000] =	vst v63  }
0x4d: {  	p0 =	sne.s32 s25, $0x9C00;
	_ =	swait.ge [sflag:s22], $0x4000  }
.Ltmp1:
0x4e: {  	[sflag:s22] =	ssyncset.done $0x0;
	(pc) =	sbr.rel @p0 .LBB2_4-.Ltmp1, $4  }
0x4f: {  	s25 =	sadd.s32 $0x2800, s26;
	[sflag:s22] =	ssyncadd.s32 $0xFFFFC000  }
0x50: {  	[spmem:s2] =	stream.indirect.scatter.add.f32 [tilespmem:s21], [sflag:$0x2], $0x80, s25, s20, $0xb8;
	[tilespmem:$0x1D000] =	vst v63  }
0x51: {  	_ =	swait.ge [sflag:s16], $0x4000  }
0x52: {  	s25 =	smov.u32 s28;
	[sflag:s16] =	ssyncset.done $0x0  }
0x53: {  	s24 =	sshra.s32 s24, $0x2;
	[sflag:s16] =	ssyncadd.s32 $0xFFFFC000  }
0x54: {  	[tilespmem:s21], [sflag:$0x1] =	stream.indirect.gather [hbm4b:s6+s20], $0x80, s24, s20, $0xb8;
	[tilespmem:$0x1D000] =	vst v63  }
0x55: {  	_ =	swait.ge [sflag:s22], $0x4000  }
0x56: {  	[sflag:s22] =	ssyncset.done $0x0  }
0x57: {  	s24 =	sadd.s32 $0x2800, s24;
	[sflag:s22] =	ssyncadd.s32 $0xFFFFC000  }
0x58: {  	[spmem:s2] =	stream.indirect.scatter.add.f32 [tilespmem:s21], [sflag:$0x2], $0x80, s24, s20, $0xb8;
	[tilespmem:$0x1D000] =	vst v63  }
0x59: {  	_ =	swait.ge [sflag:s16], $0x4000  }
0x5a: {  	[sflag:s16] =	ssyncset.done $0x0  }
0x5b: {  	[sflag:s16] =	ssyncadd.s32 $0xFFFFC000  }
0x5c: {  	[bflag:$0x0] =	sbarrier.arrive $0xFFFF  }
0x5d: {  	[hbm:s12], [sflag:s18] =	dma.local [spmem:s19], $0x2800  }
0x5e: {  	_ =	swait.ge [sflag:s16], $0x2800  }
0x5f: {  	[sflag:s16] =	ssyncset.done $0x0  }
0x60: {  	[sflag:s16] =	ssyncadd.s32 $0xFFFFD800  }
0x61: {  	[spmem:s19], [sflag:s18] =	dma.local [hbm:s10], $0x2800  }
0x62: {  	_ =	swait.ge [sflag:s16], $0x2800  }
0x63: {  	[sflag:s16] =	ssyncset.done $0x0  }
0x64: {  	[sflag:s16] =	ssyncadd.s32 $0xFFFFD800  }
0x65: {  	s30 =	simm.s32 $0x0;
	[bflag:$0x0] =	sbarrier.arrive $0xFFFF  }
0x66: {  	[tilespmem:s21], [sflag:$0x1] =	stream.indirect.gather [hbm4b:s7+s20], $0x80, s30, s20, $0xb8;
	[tilespmem:$0x1D000] =	vst v63  }
0x67: {  	_ =	swait.ge [sflag:s22], $0x4000  }
0x68: {  	[sflag:s22] =	ssyncset.done $0x0  }
0x69: {  	s31 =	simm.s32 $0x2800;
	[sflag:s22] =	ssyncadd.s32 $0xFFFFC000  }
0x6a: {  	[spmem:s2] =	stream.indirect.scatter.add.f32 [tilespmem:s21], [sflag:$0x2], $0x80, s31, s20, $0xb8;
	[tilespmem:$0x1D000] =	vst v63  }
0x6b: {  	_ =	swait.ge [sflag:s16], $0x4000  }
0x6c: {  	s25 =	simm.s32 $0x400;
	s24 =	simm.s32 $0x200;
	[sflag:s16] =	ssyncset.done $0x0  }
.LBB2_6:
0x6d: {  	s26 =	sshra.s32 s24, $0x2  }
0x6e: {  	[sflag:s16] =	ssyncadd.s32 $0xFFFFC000;
	s24 =	smov.u32 s25;
	s28 =	sadd.s32 $0x200, s25  }
0x6f: {  	[tilespmem:s21], [sflag:$0x1] =	stream.indirect.gather [hbm4b:s7+s20], $0x80, s26, s20, $0xb8;
	[tilespmem:$0x1D000] =	vst v63  }
0x70: {  	p0 =	sne.s32 s25, $0x9C00;
	_ =	swait.ge [sflag:s22], $0x4000  }
.Ltmp2:
0x71: {  	[sflag:s22] =	ssyncset.done $0x0;
	(pc) =	sbr.rel @p0 .LBB2_6-.Ltmp2, $4  }
0x72: {  	s25 =	sadd.s32 $0x2800, s26;
	[sflag:s22] =	ssyncadd.s32 $0xFFFFC000  }
0x73: {  	[spmem:s2] =	stream.indirect.scatter.add.f32 [tilespmem:s21], [sflag:$0x2], $0x80, s25, s20, $0xb8;
	[tilespmem:$0x1D000] =	vst v63  }
0x74: {  	_ =	swait.ge [sflag:s16], $0x4000  }
0x75: {  	s25 =	smov.u32 s28;
	[sflag:s16] =	ssyncset.done $0x0  }
0x76: {  	s24 =	sshra.s32 s24, $0x2;
	[sflag:s16] =	ssyncadd.s32 $0xFFFFC000  }
0x77: {  	[tilespmem:s21], [sflag:$0x1] =	stream.indirect.gather [hbm4b:s7+s20], $0x80, s24, s20, $0xb8;
	[tilespmem:$0x1D000] =	vst v63  }
0x78: {  	_ =	swait.ge [sflag:s22], $0x4000  }
0x79: {  	[sflag:s22] =	ssyncset.done $0x0  }
0x7a: {  	s24 =	sadd.s32 $0x2800, s24;
	[sflag:s22] =	ssyncadd.s32 $0xFFFFC000  }
0x7b: {  	[spmem:s2] =	stream.indirect.scatter.add.f32 [tilespmem:s21], [sflag:$0x2], $0x80, s24, s20, $0xb8;
	[tilespmem:$0x1D000] =	vst v63  }
0x7c: {  	_ =	swait.ge [sflag:s16], $0x4000  }
0x7d: {  	[sflag:s16] =	ssyncset.done $0x0  }
0x7e: {  	[sflag:s16] =	ssyncadd.s32 $0xFFFFC000  }
0x7f: {  	[bflag:$0x0] =	sbarrier.arrive $0xFFFF  }
0x80: {  	[hbm:s13], [sflag:s18] =	dma.local [spmem:s19], $0x2800  }
0x81: {  	_ =	swait.ge [sflag:s16], $0x2800  }
0x82: {  	[sflag:s16] =	ssyncset.done $0x0  }
0x83: {  	[sflag:s16] =	ssyncadd.s32 $0xFFFFD800  }
0x84: {  	[spmem:s19], [sflag:s18] =	dma.local [hbm:s10], $0x2800  }
0x85: {  	_ =	swait.ge [sflag:s16], $0x2800  }
0x86: {  	[sflag:s16] =	ssyncset.done $0x0  }
0x87: {  	[sflag:s16] =	ssyncadd.s32 $0xFFFFD800  }
0x88: {  	s30 =	simm.s32 $0x0;
	[bflag:$0x0] =	sbarrier.arrive $0xFFFF  }
0x89: {  	[tilespmem:s21], [sflag:$0x1] =	stream.indirect.gather [hbm4b:s1+s20], $0x80, s30, s20, $0xb8;
	[tilespmem:$0x1D000] =	vst v63  }
0x8a: {  	_ =	swait.ge [sflag:s22], $0x4000  }
0x8b: {  	[sflag:s22] =	ssyncset.done $0x0  }
0x8c: {  	s31 =	simm.s32 $0x2800;
	[sflag:s22] =	ssyncadd.s32 $0xFFFFC000  }
0x8d: {  	[spmem:s2] =	stream.indirect.scatter.add.f32 [tilespmem:s21], [sflag:$0x2], $0x80, s31, s20, $0xb8;
	[tilespmem:$0x1D000] =	vst v63  }
0x8e: {  	_ =	swait.ge [sflag:s16], $0x4000  }
0x8f: {  	s25 =	simm.s32 $0x400;
	s24 =	simm.s32 $0x200;
	[sflag:s16] =	ssyncset.done $0x0  }
.LBB2_8:
0x90: {  	s26 =	sshra.s32 s24, $0x2  }
0x91: {  	[sflag:s16] =	ssyncadd.s32 $0xFFFFC000;
	s24 =	smov.u32 s25;
	s28 =	sadd.s32 $0x200, s25  }
0x92: {  	[tilespmem:s21], [sflag:$0x1] =	stream.indirect.gather [hbm4b:s1+s20], $0x80, s26, s20, $0xb8;
	[tilespmem:$0x1D000] =	vst v63  }
0x93: {  	p0 =	sne.s32 s25, $0x9C00;
	_ =	swait.ge [sflag:s22], $0x4000  }
.Ltmp3:
0x94: {  	[sflag:s22] =	ssyncset.done $0x0;
	(pc) =	sbr.rel @p0 .LBB2_8-.Ltmp3, $4  }
0x95: {  	s25 =	sadd.s32 $0x2800, s26;
	[sflag:s22] =	ssyncadd.s32 $0xFFFFC000  }
0x96: {  	[spmem:s2] =	stream.indirect.scatter.add.f32 [tilespmem:s21], [sflag:$0x2], $0x80, s25, s20, $0xb8;
	[tilespmem:$0x1D000] =	vst v63  }
0x97: {  	_ =	swait.ge [sflag:s16], $0x4000  }
0x98: {  	s25 =	smov.u32 s28;
	[sflag:s16] =	ssyncset.done $0x0  }
0x99: {  	s24 =	sshra.s32 s24, $0x2;
	[sflag:s16] =	ssyncadd.s32 $0xFFFFC000  }
0x9a: {  	[tilespmem:s21], [sflag:$0x1] =	stream.indirect.gather [hbm4b:s1+s20], $0x80, s24, s20, $0xb8;
	[tilespmem:$0x1D000] =	vst v63  }
0x9b: {  	_ =	swait.ge [sflag:s22], $0x4000  }
0x9c: {  	[sflag:s22] =	ssyncset.done $0x0  }
0x9d: {  	s24 =	sadd.s32 $0x2800, s24;
	[sflag:s22] =	ssyncadd.s32 $0xFFFFC000  }
0x9e: {  	[spmem:s2] =	stream.indirect.scatter.add.f32 [tilespmem:s21], [sflag:$0x2], $0x80, s24, s20, $0xb8;
	[tilespmem:$0x1D000] =	vst v63  }
0x9f: {  	_ =	swait.ge [sflag:s16], $0x4000  }
0xa0: {  	s23 =	sadd.s32 $0x1, s23;
	[sflag:s16] =	ssyncset.done $0x0  }
0xa1: {  	p0 =	sne.s32 s23, s15;
	[sflag:s16] =	ssyncadd.s32 $0xFFFFC000  }
.Ltmp4:
0xa2: {  	[bflag:$0x0] =	sbarrier.arrive $0xFFFF;
	(pc) =	sbr.rel @p0 .LBB2_1-.Ltmp4, $4  }
0xa3: {  	[hbm:s14], [sflag:s18] =	dma.local [spmem:s19], $0x2800  }
0xa4: {  	_ =	swait.ge [sflag:s16], $0x2800  }
0xa5: {  	[sflag:s16] =	ssyncset.done $0x0  }
0xa6: {  	[sflag:s16] =	ssyncadd.s32 $0xFFFFD800  }
0xa7: {  	_ =	sfence.sel $0x180000  }
0xa8: {  	[bflag:$0x0] =	sbarrier.arrive $0xFFFF  }
0xa9: {  	p0 =	sne.s32 s3, $0x0;
	_ =	strace $0x9000004A  }
0xaa: {  	s0 =	sadd.s32 @!p0 $0x100000, s0;
	[bflag:$0x2] =	sbarrier.arrive $0xFFFF  }
0xab: {  	[sflag:s0] =	ssyncadd.tile.s32 @!p0 $0x1;
	_ =	shalt  }
.Lfunc_end2:
_tile_overlayer_lowered:
.L_overlay_start_2:
0xac: {  	(tag) =	ssettag $0x2  }
0xad: {  	s0 =	rddreg [dreg:$0x0];
	s2 =	stileid.u32  }
0xae: {  	s1 =	rddreg [dreg:$0x1];
	p0 =	sne.s32 s2, $0x0  }
0xaf: {  	s3 =	rddreg [dreg:$0x2];
	[bflag:$0x3] =	sbarrier.arrive $0xFFFF;
	s2 =	simm.s32 @!p0 $0x1C02  }
0xb0: {  	[timem:s3], [sflag:s2] =	dma.local @!p0 [hbm:s0], s1  }
0xb1: {  	s0 =	simm.s32 @!p0 $0x2  }
0xb2: {  	_ =	swait.ge @!p0 [sflag:s0], s1  }
0xb3: {  	s1 =	ssub.s32 @!p0 $0x0, s1;
	[sflag:s0] =	ssyncset.done @!p0 $0x0  }
0xb4: {  	[sflag:s0] =	ssyncadd.s32 @!p0 s1  }
0xb5: {  	[bflag:$0x3] =	sbarrier.arrive $0xFFFF  }
0xb6: {  	_ =	shalt  }

// kernel: kernel.15.cloned.1.call-start
scs
__scs_entry_jumppad:
0x0: {  	(pc) =	sbr.rel $0x88, $3  }
0x1: {  	(tag) =	ssettag $0x0;
	lr =	simm.s32 $0x1  }
0x2: {  	[smem:$0x3F8B] =	sst lr;
	_ =	strace $0xD0000000  }
0x3: {  	_ = 	snop  }
0x4: {  	_ = 	snop  }
0x5: {  	_ = 	snop  }
0x6: {  	_ = 	snop  }
0x7: {  	_ = 	snop  }
__scs_overlays_trampoline_lowered:
0x8: {  	[smem:$0x3F9A] =	sst s0  }
0x9: {  	[smem:$0x3F9B] =	sst s1  }
0xa: {  	[smem:$0x3F9C] =	sst s2  }
0xb: {  	[smem:$0x3F9D] =	sst s3  }
0xc: {  	[smem:$0x3F9E] =	sst s4  }
0xd: {  	[smem:$0x3F9F] =	sst s5  }
0xe: {  	[smem:$0x3FA0] =	sst s6  }
0xf: {  	[smem:$0x3FA1] =	sst s7  }
0x10: {  	[smem:$0x3FA2] =	sst s8  }
0x11: {  	[smem:$0x3FA3] =	sst s9;
	s0 =	simm.s32 @!p0 $0x0  }
0x12: {  	s1 =	sld [smem:$0x3F89];
	s0 =	simm.s32 @p0 $0x1  }
0x13: {  	[smem:$0x3FA4] =	sst s0;
	s0 =	simm.s32 @!p1 $0x0  }
0x14: {  	s2 =	sld [smem:$0x3F88];
	s0 =	simm.s32 @p1 $0x1  }
0x15: {  	[smem:$0x3FA5] =	sst s0;
	s0 =	simm.s32 @!p2 $0x0  }
0x16: {  	s3 =	sld [smem:$0x3FDB];
	s0 =	simm.s32 @p2 $0x1  }
0x17: {  	s4 =	simm.s32 $0x1BF5;
	[smem:$0x3FA7] =	sst s0  }
0x18: {  	s0 =	sld [smem:$0x3F8A];
	_ =	swait.ge [sflag:s4], $0x0  }
0x19: {  	s7 =	sld [smem:$0x3F8B]  }
0x1a: {  	s8 =	sadd.s32 $0xFFFFE003, lr  }
0x1b: {  	s9 =	sadd.s32 $0xFFFFFEF7, lr;
	s5 =	simm.s32 $0xFFFFFFFF;
	p2 =	slt.u32 s8, $0xFFFFF086  }
0x1c: {  	p1 =	slt.u32 s9, $0xF7A;
	s5 =	simm.s32 @!p2 $0x0  }
0x1d: {  	s5 =	simm.s32 @p1 $0x1;
	p0 =	seq.s32 s7, s2  }
0x1e: {  	s7 =	smul.u32 @!p0 $0xF7A, s2;
	p2 =	seq.s32 @!p0 s5, $0x0  }
0x1f: {  	s9 =	smul.u32 $0xF7A, s1;
	s8 =	simm.s32 @!p0 $0x1BF5;
	p2 =	por !p2, p0  }
0x20: {  	[sflag:s8] =	ssyncset.s32 @!p0 $0xFFFFF086;
	s6 =	sadd.s32 @!p0 s3, s7;
	s7 =	simm.s32 @!p0 $0x108  }
0x21: {  	s3 =	sadd.s32 s3, s9;
	s6 =	sadd.s32 @!p0 $0x88, s6;
	s7 =	simm.s32 @p2 $0x1082  }
0x22: {  	[simem:s7], [sflag:s8] =	dma.local @!p0 [hbm:s6], $0xF7A  }
0x23: {  	s9 =	sor.u32 $0xD0000000, s2;
	s6 =	simm.s32 $0x108;
	_ =	swait.ge @!p0 [sflag:s8], $0x0  }
0x24: {  	s3 =	sadd.s32 $0x88, s3;
	s6 =	simm.s32 @!p1 $0x1082;
	[sflag:s4] =	ssyncset.s32 $0xFFFFF086  }
0x25: {  	[simem:s6], [sflag:s4] =	dma.local [hbm:s3], $0xF7A  }
0x26: {  	[smem:$0x3F8B] =	sst s1;
	(tag) =	ssettag s2;
	_ =	strace s9  }
0x27: {  	s1 =	sld [smem:$0x3F9B]  }
0x28: {  	s2 =	sld [smem:$0x3F9C]  }
0x29: {  	s4 =	sld [smem:$0x3F9E]  }
0x2a: {  	p0 =	seq.s32 s5, $0x0;
	s5 =	sld [smem:$0x3F9F]  }
0x2b: {  	s6 =	sld [smem:$0x3FA0]  }
0x2c: {  	s7 =	sld [smem:$0x3FA1]  }
0x2d: {  	s3 =	simm.s32 $0x108;
	s8 =	sld [smem:$0x3FA2]  }
0x2e: {  	s3 =	simm.s32 @!p0 $0x1082;
	s9 =	sld [smem:$0x3FA3]  }
0x2f: {  	lr =	sadd.s32 s0, s3;
	s0 =	sld [smem:$0x3F9A]  }
0x30: {  	s3 =	sld [smem:$0x3F9D]  }
0x31: {  	[smem:$0x3FA6] =	sst s10  }
0x32: {  	s10 =	sld [smem:$0x3FA4];
	_ =	sdelay $0x3  }
0x33: {  	p0 =	seq.s32 s10, $0x1;
	s10 =	sld [smem:$0x3FA6];
	_ =	sdelay $0x3  }
0x34: {  	[smem:$0x3FA6] =	sst s10  }
0x35: {  	s10 =	sld [smem:$0x3FA5];
	_ =	sdelay $0x3  }
0x36: {  	p1 =	seq.s32 s10, $0x1;
	s10 =	sld [smem:$0x3FA6];
	_ =	sdelay $0x3  }
0x37: {  	[smem:$0x3FA6] =	sst s10  }
0x38: {  	s10 =	sld [smem:$0x3FA7]  }
0x39: {  	_ = 	snop;
	(pc) =	sbr.ind lr, $3  }
0x3a: {  	_ = 	snop  }
0x3b: {  	_ = 	snop  }
0x3c: {  	p2 =	seq.s32 s10, $0x1;
	s10 =	sld [smem:$0x3FA6]  }
0x3d: {  	_ =	shalt  }
0x3e: {  	_ =	shalt  }
0x3f: {  	_ =	shalt  }
0x40: {  	_ =	shalt  }
0x41: {  	_ =	shalt  }
0x42: {  	_ =	shalt  }
0x43: {  	_ =	shalt  }
0x44: {  	_ =	shalt  }
0x45: {  	_ =	shalt  }
0x46: {  	_ =	shalt  }
0x47: {  	_ =	shalt  }
0x48: {  	_ =	shalt  }
0x49: {  	_ =	shalt  }
0x4a: {  	_ =	shalt  }
0x4b: {  	_ =	shalt  }
0x4c: {  	_ =	shalt  }
0x4d: {  	_ =	shalt  }
0x4e: {  	_ =	shalt  }
0x4f: {  	_ =	shalt  }
0x50: {  	_ =	shalt  }
0x51: {  	_ =	shalt  }
0x52: {  	_ =	shalt  }
0x53: {  	_ =	shalt  }
0x54: {  	_ =	shalt  }
0x55: {  	_ =	shalt  }
0x56: {  	_ =	shalt  }
0x57: {  	_ =	shalt  }
0x58: {  	_ =	shalt  }
0x59: {  	_ =	shalt  }
0x5a: {  	_ =	shalt  }
0x5b: {  	_ =	shalt  }
0x5c: {  	_ =	shalt  }
0x5d: {  	_ =	shalt  }
0x5e: {  	_ =	shalt  }
0x5f: {  	_ =	shalt  }
0x60: {  	_ =	shalt  }
0x61: {  	_ =	shalt  }
0x62: {  	_ =	shalt  }
0x63: {  	_ =	shalt  }
0x64: {  	_ =	shalt  }
0x65: {  	_ =	shalt  }
0x66: {  	_ =	shalt  }
0x67: {  	_ =	shalt  }
0x68: {  	_ =	shalt  }
0x69: {  	_ =	shalt  }
0x6a: {  	_ =	shalt  }
0x6b: {  	_ =	shalt  }
0x6c: {  	_ =	shalt  }
0x6d: {  	_ =	shalt  }
0x6e: {  	_ =	shalt  }
0x6f: {  	_ =	shalt  }
0x70: {  	_ =	shalt  }
0x71: {  	_ =	shalt  }
0x72: {  	_ =	shalt  }
0x73: {  	_ =	shalt  }
0x74: {  	_ =	shalt  }
0x75: {  	_ =	shalt  }
0x76: {  	_ =	shalt  }
0x77: {  	_ =	shalt  }
0x78: {  	_ =	shalt  }
0x79: {  	_ =	shalt  }
0x7a: {  	_ =	shalt  }
0x7b: {  	_ =	shalt  }
0x7c: {  	_ =	shalt  }
0x7d: {  	_ =	shalt  }
0x7e: {  	_ =	shalt  }
0x7f: {  	_ =	shalt  }
0x80: {  	_ =	shalt  }
0x81: {  	_ =	shalt  }
0x82: {  	_ =	shalt  }
0x83: {  	_ =	shalt  }
0x84: {  	_ =	shalt  }
0x85: {  	_ =	shalt  }
0x86: {  	_ =	shalt  }
0x87: {  	_ =	shalt  }
.Lfunc_end0:
.L_simem_size_0:
called_computation.2_lowered:
.L_overlay_start_0:
0x88: {  	s2 =	sld [smem:$0x3FD9]  }
0x89: {  	s3 =	sld [smem:$0x3FFE];
	_ =	sdelay $0x1  }
0x8a: {  	s1 =	srdreg.scid  }
0x8b: {  	s0 =	sand.u32 $0x1, s1  }
0x8c: {  	s17 =	sshll.u32 s0, $0xA;
	s2 =	sadd.s32 s3, s2  }
0x8d: {  	s2 =	sadd.s32 s2, s17  }
0x8e: {  	[smem:$0x3FB2] =	sst s2  }
0x8f: {  	_ = 	snop  }
0x90: {  	s2 =	sld [smem:$0x3FD0];
	(tm) =	ssettm $0x1  }
0x91: {  	s18 =	sld [smem:$0x3FFB];
	_ =	sdelay $0x3  }
0x92: {  	_ =	strace s18  }
0x93: {  	s3 =	sld [smem:$0x3FFC];
	_ =	sdelay $0x3  }
0x94: {  	_ =	strace s3  }
0x95: {  	s3 =	sld [smem:$0x3FFD];
	_ =	sdelay $0x3  }
0x96: {  	_ =	strace s3  }
0x97: {  	_ =	strace $0x8FFFFFFF  }
0x98: {  	s19 =	sld [smem:$0x3FDB];
	_ =	sdelay $0x1  }
0x99: {  	s4 =	simm.s32 $_scs_section_size  }
0x9a: {  	s5 =	simm.s32 $_size__tile_overlayer_lowered;
	s6 =	simm.s32 $_tile_overlayer_lowered  }
0x9b: {  	s22 =	simm.s32 $0x1BFF;
	s21 =	sshll.u32 s6, $0x1;
	s3 =	sadd.s32 s4, s19  }
0x9c: {  	s7 =	simm.s32 $0x0;
	s20 =	sshll.u32 s5, $0x1;
	s5 =	sadd.s32 s21, s3  }
0x9d: {  	[timem:s7], [sflag:s22] =	dma.local [hbm:s5], s20  }
0x9e: {  	_ =	swait.ge [sflag:s22], s20  }
0x9f: {  	s4 =	ssub.s32 $0x0, s20;
	[sflag:s22] =	ssyncset.done $0x0  }
0xa0: {  	[sflag:s22] =	ssyncadd.s32 s4;
	_ =	sdelay $0x1  }
0xa1: {  	s23 =	simm.s32 $0x1B8B  }
0xa2: {  	_ =	swait.ge [sflag:s23], $0x1  }
0xa3: {  	[sflag:s23] =	ssyncset.done $0x0  }
0xa4: {  	s25 =	simm.s32 $0x1B8E;
	s24 =	sld [smem:$0x3FFE];
	[sflag:s23] =	ssyncadd.s32 $0xFFFFFFFF  }
0xa5: {  	s26 =	simm.s32 $execute0_lowered;
	[smem:$0x3FD2] =	sst s25  }
0xa6: {  	s5 =	sshll.u32 s26, $0x1;
	_ =	strace $0x8000004C;
	[dreg:$0x1] =	wrdreg $0xFFFFFFFF  }
0xa7: {  	s28 =	simm.s32 $_size_execute0_lowered;
	s3 =	sadd.s32 s3, s5;
	[dreg:$0x0] =	wrdreg $0x0  }
0xa8: {  	s5 =	sshll.u32 s28, $0x1;
	[dreg:$0x2] =	wrdreg s3  }
0xa9: {  	[dreg:$0x3] =	wrdreg s5  }
0xaa: {  	[dreg:$0x4] =	wrdreg $0xC0  }
0xab: {  	_ =	task [dreg:s7], $0x5FFFF  }
0xac: {  	[dreg:$0x1] =	wrdreg $0xFFFFFFFF  }
0xad: {  	[dreg:$0x0] =	wrdreg $0x60  }
0xae: {  	[dreg:$0x2] =	wrdreg s24  }
0xaf: {  	[dreg:$0x3] =	wrdreg s2  }
0xb0: {  	[dreg:$0x4] =	wrdreg $0x90000  }
0xb1: {  	[dreg:$0x5] =	wrdreg $0x9  }
0xb2: {  	_ =	task.clear_ibuf [dreg:s7], $0x6FFFF;
	_ =	strace $0x9000004C  }
0xb3: {  	s29 =	simm.s32 $0x9;
	_ =	strace $0x8000004E  }
0xb4: {  	_ =	swait.ge [sflag:s29], $0x1  }
0xb5: {  	[sflag:s29] =	ssyncadd.s32 $0xFFFFFFFF  }
0xb6: {  	_ =	strace $0x9000004E  }
0xb7: {  	_ =	sfence  }
0xb8: {  	s30 =	sld [smem:$0x0];
	_ =	sdelay $0x2  }
0xb9: {  	s31 =	sshll.u32 s1, $0xD;
	s1 =	sshrl.u32 s1, $0x2  }
0xba: {  	s3 =	sand.u32 $0x4000, s31;
	s1 =	sadd.s32 s1, s30  }
0xbb: {  	s0 =	sor.u32 s3, s0;
	s1 =	sshll.u32 s1, $0x11  }
0xbc: {  	s0 =	sor.u32 s1, s0  }
0xbd: {  	s0 =	sadd.s32 $0x8F2B, s0  }
0xbe: {  	[sflag:s0] =	ssyncadd.remote.s32 $0x1  }
0xbf: {  	_ =	sfence.sel $0xFFFF  }
0xc0: {  	[dreg:$0x0] =	wrdreg $0xFFFFFFFF;
	(pc) =	sbr.abs _section_cstart, $3  }
0xc1: {  	[dreg:$0x1] =	wrdreg $0xFFFFFFFF  }
0xc2: {  	_ =	task.clear_ibuf [dreg:s7], $0x2FFFF;
	_ =	strace $0x9FFFFFFF  }
0xc3: {  	(tm) =	ssettm $0x7FFFFFFF  }
tec
execute0_lowered:
.L_overlay_start_1:
0x0: {  	(tag) =	ssettag $0x1  }
0x1: {  	s8 =	rddreg [dreg:$0x0]  }
0x2: {  	s1 =	rddreg [dreg:$0x1]  }
0x3: {  	s2 =	rddreg [dreg:$0x2]  }
0x4: {  	s3 =	srdreg.scid;
	s0 =	rddreg [dreg:$0x3];
	s4 =	simm.s32 $0x0  }
0x5: {  	s17 =	simm.s32 $0x2800;
	s20 =	simm.s32 $0x80;
	s9 =	sand.u32 $0x1, s3  }
0x6: {  	s21 =	simm.s32 $0x5000;
	s3 =	stileid.u32;
	s6 =	smul.u32 $0x28000, s9  }
0x7: {  	s22 =	simm.s32 $0x1;
	s23 =	simm.s32 $0x0;
	s7 =	smul.u32 $0x2800, s3  }
0x8: {  	[smem:$0x7FF] =	sst s4;
	s5 =	sadd.s32 $0x131C00, s8;
	s10 =	smul.u32 $0x14000, s3  }
0x9: {  	_ =	strace $0x8000004D;
	s12 =	smul.u32 $0x500000, s9;
	s9 =	ssub.s32 $0x2, s9  }
0xa: {  	s14 =	smul.u32 $0x50000, s3;
	s18 =	sshll.u32 s3, $0x6;
	s30 =	sshrl.u32 s9, $0x1  }
0xb: {  	s18 =	sor.u32 $0x1C02, s18;
	s7 =	sadd.s32 s7, s6;
	s6 =	sadd.s32 $0x109C00, s8  }
0xc: {  	s13 =	sshrl.u32 s10, $0x3;
	s10 =	sadd.s32 s10, s12;
	s16 =	ssub.s32 s9, s30  }
0xd: {  	s31 =	sshrl.u32 s14, $0x2;
	s11 =	sshrl.u32 s7, $0x3;
	s7 =	sadd.s32 $0xE1C00, s8  }
0xe: {  	s13 =	sadd.s32 s13, s8;
	s10 =	sshrl.u32 s10, $0x3;
	s19 =	sadd.s32 s31, s2  }
0xf: {  	s11 =	sadd.s32 s11, s8;
	s15 =	sadd.s32 s10, s8;
	s10 =	sadd.s32 $0xFC00, s13  }
0x10: {  	s8 =	sadd.s32 $0x37C00, s11;
	s9 =	sadd.s32 $0x5400, s11;
	s11 =	sadd.s32 $0x159C00, s15  }
0x11: {  	s19 =	sshrl.u32 s19, $0x3;
	s12 =	sadd.s32 $0x181C00, s15;
	s13 =	sadd.s32 $0x1A9C00, s15  }
0x12: {  	s14 =	sadd.s32 $0x1D1C00, s15;
	s15 =	smax.u32 s16, $0x1;
	s16 =	simm.s32 $0x2  }
.LBB2_1:
0x13: {  	[tilespmem:s4], [sflag:$0x2] =	stream.linear.gather [hbm4b:s8+s4], $0x2780, $0x38;
	[tilespmem:$0x1D000] =	vst v63  }
0x14: {  	_ =	swait.ge [sflag:s16], $0x2780  }
0x15: {  	[sflag:s16] =	ssyncset.done $0x0  }
0x16: {  	[sflag:s16] =	ssyncadd.s32 $0xFFFFD880  }
0x17: {  	[tilespmem:s17], [sflag:$0x2] =	stream.linear.gather [hbm4b:s9+s4], $0x2780, $0x38;
	[tilespmem:$0x1D000] =	vst v63  }
0x18: {  	_ =	swait.ge [sflag:s16], $0x2780  }
0x19: {  	[sflag:s16] =	ssyncset.done $0x0  }
0x1a: {  	[sflag:s16] =	ssyncadd.s32 $0xFFFFD880  }
0x1b: {  	[spmem:s19], [sflag:s18] =	dma.local [hbm:s10], $0x2800  }
0x1c: {  	_ =	swait.ge [sflag:s16], $0x2800  }
0x1d: {  	[sflag:s16] =	ssyncset.done $0x0  }
0x1e: {  	[sflag:s16] =	ssyncadd.s32 $0xFFFFD800  }
0x1f: {  	s24 =	simm.s32 $0x0;
	[bflag:$0x0] =	sbarrier.arrive $0xFFFF  }
0x20: {  	[tilespmem:s21], [sflag:$0x1] =	stream.indirect.gather [hbm4b:s5+s20], $0x80, s24, s20, $0xb8;
	[tilespmem:$0x1D000] =	vst v63  }
0x21: {  	_ =	swait.ge [sflag:s22], $0x4000  }
0x22: {  	[sflag:s22] =	ssyncset.done $0x0  }
0x23: {  	s31 =	simm.s32 $0x2800;
	[sflag:s22] =	ssyncadd.s32 $0xFFFFC000  }
0x24: {  	[spmem:s2] =	stream.indirect.scatter.add.f32 [tilespmem:s21], [sflag:$0x2], $0x80, s31, s20, $0xb8;
	[tilespmem:$0x1D000] =	vst v63  }
0x25: {  	_ =	swait.ge [sflag:s16], $0x4000  }
0x26: {  	s25 =	simm.s32 $0x400;
	s24 =	simm.s32 $0x200;
	[sflag:s16] =	ssyncset.done $0x0  }
.LBB2_2:
0x27: {  	s26 =	sshra.s32 s24, $0x2  }
0x28: {  	[sflag:s16] =	ssyncadd.s32 $0xFFFFC000;
	s24 =	smov.u32 s25;
	s28 =	sadd.s32 $0x200, s25  }
0x29: {  	[tilespmem:s21], [sflag:$0x1] =	stream.indirect.gather [hbm4b:s5+s20], $0x80, s26, s20, $0xb8;
	[tilespmem:$0x1D000] =	vst v63  }
0x2a: {  	p0 =	sne.s32 s25, $0x9C00;
	_ =	swait.ge [sflag:s22], $0x4000  }
.Ltmp0:
0x2b: {  	[sflag:s22] =	ssyncset.done $0x0;
	(pc) =	sbr.rel @p0 .LBB2_2-.Ltmp0, $4  }
0x2c: {  	s25 =	sadd.s32 $0x2800, s26;
	[sflag:s22] =	ssyncadd.s32 $0xFFFFC000  }
0x2d: {  	[spmem:s2] =	stream.indirect.scatter.add.f32 [tilespmem:s21], [sflag:$0x2], $0x80, s25, s20, $0xb8;
	[tilespmem:$0x1D000] =	vst v63  }
0x2e: {  	_ =	swait.ge [sflag:s16], $0x4000  }
0x2f: {  	s25 =	smov.u32 s28;
	[sflag:s16] =	ssyncset.done $0x0  }
0x30: {  	s24 =	sshra.s32 s24, $0x2;
	[sflag:s16] =	ssyncadd.s32 $0xFFFFC000  }
0x31: {  	[tilespmem:s21], [sflag:$0x1] =	stream.indirect.gather [hbm4b:s5+s20], $0x80, s24, s20, $0xb8;
	[tilespmem:$0x1D000] =	vst v63  }
0x32: {  	_ =	swait.ge [sflag:s22], $0x4000  }
0x33: {  	[sflag:s22] =	ssyncset.done $0x0  }
0x34: {  	s24 =	sadd.s32 $0x2800, s24;
	[sflag:s22] =	ssyncadd.s32 $0xFFFFC000  }
0x35: {  	[spmem:s2] =	stream.indirect.scatter.add.f32 [tilespmem:s21], [sflag:$0x2], $0x80, s24, s20, $0xb8;
	[tilespmem:$0x1D000] =	vst v63  }
0x36: {  	_ =	swait.ge [sflag:s16], $0x4000  }
0x37: {  	[sflag:s16] =	ssyncset.done $0x0  }
0x38: {  	[sflag:s16] =	ssyncadd.s32 $0xFFFFC000  }
0x39: {  	[bflag:$0x0] =	sbarrier.arrive $0xFFFF  }
0x3a: {  	[hbm:s11], [sflag:s18] =	dma.local [spmem:s19], $0x2800  }
0x3b: {  	_ =	swait.ge [sflag:s16], $0x2800  }
0x3c: {  	[sflag:s16] =	ssyncset.done $0x0  }
0x3d: {  	[sflag:s16] =	ssyncadd.s32 $0xFFFFD800  }
0x3e: {  	[spmem:s19], [sflag:s18] =	dma.local [hbm:s10], $0x2800  }
0x3f: {  	_ =	swait.ge [sflag:s16], $0x2800  }
0x40: {  	[sflag:s16] =	ssyncset.done $0x0  }
0x41: {  	[sflag:s16] =	ssyncadd.s32 $0xFFFFD800  }
0x42: {  	s30 =	simm.s32 $0x0;
	[bflag:$0x0] =	sbarrier.arrive $0xFFFF  }
0x43: {  	[tilespmem:s21], [sflag:$0x1] =	stream.indirect.gather [hbm4b:s6+s20], $0x80, s30, s20, $0xb8;
	[tilespmem:$0x1D000] =	vst v63  }
0x44: {  	_ =	swait.ge [sflag:s22], $0x4000  }
0x45: {  	[sflag:s22] =	ssyncset.done $0x0  }
0x46: {  	s31 =	simm.s32 $0x2800;
	[sflag:s22] =	ssyncadd.s32 $0xFFFFC000  }
0x47: {  	[spmem:s2] =	stream.indirect.scatter.add.f32 [tilespmem:s21], [sflag:$0x2], $0x80, s31, s20, $0xb8;
	[tilespmem:$0x1D000] =	vst v63  }
0x48: {  	_ =	swait.ge [sflag:s16], $0x4000  }
0x49: {  	s25 =	simm.s32 $0x400;
	s24 =	simm.s32 $0x200;
	[sflag:s16] =	ssyncset.done $0x0  }
.LBB2_4:
0x4a: {  	s26 =	sshra.s32 s24, $0x2  }
0x4b: {  	[sflag:s16] =	ssyncadd.s32 $0xFFFFC000;
	s24 =	smov.u32 s25;
	s28 =	sadd.s32 $0x200, s25  }
0x4c: {  	[tilespmem:s21], [sflag:$0x1] =	stream.indirect.gather [hbm4b:s6+s20], $0x80, s26, s20, $0xb8;
	[tilespmem:$0x1D000] =	vst v63  }
0x4d: {  	p0 =	sne.s32 s25, $0x9C00;
	_ =	swait.ge [sflag:s22], $0x4000  }
.Ltmp1:
0x4e: {  	[sflag:s22] =	ssyncset.done $0x0;
	(pc) =	sbr.rel @p0 .LBB2_4-.Ltmp1, $4  }
0x4f: {  	s25 =	sadd.s32 $0x2800, s26;
	[sflag:s22] =	ssyncadd.s32 $0xFFFFC000  }
0x50: {  	[spmem:s2] =	stream.indirect.scatter.add.f32 [tilespmem:s21], [sflag:$0x2], $0x80, s25, s20, $0xb8;
	[tilespmem:$0x1D000] =	vst v63  }
0x51: {  	_ =	swait.ge [sflag:s16], $0x4000  }
0x52: {  	s25 =	smov.u32 s28;
	[sflag:s16] =	ssyncset.done $0x0  }
0x53: {  	s24 =	sshra.s32 s24, $0x2;
	[sflag:s16] =	ssyncadd.s32 $0xFFFFC000  }
0x54: {  	[tilespmem:s21], [sflag:$0x1] =	stream.indirect.gather [hbm4b:s6+s20], $0x80, s24, s20, $0xb8;
	[tilespmem:$0x1D000] =	vst v63  }
0x55: {  	_ =	swait.ge [sflag:s22], $0x4000  }
0x56: {  	[sflag:s22] =	ssyncset.done $0x0  }
0x57: {  	s24 =	sadd.s32 $0x2800, s24;
	[sflag:s22] =	ssyncadd.s32 $0xFFFFC000  }
0x58: {  	[spmem:s2] =	stream.indirect.scatter.add.f32 [tilespmem:s21], [sflag:$0x2], $0x80, s24, s20, $0xb8;
	[tilespmem:$0x1D000] =	vst v63  }
0x59: {  	_ =	swait.ge [sflag:s16], $0x4000  }
0x5a: {  	[sflag:s16] =	ssyncset.done $0x0  }
0x5b: {  	[sflag:s16] =	ssyncadd.s32 $0xFFFFC000  }
0x5c: {  	[bflag:$0x0] =	sbarrier.arrive $0xFFFF  }
0x5d: {  	[hbm:s12], [sflag:s18] =	dma.local [spmem:s19], $0x2800  }
0x5e: {  	_ =	swait.ge [sflag:s16], $0x2800  }
0x5f: {  	[sflag:s16] =	ssyncset.done $0x0  }
0x60: {  	[sflag:s16] =	ssyncadd.s32 $0xFFFFD800  }
0x61: {  	[spmem:s19], [sflag:s18] =	dma.local [hbm:s10], $0x2800  }
0x62: {  	_ =	swait.ge [sflag:s16], $0x2800  }
0x63: {  	[sflag:s16] =	ssyncset.done $0x0  }
0x64: {  	[sflag:s16] =	ssyncadd.s32 $0xFFFFD800  }
0x65: {  	s30 =	simm.s32 $0x0;
	[bflag:$0x0] =	sbarrier.arrive $0xFFFF  }
0x66: {  	[tilespmem:s21], [sflag:$0x1] =	stream.indirect.gather [hbm4b:s7+s20], $0x80, s30, s20, $0xb8;
	[tilespmem:$0x1D000] =	vst v63  }
0x67: {  	_ =	swait.ge [sflag:s22], $0x4000  }
0x68: {  	[sflag:s22] =	ssyncset.done $0x0  }
0x69: {  	s31 =	simm.s32 $0x2800;
	[sflag:s22] =	ssyncadd.s32 $0xFFFFC000  }
0x6a: {  	[spmem:s2] =	stream.indirect.scatter.add.f32 [tilespmem:s21], [sflag:$0x2], $0x80, s31, s20, $0xb8;
	[tilespmem:$0x1D000] =	vst v63  }
0x6b: {  	_ =	swait.ge [sflag:s16], $0x4000  }
0x6c: {  	s25 =	simm.s32 $0x400;
	s24 =	simm.s32 $0x200;
	[sflag:s16] =	ssyncset.done $0x0  }
.LBB2_6:
0x6d: {  	s26 =	sshra.s32 s24, $0x2  }
0x6e: {  	[sflag:s16] =	ssyncadd.s32 $0xFFFFC000;
	s24 =	smov.u32 s25;
	s28 =	sadd.s32 $0x200, s25  }
0x6f: {  	[tilespmem:s21], [sflag:$0x1] =	stream.indirect.gather [hbm4b:s7+s20], $0x80, s26, s20, $0xb8;
	[tilespmem:$0x1D000] =	vst v63  }
0x70: {  	p0 =	sne.s32 s25, $0x9C00;
	_ =	swait.ge [sflag:s22], $0x4000  }
.Ltmp2:
0x71: {  	[sflag:s22] =	ssyncset.done $0x0;
	(pc) =	sbr.rel @p0 .LBB2_6-.Ltmp2, $4  }
0x72: {  	s25 =	sadd.s32 $0x2800, s26;
	[sflag:s22] =	ssyncadd.s32 $0xFFFFC000  }
0x73: {  	[spmem:s2] =	stream.indirect.scatter.add.f32 [tilespmem:s21], [sflag:$0x2], $0x80, s25, s20, $0xb8;
	[tilespmem:$0x1D000] =	vst v63  }
0x74: {  	_ =	swait.ge [sflag:s16], $0x4000  }
0x75: {  	s25 =	smov.u32 s28;
	[sflag:s16] =	ssyncset.done $0x0  }
0x76: {  	s24 =	sshra.s32 s24, $0x2;
	[sflag:s16] =	ssyncadd.s32 $0xFFFFC000  }
0x77: {  	[tilespmem:s21], [sflag:$0x1] =	stream.indirect.gather [hbm4b:s7+s20], $0x80, s24, s20, $0xb8;
	[tilespmem:$0x1D000] =	vst v63  }
0x78: {  	_ =	swait.ge [sflag:s22], $0x4000  }
0x79: {  	[sflag:s22] =	ssyncset.done $0x0  }
0x7a: {  	s24 =	sadd.s32 $0x2800, s24;
	[sflag:s22] =	ssyncadd.s32 $0xFFFFC000  }
0x7b: {  	[spmem:s2] =	stream.indirect.scatter.add.f32 [tilespmem:s21], [sflag:$0x2], $0x80, s24, s20, $0xb8;
	[tilespmem:$0x1D000] =	vst v63  }
0x7c: {  	_ =	swait.ge [sflag:s16], $0x4000  }
0x7d: {  	[sflag:s16] =	ssyncset.done $0x0  }
0x7e: {  	[sflag:s16] =	ssyncadd.s32 $0xFFFFC000  }
0x7f: {  	[bflag:$0x0] =	sbarrier.arrive $0xFFFF  }
0x80: {  	[hbm:s13], [sflag:s18] =	dma.local [spmem:s19], $0x2800  }
0x81: {  	_ =	swait.ge [sflag:s16], $0x2800  }
0x82: {  	[sflag:s16] =	ssyncset.done $0x0  }
0x83: {  	[sflag:s16] =	ssyncadd.s32 $0xFFFFD800  }
0x84: {  	[spmem:s19], [sflag:s18] =	dma.local [hbm:s10], $0x2800  }
0x85: {  	_ =	swait.ge [sflag:s16], $0x2800  }
0x86: {  	[sflag:s16] =	ssyncset.done $0x0  }
0x87: {  	[sflag:s16] =	ssyncadd.s32 $0xFFFFD800  }
0x88: {  	s30 =	simm.s32 $0x0;
	[bflag:$0x0] =	sbarrier.arrive $0xFFFF  }
0x89: {  	[tilespmem:s21], [sflag:$0x1] =	stream.indirect.gather [hbm4b:s1+s20], $0x80, s30, s20, $0xb8;
	[tilespmem:$0x1D000] =	vst v63  }
0x8a: {  	_ =	swait.ge [sflag:s22], $0x4000  }
0x8b: {  	[sflag:s22] =	ssyncset.done $0x0  }
0x8c: {  	s31 =	simm.s32 $0x2800;
	[sflag:s22] =	ssyncadd.s32 $0xFFFFC000  }
0x8d: {  	[spmem:s2] =	stream.indirect.scatter.add.f32 [tilespmem:s21], [sflag:$0x2], $0x80, s31, s20, $0xb8;
	[tilespmem:$0x1D000] =	vst v63  }
0x8e: {  	_ =	swait.ge [sflag:s16], $0x4000  }
0x8f: {  	s25 =	simm.s32 $0x400;
	s24 =	simm.s32 $0x200;
	[sflag:s16] =	ssyncset.done $0x0  }
.LBB2_8:
0x90: {  	s26 =	sshra.s32 s24, $0x2  }
0x91: {  	[sflag:s16] =	ssyncadd.s32 $0xFFFFC000;
	s24 =	smov.u32 s25;
	s28 =	sadd.s32 $0x200, s25  }
0x92: {  	[tilespmem:s21], [sflag:$0x1] =	stream.indirect.gather [hbm4b:s1+s20], $0x80, s26, s20, $0xb8;
	[tilespmem:$0x1D000] =	vst v63  }
0x93: {  	p0 =	sne.s32 s25, $0x9C00;
	_ =	swait.ge [sflag:s22], $0x4000  }
.Ltmp3:
0x94: {  	[sflag:s22] =	ssyncset.done $0x0;
	(pc) =	sbr.rel @p0 .LBB2_8-.Ltmp3, $4  }
0x95: {  	s25 =	sadd.s32 $0x2800, s26;
	[sflag:s22] =	ssyncadd.s32 $0xFFFFC000  }
0x96: {  	[spmem:s2] =	stream.indirect.scatter.add.f32 [tilespmem:s21], [sflag:$0x2], $0x80, s25, s20, $0xb8;
	[tilespmem:$0x1D000] =	vst v63  }
0x97: {  	_ =	swait.ge [sflag:s16], $0x4000  }
0x98: {  	s25 =	smov.u32 s28;
	[sflag:s16] =	ssyncset.done $0x0  }
0x99: {  	s24 =	sshra.s32 s24, $0x2;
	[sflag:s16] =	ssyncadd.s32 $0xFFFFC000  }
0x9a: {  	[tilespmem:s21], [sflag:$0x1] =	stream.indirect.gather [hbm4b:s1+s20], $0x80, s24, s20, $0xb8;
	[tilespmem:$0x1D000] =	vst v63  }
0x9b: {  	_ =	swait.ge [sflag:s22], $0x4000  }
0x9c: {  	[sflag:s22] =	ssyncset.done $0x0  }
0x9d: {  	s24 =	sadd.s32 $0x2800, s24;
	[sflag:s22] =	ssyncadd.s32 $0xFFFFC000  }
0x9e: {  	[spmem:s2] =	stream.indirect.scatter.add.f32 [tilespmem:s21], [sflag:$0x2], $0x80, s24, s20, $0xb8;
	[tilespmem:$0x1D000] =	vst v63  }
0x9f: {  	_ =	swait.ge [sflag:s16], $0x4000  }
0xa0: {  	s23 =	sadd.s32 $0x1, s23;
	[sflag:s16] =	ssyncset.done $0x0  }
0xa1: {  	p0 =	sne.s32 s23, s15;
	[sflag:s16] =	ssyncadd.s32 $0xFFFFC000  }
.Ltmp4:
0xa2: {  	[bflag:$0x0] =	sbarrier.arrive $0xFFFF;
	(pc) =	sbr.rel @p0 .LBB2_1-.Ltmp4, $4  }
0xa3: {  	[hbm:s14], [sflag:s18] =	dma.local [spmem:s19], $0x2800  }
0xa4: {  	_ =	swait.ge [sflag:s16], $0x2800  }
0xa5: {  	[sflag:s16] =	ssyncset.done $0x0  }
0xa6: {  	[sflag:s16] =	ssyncadd.s32 $0xFFFFD800  }
0xa7: {  	_ =	sfence.sel $0x180000  }
0xa8: {  	[bflag:$0x0] =	sbarrier.arrive $0xFFFF  }
0xa9: {  	p0 =	sne.s32 s3, $0x0;
	_ =	strace $0x9000004D  }
0xaa: {  	s0 =	sadd.s32 @!p0 $0x100000, s0;
	[bflag:$0x2] =	sbarrier.arrive $0xFFFF  }
0xab: {  	[sflag:s0] =	ssyncadd.tile.s32 @!p0 $0x1;
	_ =	shalt  }
.Lfunc_end2:
_tile_overlayer_lowered:
.L_overlay_start_2:
0xac: {  	(tag) =	ssettag $0x2  }
0xad: {  	s0 =	rddreg [dreg:$0x0];
	s2 =	stileid.u32  }
0xae: {  	s1 =	rddreg [dreg:$0x1];
	p0 =	sne.s32 s2, $0x0  }
0xaf: {  	s3 =	rddreg [dreg:$0x2];
	[bflag:$0x3] =	sbarrier.arrive $0xFFFF;
	s2 =	simm.s32 @!p0 $0x1C02  }
0xb0: {  	[timem:s3], [sflag:s2] =	dma.local @!p0 [hbm:s0], s1  }
0xb1: {  	s0 =	simm.s32 @!p0 $0x2  }
0xb2: {  	_ =	swait.ge @!p0 [sflag:s0], s1  }
0xb3: {  	s1 =	ssub.s32 @!p0 $0x0, s1;
	[sflag:s0] =	ssyncset.done @!p0 $0x0  }
0xb4: {  	[sflag:s0] =	ssyncadd.s32 @!p0 s1  }
0xb5: {  	[bflag:$0x3] =	sbarrier.arrive $0xFFFF  }
0xb6: {  	_ =	shalt  }

// kernel: kernel.9.cloned.1.call-start
scs
__scs_entry_jumppad:
0x0: {  	(pc) =	sbr.rel $0x88, $3  }
0x1: {  	(tag) =	ssettag $0x0;
	lr =	simm.s32 $0x1  }
0x2: {  	[smem:$0x3F8B] =	sst lr;
	_ =	strace $0xD0000000  }
0x3: {  	_ = 	snop  }
0x4: {  	_ = 	snop  }
0x5: {  	_ = 	snop  }
0x6: {  	_ = 	snop  }
0x7: {  	_ = 	snop  }
__scs_overlays_trampoline_lowered:
0x8: {  	[smem:$0x3F9A] =	sst s0  }
0x9: {  	[smem:$0x3F9B] =	sst s1  }
0xa: {  	[smem:$0x3F9C] =	sst s2  }
0xb: {  	[smem:$0x3F9D] =	sst s3  }
0xc: {  	[smem:$0x3F9E] =	sst s4  }
0xd: {  	[smem:$0x3F9F] =	sst s5  }
0xe: {  	[smem:$0x3FA0] =	sst s6  }
0xf: {  	[smem:$0x3FA1] =	sst s7  }
0x10: {  	[smem:$0x3FA2] =	sst s8  }
0x11: {  	[smem:$0x3FA3] =	sst s9;
	s0 =	simm.s32 @!p0 $0x0  }
0x12: {  	s1 =	sld [smem:$0x3F89];
	s0 =	simm.s32 @p0 $0x1  }
0x13: {  	[smem:$0x3FA4] =	sst s0;
	s0 =	simm.s32 @!p1 $0x0  }
0x14: {  	s2 =	sld [smem:$0x3F88];
	s0 =	simm.s32 @p1 $0x1  }
0x15: {  	[smem:$0x3FA5] =	sst s0;
	s0 =	simm.s32 @!p2 $0x0  }
0x16: {  	s3 =	sld [smem:$0x3FDB];
	s0 =	simm.s32 @p2 $0x1  }
0x17: {  	s4 =	simm.s32 $0x1BF5;
	[smem:$0x3FA7] =	sst s0  }
0x18: {  	s0 =	sld [smem:$0x3F8A];
	_ =	swait.ge [sflag:s4], $0x0  }
0x19: {  	s7 =	sld [smem:$0x3F8B]  }
0x1a: {  	s8 =	sadd.s32 $0xFFFFE003, lr  }
0x1b: {  	s9 =	sadd.s32 $0xFFFFFEF7, lr;
	s5 =	simm.s32 $0xFFFFFFFF;
	p2 =	slt.u32 s8, $0xFFFFF086  }
0x1c: {  	p1 =	slt.u32 s9, $0xF7A;
	s5 =	simm.s32 @!p2 $0x0  }
0x1d: {  	s5 =	simm.s32 @p1 $0x1;
	p0 =	seq.s32 s7, s2  }
0x1e: {  	s7 =	smul.u32 @!p0 $0xF7A, s2;
	p2 =	seq.s32 @!p0 s5, $0x0  }
0x1f: {  	s9 =	smul.u32 $0xF7A, s1;
	s8 =	simm.s32 @!p0 $0x1BF5;
	p2 =	por !p2, p0  }
0x20: {  	[sflag:s8] =	ssyncset.s32 @!p0 $0xFFFFF086;
	s6 =	sadd.s32 @!p0 s3, s7;
	s7 =	simm.s32 @!p0 $0x108  }
0x21: {  	s3 =	sadd.s32 s3, s9;
	s6 =	sadd.s32 @!p0 $0x88, s6;
	s7 =	simm.s32 @p2 $0x1082  }
0x22: {  	[simem:s7], [sflag:s8] =	dma.local @!p0 [hbm:s6], $0xF7A  }
0x23: {  	s9 =	sor.u32 $0xD0000000, s2;
	s6 =	simm.s32 $0x108;
	_ =	swait.ge @!p0 [sflag:s8], $0x0  }
0x24: {  	s3 =	sadd.s32 $0x88, s3;
	s6 =	simm.s32 @!p1 $0x1082;
	[sflag:s4] =	ssyncset.s32 $0xFFFFF086  }
0x25: {  	[simem:s6], [sflag:s4] =	dma.local [hbm:s3], $0xF7A  }
0x26: {  	[smem:$0x3F8B] =	sst s1;
	(tag) =	ssettag s2;
	_ =	strace s9  }
0x27: {  	s1 =	sld [smem:$0x3F9B]  }
0x28: {  	s2 =	sld [smem:$0x3F9C]  }
0x29: {  	s4 =	sld [smem:$0x3F9E]  }
0x2a: {  	p0 =	seq.s32 s5, $0x0;
	s5 =	sld [smem:$0x3F9F]  }
0x2b: {  	s6 =	sld [smem:$0x3FA0]  }
0x2c: {  	s7 =	sld [smem:$0x3FA1]  }
0x2d: {  	s3 =	simm.s32 $0x108;
	s8 =	sld [smem:$0x3FA2]  }
0x2e: {  	s3 =	simm.s32 @!p0 $0x1082;
	s9 =	sld [smem:$0x3FA3]  }
0x2f: {  	lr =	sadd.s32 s0, s3;
	s0 =	sld [smem:$0x3F9A]  }
0x30: {  	s3 =	sld [smem:$0x3F9D]  }
0x31: {  	[smem:$0x3FA6] =	sst s10  }
0x32: {  	s10 =	sld [smem:$0x3FA4];
	_ =	sdelay $0x3  }
0x33: {  	p0 =	seq.s32 s10, $0x1;
	s10 =	sld [smem:$0x3FA6];
	_ =	sdelay $0x3  }
0x34: {  	[smem:$0x3FA6] =	sst s10  }
0x35: {  	s10 =	sld [smem:$0x3FA5];
	_ =	sdelay $0x3  }
0x36: {  	p1 =	seq.s32 s10, $0x1;
	s10 =	sld [smem:$0x3FA6];
	_ =	sdelay $0x3  }
0x37: {  	[smem:$0x3FA6] =	sst s10  }
0x38: {  	s10 =	sld [smem:$0x3FA7]  }
0x39: {  	_ = 	snop;
	(pc) =	sbr.ind lr, $3  }
0x3a: {  	_ = 	snop  }
0x3b: {  	_ = 	snop  }
0x3c: {  	p2 =	seq.s32 s10, $0x1;
	s10 =	sld [smem:$0x3FA6]  }
0x3d: {  	_ =	shalt  }
0x3e: {  	_ =	shalt  }
0x3f: {  	_ =	shalt  }
0x40: {  	_ =	shalt  }
0x41: {  	_ =	shalt  }
0x42: {  	_ =	shalt  }
0x43: {  	_ =	shalt  }
0x44: {  	_ =	shalt  }
0x45: {  	_ =	shalt  }
0x46: {  	_ =	shalt  }
0x47: {  	_ =	shalt  }
0x48: {  	_ =	shalt  }
0x49: {  	_ =	shalt  }
0x4a: {  	_ =	shalt  }
0x4b: {  	_ =	shalt  }
0x4c: {  	_ =	shalt  }
0x4d: {  	_ =	shalt  }
0x4e: {  	_ =	shalt  }
0x4f: {  	_ =	shalt  }
0x50: {  	_ =	shalt  }
0x51: {  	_ =	shalt  }
0x52: {  	_ =	shalt  }
0x53: {  	_ =	shalt  }
0x54: {  	_ =	shalt  }
0x55: {  	_ =	shalt  }
0x56: {  	_ =	shalt  }
0x57: {  	_ =	shalt  }
0x58: {  	_ =	shalt  }
0x59: {  	_ =	shalt  }
0x5a: {  	_ =	shalt  }
0x5b: {  	_ =	shalt  }
0x5c: {  	_ =	shalt  }
0x5d: {  	_ =	shalt  }
0x5e: {  	_ =	shalt  }
0x5f: {  	_ =	shalt  }
0x60: {  	_ =	shalt  }
0x61: {  	_ =	shalt  }
0x62: {  	_ =	shalt  }
0x63: {  	_ =	shalt  }
0x64: {  	_ =	shalt  }
0x65: {  	_ =	shalt  }
0x66: {  	_ =	shalt  }
0x67: {  	_ =	shalt  }
0x68: {  	_ =	shalt  }
0x69: {  	_ =	shalt  }
0x6a: {  	_ =	shalt  }
0x6b: {  	_ =	shalt  }
0x6c: {  	_ =	shalt  }
0x6d: {  	_ =	shalt  }
0x6e: {  	_ =	shalt  }
0x6f: {  	_ =	shalt  }
0x70: {  	_ =	shalt  }
0x71: {  	_ =	shalt  }
0x72: {  	_ =	shalt  }
0x73: {  	_ =	shalt  }
0x74: {  	_ =	shalt  }
0x75: {  	_ =	shalt  }
0x76: {  	_ =	shalt  }
0x77: {  	_ =	shalt  }
0x78: {  	_ =	shalt  }
0x79: {  	_ =	shalt  }
0x7a: {  	_ =	shalt  }
0x7b: {  	_ =	shalt  }
0x7c: {  	_ =	shalt  }
0x7d: {  	_ =	shalt  }
0x7e: {  	_ =	shalt  }
0x7f: {  	_ =	shalt  }
0x80: {  	_ =	shalt  }
0x81: {  	_ =	shalt  }
0x82: {  	_ =	shalt  }
0x83: {  	_ =	shalt  }
0x84: {  	_ =	shalt  }
0x85: {  	_ =	shalt  }
0x86: {  	_ =	shalt  }
0x87: {  	_ =	shalt  }
.Lfunc_end0:
.L_simem_size_0:
called_computation_lowered:
.L_overlay_start_0:
0x88: {  	s2 =	sld [smem:$0x3FD9]  }
0x89: {  	s3 =	sld [smem:$0x3FFE];
	_ =	sdelay $0x1  }
0x8a: {  	s1 =	srdreg.scid  }
0x8b: {  	s0 =	sand.u32 $0x1, s1  }
0x8c: {  	s17 =	sshll.u32 s0, $0xA;
	s2 =	sadd.s32 s3, s2  }
0x8d: {  	s2 =	sadd.s32 s2, s17  }
0x8e: {  	[smem:$0x3FB2] =	sst s2  }
0x8f: {  	_ = 	snop  }
0x90: {  	s2 =	sld [smem:$0x3FD0];
	(tm) =	ssettm $0x1  }
0x91: {  	s18 =	sld [smem:$0x3FFB];
	_ =	sdelay $0x3  }
0x92: {  	_ =	strace s18  }
0x93: {  	s3 =	sld [smem:$0x3FFC];
	_ =	sdelay $0x3  }
0x94: {  	_ =	strace s3  }
0x95: {  	s3 =	sld [smem:$0x3FFD];
	_ =	sdelay $0x3  }
0x96: {  	_ =	strace s3  }
0x97: {  	_ =	strace $0x8FFFFFFF  }
0x98: {  	s19 =	sld [smem:$0x3FDB];
	_ =	sdelay $0x1  }
0x99: {  	s4 =	simm.s32 $_scs_section_size  }
0x9a: {  	s5 =	simm.s32 $_size__tile_overlayer_lowered;
	s6 =	simm.s32 $_tile_overlayer_lowered  }
0x9b: {  	s22 =	simm.s32 $0x1BFF;
	s21 =	sshll.u32 s6, $0x1;
	s3 =	sadd.s32 s4, s19  }
0x9c: {  	s7 =	simm.s32 $0x0;
	s20 =	sshll.u32 s5, $0x1;
	s5 =	sadd.s32 s21, s3  }
0x9d: {  	[timem:s7], [sflag:s22] =	dma.local [hbm:s5], s20  }
0x9e: {  	_ =	swait.ge [sflag:s22], s20  }
0x9f: {  	s4 =	ssub.s32 $0x0, s20;
	[sflag:s22] =	ssyncset.done $0x0  }
0xa0: {  	[sflag:s22] =	ssyncadd.s32 s4;
	_ =	sdelay $0x1  }
0xa1: {  	s23 =	simm.s32 $0x1B8B  }
0xa2: {  	_ =	swait.ge [sflag:s23], $0x1  }
0xa3: {  	[sflag:s23] =	ssyncset.done $0x0  }
0xa4: {  	s25 =	simm.s32 $0x1B8E;
	s24 =	sld [smem:$0x3FFE];
	[sflag:s23] =	ssyncadd.s32 $0xFFFFFFFF  }
0xa5: {  	s26 =	simm.s32 $execute0_lowered;
	[smem:$0x3FD2] =	sst s25  }
0xa6: {  	s5 =	sshll.u32 s26, $0x1;
	_ =	strace $0x80000046;
	[dreg:$0x1] =	wrdreg $0xFFFFFFFF  }
0xa7: {  	s28 =	simm.s32 $_size_execute0_lowered;
	s3 =	sadd.s32 s3, s5;
	[dreg:$0x0] =	wrdreg $0x0  }
0xa8: {  	s5 =	sshll.u32 s28, $0x1;
	[dreg:$0x2] =	wrdreg s3  }
0xa9: {  	[dreg:$0x3] =	wrdreg s5  }
0xaa: {  	[dreg:$0x4] =	wrdreg $0xC0  }
0xab: {  	_ =	task [dreg:s7], $0x5FFFF  }
0xac: {  	[dreg:$0x1] =	wrdreg $0xFFFFFFFF  }
0xad: {  	[dreg:$0x0] =	wrdreg $0x60  }
0xae: {  	[dreg:$0x2] =	wrdreg s24  }
0xaf: {  	[dreg:$0x3] =	wrdreg s2  }
0xb0: {  	[dreg:$0x4] =	wrdreg $0x68000  }
0xb1: {  	[dreg:$0x5] =	wrdreg $0x9  }
0xb2: {  	_ =	task.clear_ibuf [dreg:s7], $0x6FFFF;
	_ =	strace $0x90000046  }
0xb3: {  	s29 =	simm.s32 $0x9;
	_ =	strace $0x80000048  }
0xb4: {  	_ =	swait.ge [sflag:s29], $0x1  }
0xb5: {  	[sflag:s29] =	ssyncadd.s32 $0xFFFFFFFF  }
0xb6: {  	_ =	strace $0x90000048  }
0xb7: {  	_ =	sfence  }
0xb8: {  	s30 =	sld [smem:$0x0];
	_ =	sdelay $0x2  }
0xb9: {  	s31 =	sshll.u32 s1, $0xD;
	s1 =	sshrl.u32 s1, $0x2  }
0xba: {  	s3 =	sand.u32 $0x4000, s31;
	s1 =	sadd.s32 s1, s30  }
0xbb: {  	s0 =	sor.u32 s3, s0;
	s1 =	sshll.u32 s1, $0x11  }
0xbc: {  	s0 =	sor.u32 s1, s0  }
0xbd: {  	s0 =	sadd.s32 $0x8F2B, s0  }
0xbe: {  	[sflag:s0] =	ssyncadd.remote.s32 $0x1  }
0xbf: {  	_ =	sfence.sel $0xFFFF  }
0xc0: {  	[dreg:$0x0] =	wrdreg $0xFFFFFFFF;
	(pc) =	sbr.abs _section_cstart, $3  }
0xc1: {  	[dreg:$0x1] =	wrdreg $0xFFFFFFFF  }
0xc2: {  	_ =	task.clear_ibuf [dreg:s7], $0x2FFFF;
	_ =	strace $0x9FFFFFFF  }
0xc3: {  	(tm) =	ssettm $0x7FFFFFFF  }
tec
execute0_lowered:
.L_overlay_start_1:
0x0: {  	(tag) =	ssettag $0x1  }
0x1: {  	s5 =	rddreg [dreg:$0x0]  }
0x2: {  	s0 =	srdreg.scid;
	s7 =	rddreg [dreg:$0x1]  }
0x3: {  	s2 =	rddreg [dreg:$0x2];
	s4 =	sand.u32 $0x1, s0  }
0x4: {  	s0 =	stileid.u32;
	s6 =	smul.u32 $0x28000, s4  }
0x5: {  	s1 =	rddreg [dreg:$0x3];
	s3 =	simm.s32 $0x0;
	s8 =	smul.u32 $0x2800, s0  }
0x6: {  	[smem:$0x7FF] =	sst s3;
	s28 =	smul.u32 $0x14000, s0  }
0x7: {  	s14 =	simm.s32 $0x0;
	_ =	strace $0x80000047;
	s10 =	smul.u32 $0x50000, s0  }
0x8: {  	s9 =	ssub.s32 $0x2, s4;
	s13 =	smul.u32 $0x140000, s4;
	s4 =	sadd.s32 $0xF400, s5  }
0x9: {  	s31 =	sshll.u32 s0, $0x6;
	s12 =	sshrl.u32 s9, $0x1;
	s6 =	sadd.s32 s8, s6  }
0xa: {  	s11 =	sshrl.u32 s28, $0x3;
	s9 =	ssub.s32 s9, s12;
	s29 =	sshrl.u32 s10, $0x2  }
0xb: {  	s8 =	sadd.s32 s28, s13;
	s10 =	simm.s32 $0x2800;
	s13 =	simm.s32 $0x80  }
0xc: {  	s6 =	sshrl.u32 s6, $0x3;
	s11 =	sadd.s32 s11, s5;
	s8 =	sshrl.u32 s8, $0x3  }
0xd: {  	s30 =	sadd.s32 s29, s2;
	s6 =	sadd.s32 s6, s5;
	s7 =	sadd.s32 s7, s8  }
0xe: {  	s8 =	smax.u32 s9, $0x1;
	s9 =	simm.s32 $0x1;
	s12 =	sshrl.u32 s30, $0x3  }
0xf: {  	s5 =	sadd.s32 $0x5400, s6;
	s6 =	sadd.s32 $0xFC00, s11;
	s11 =	sor.u32 $0x1C01, s31  }
.LBB2_1:
0x10: {  	[tilespmem:s3], [sflag:$0x1] =	stream.linear.gather [hbm4b:s5+s3], $0x2780, $0x38;
	[tilespmem:$0x1A800] =	vst v63  }
0x11: {  	_ =	swait.ge [sflag:s9], $0x2780  }
0x12: {  	[sflag:s9] =	ssyncset.done $0x0  }
0x13: {  	[sflag:s9] =	ssyncadd.s32 $0xFFFFD880  }
0x14: {  	[tilespmem:s10], [sflag:$0x1] =	stream.linear.gather [hbm4b:s4+s3], $0x4000, $0x38;
	[tilespmem:$0x1A800] =	vst v63  }
0x15: {  	_ =	swait.ge [sflag:s9], $0x4000  }
0x16: {  	[sflag:s9] =	ssyncset.done $0x0  }
0x17: {  	[sflag:s9] =	ssyncadd.s32 $0xFFFFC000  }
0x18: {  	[spmem:s12], [sflag:s11] =	dma.local [hbm:s6], $0x2800  }
0x19: {  	_ =	swait.ge [sflag:s9], $0x2800  }
0x1a: {  	[sflag:s9] =	ssyncset.done $0x0  }
0x1b: {  	[sflag:s9] =	ssyncadd.s32 $0xFFFFD800  }
0x1c: {  	s15 =	simm.s32 $0x0;
	[bflag:$0x0] =	sbarrier.arrive $0xFFFF  }
0x1d: {  	[spmem:s2] =	stream.indirect.scatter.add.f32 [tilespmem:s10], [sflag:$0x1], $0x80, s15, s13, $0xb8;
	[tilespmem:$0x1A800] =	vst v63  }
0x1e: {  	_ =	swait.ge [sflag:s9], $0x4000  }
0x1f: {  	s15 =	simm.s32 $0x200;
	[sflag:s9] =	ssyncset.done $0x0  }
.LBB2_2:
0x20: {  	s16 =	sshra.s32 s15, $0x2;
	[sflag:s9] =	ssyncadd.s32 $0xFFFFC000;
	p0 =	sne.s32 s15, $0x9C00  }
0x21: {  	[spmem:s2] =	stream.indirect.scatter.add.f32 [tilespmem:s10], [sflag:$0x1], $0x80, s16, s13, $0xb8;
	[tilespmem:$0x1A800] =	vst v63  }
.Ltmp0:
0x22: {  	_ = 	snop;
	(pc) =	sbr.rel @p0 .LBB2_2-.Ltmp0, $4  }
0x23: {  	_ = 	snop  }
0x24: {  	s15 =	sadd.s32 $0x200, s15  }
0x25: {  	_ =	swait.ge [sflag:s9], $0x4000  }
0x26: {  	[sflag:s9] =	ssyncset.done $0x0  }
0x27: {  	s14 =	sadd.s32 $0x1, s14  }
0x28: {  	[sflag:s9] =	ssyncadd.s32 $0xFFFFC000;
	p0 =	sne.s32 s14, s8  }
.Ltmp1:
0x29: {  	[bflag:$0x0] =	sbarrier.arrive $0xFFFF;
	(pc) =	sbr.rel @p0 .LBB2_1-.Ltmp1, $4  }
0x2a: {  	[hbm:s7], [sflag:s11] =	dma.local [spmem:s12], $0x2800  }
0x2b: {  	_ =	swait.ge [sflag:s9], $0x2800  }
0x2c: {  	[sflag:s9] =	ssyncset.done $0x0  }
0x2d: {  	[sflag:s9] =	ssyncadd.s32 $0xFFFFD800  }
0x2e: {  	_ =	sfence.sel $0x180000  }
0x2f: {  	[bflag:$0x0] =	sbarrier.arrive $0xFFFF  }
0x30: {  	p0 =	sne.s32 s0, $0x0;
	_ =	strace $0x90000047  }
0x31: {  	s0 =	sadd.s32 @!p0 $0x100000, s1;
	[bflag:$0x2] =	sbarrier.arrive $0xFFFF  }
0x32: {  	[sflag:s0] =	ssyncadd.tile.s32 @!p0 $0x1;
	_ =	shalt  }
.Lfunc_end2:
_tile_overlayer_lowered:
.L_overlay_start_2:
0x33: {  	(tag) =	ssettag $0x2  }
0x34: {  	s0 =	rddreg [dreg:$0x0];
	s2 =	stileid.u32  }
0x35: {  	s1 =	rddreg [dreg:$0x1];
	p0 =	sne.s32 s2, $0x0  }
0x36: {  	s3 =	rddreg [dreg:$0x2];
	[bflag:$0x3] =	sbarrier.arrive $0xFFFF;
	s2 =	simm.s32 @!p0 $0x1C01  }
0x37: {  	[timem:s3], [sflag:s2] =	dma.local @!p0 [hbm:s0], s1  }
0x38: {  	s0 =	simm.s32 @!p0 $0x1  }
0x39: {  	_ =	swait.ge @!p0 [sflag:s0], s1  }
0x3a: {  	s1 =	ssub.s32 @!p0 $0x0, s1;
	[sflag:s0] =	ssyncset.done @!p0 $0x0  }
0x3b: {  	[sflag:s0] =	ssyncadd.s32 @!p0 s1  }
0x3c: {  	[bflag:$0x3] =	sbarrier.arrive $0xFFFF  }
0x3d: {  	_ =	shalt  }

</sc_bundles>
